<compile_context>
chip_gen: v7x
topology: tpu7x:2x2x1
jax: 0.10.2.dev20260603
libtpu: 0.0.44.dev20260713+nightly
codegen_flags: <defaults>
</compile_context>

<pallas_src>
import jax
import jax.numpy as jnp
from jax import lax
from jax.experimental import pallas as pl
from jax.experimental.pallas import tpu as pltpu
from jax.experimental.pallas import tpu_sc as plsc

_EMB = 64
_SCALE = 8.0

_B = 4096
_L = 200
_N = _B * _L
_NW = 32
_NBH = _B // 128
_UPW = (_L * _NBH) // _NW


def _sc_embed(tok_hbm, table_hbm, out_hbm,
              idx_all, idx2, rows0, rows1, rows2, ob0, ob1, ob2, gsem, osem):
    wid = lax.axis_index("s") * 2 + lax.axis_index("c")
    u0 = wid * _UPW

    pltpu.sync_copy(tok_hbm.at[pl.ds(u0, _UPW)], idx_all)

    rows = (rows0, rows1, rows2)
    obs = (ob0, ob1, ob2)
    iota16 = lax.iota(jnp.int32, 16)
    rot = [lax.rem(iota16 + d, 16) for d in range(16)]

    def start_gather(c, b):
        for k in range(8):
            sl = pl.ds(16 * k, 16)
            idx2[b, sl] = idx_all[c, sl] * 2
        pltpu.async_copy(
            table_hbm.at[idx2.at[b]], rows[b], gsem.at[b]
        )

    def drain_gather(b):
        pltpu.make_async_copy(
            table_hbm.at[pl.ds(0, 128)], rows[b], gsem.at[b]
        ).wait()

    def drain_out(b):
        pltpu.make_async_copy(
            rows[b], table_hbm.at[pl.ds(0, 128)], osem.at[b]
        ).wait()

    def transpose_scale(b):
        rv = rows[b]
        ob = obs[b]

        def blkbody(u2, carry, ob=ob):
            tb = lax.shift_right_logical(u2, 2)
            eb = lax.bitwise_and(u2, 3)
            t0 = tb * 16
            e0 = eb * 16
            row_ids = iota16 + t0
            e_ids = [rot[d] + e0 for d in range(16)]
            vals = [plsc.load_gather(rv, [row_ids, e]) for e in e_ids]
            for d in range(16):
                plsc.store_scatter(ob, [e_ids[d], row_ids], vals[d] * _SCALE)
            return carry

        lax.fori_loop(0, 32, blkbody, 0)

    def start_out(c, b):
        u = u0 + c
        l = u // _NBH
        g = lax.rem(u, _NBH)
        for ehi in range(8):
            pltpu.async_copy(
                obs[b].at[pl.ds(8 * ehi, 8)],
                out_hbm.at[l, ehi, g],
                osem.at[b],
            )

    start_gather(0, 0)
    start_gather(1, 1)

    def step(k, carry):
        for b in range(3):
            c = k * 3 + b

            @pl.when(c < _UPW)
            def _unit():
                drain_gather(b)

                @pl.when(c + 2 < _UPW)
                def _prefetch():
                    start_gather(c + 2, (b + 2) % 3)

                @pl.when(c >= 3)
                def _free_ob():
                    drain_out(b)

                transpose_scale(b)
                start_out(c, b)
        return carry

    lax.fori_loop(0, (_UPW + 2) // 3, step, 0)
    drain_out(1)
    drain_out(2)
    drain_out(0)


def kernel(tokens, table):
    tok2d = tokens.astype(jnp.int32).T.reshape(_L * _NBH, 128)
    table128 = jnp.pad(table, ((0, 0), (0, 128 - _EMB))).reshape(-1, _EMB)
    mesh = plsc.VectorSubcoreMesh(core_axis_name="c", subcore_axis_name="s")
    out5 = pl.kernel(
        _sc_embed,
        out_type=jax.ShapeDtypeStruct((_L, 8, _NBH, 8, 128), jnp.float32),
        mesh=mesh,
        scratch_types=[
            pltpu.VMEM((_UPW, 128), jnp.int32),
            pltpu.VMEM((3, 128), jnp.int32),
            pltpu.VMEM((128, _EMB), jnp.float32),
            pltpu.VMEM((128, _EMB), jnp.float32),
            pltpu.VMEM((128, _EMB), jnp.float32),
            pltpu.VMEM((_EMB, 128), jnp.float32),
            pltpu.VMEM((_EMB, 128), jnp.float32),
            pltpu.VMEM((_EMB, 128), jnp.float32),
            pltpu.SemaphoreType.DMA((3,)),
            pltpu.SemaphoreType.DMA((3,)),
        ],
        compiler_params=pltpu.CompilerParams(
            use_tc_tiling_on_sc=False, needs_layout_passes=False
        ),
    )(tok2d, table128)
    return out5.transpose((2, 4, 0, 1, 3)).reshape(_B, _L, _EMB)

# --- scband reference (transcript-rebuilt; emitter-appended) ---
"""Pipeline reference for scband-token-embedding-1632087572640 (READ-ONLY COPY).

The authoritative reference and input builder live on the scoring server;
editing this copy changes nothing except your own understanding.
"""

import math
import jax, jax.numpy as jnp
import numpy as np

VOCAB = 1000000
EMB = 64
B = 4096
L = 200

def setup_inputs(seed: int = 0) -> dict:
    key = jax.random.key(seed)
    k_tok, k_tab = jax.random.split(key)
    tokens = jax.random.randint(k_tok, (B, L), 0, VOCAB, dtype=jnp.int64 if jax.config.jax_enable_x64 else jnp.int32)
    table = jax.random.normal(k_tab, (VOCAB, EMB), dtype=jnp.float32)
    return {"tokens": tokens, "table": table}

def reference(tokens, table):
    # TokenEmbedding.forward: embedding(tokens.long()) * sqrt(emb_size)
    emb = jnp.take(table, tokens, axis=0)
    return emb * math.sqrt(EMB)

if __name__ == "__main__":
    import jax
    _d = setup_inputs()
    print(jax.jit(kernel)(*tuple(_d.values())))

</pallas_src>

<mosaic_0001>
#map = affine_map<(d0, d1) -> (0, 0)>
#map1 = affine_map<(d0, d1) -> (0, 0, 0, 0, 0)>
module attributes {stable_mosaic.version = 14 : i64} {
  func.func @_sc_embed(%arg0: i32, %arg1: i32, %arg2: memref<6400x128xi32, #tpu.memory_space<hbm>>, %arg3: memref<2000000x64xf32, #tpu.memory_space<hbm>>, %arg4: memref<200x8x32x8x128xf32, #tpu.memory_space<hbm>>, %arg5: memref<200x128xi32, #tpu.memory_space<vmem>>, %arg6: memref<3x128xi32, #tpu.memory_space<vmem>>, %arg7: memref<128x64xf32, #tpu.memory_space<vmem>>, %arg8: memref<128x64xf32, #tpu.memory_space<vmem>>, %arg9: memref<128x64xf32, #tpu.memory_space<vmem>>, %arg10: memref<64x128xf32, #tpu.memory_space<vmem>>, %arg11: memref<64x128xf32, #tpu.memory_space<vmem>>, %arg12: memref<64x128xf32, #tpu.memory_space<vmem>>, %arg13: memref<3x!tpu.dma_semaphore, #tpu.memory_space<semaphore_mem>>, %arg14: memref<3x!tpu.dma_semaphore, #tpu.memory_space<semaphore_mem>>) attributes {dimension_semantics = [#tpu.dimension_semantics<core_parallel>, #tpu.dimension_semantics<subcore_parallel>], iteration_bounds = array<i64: 2, 16>, scalar_prefetch = 0 : i64, scratch_operands = 10 : i64, tpu.core_type = #tpu.core_type<sc_vector_subcore>, window_params = [{transform_indices = #map}, {transform_indices = #map}, {transform_indices = #map1}]} {
    %mul3A = arith.constant 2 : i32
    %mul3A_0 = arith.muli %arg1, %mul3A : i32
    %add3A = arith.addi %mul3A_0, %arg0 : i32
    %mul3A_1 = arith.constant 200 : i32
    %mul3A_2 = arith.muli %add3A, %mul3A_1 : i32
    "tpu.region"() ({
      %run_scoped3A = tpu.sem_alloc : memref<!tpu.dma_semaphore, #tpu.memory_space<semaphore_mem>>
      %dma_start3A_322 = arith.constant 0 : i32
      %dma_start3A_323 = tpu.memref_slice %arg2[%mul3A_2, %dma_start3A_322] : memref<6400x128xi32, #tpu.memory_space<hbm>> -> memref<200x128xi32, #tpu.memory_space<hbm>>
      %dma_start3A_324 = arith.constant 0 : i32
      %dma_start3A_325 = tpu.memref_slice %arg2[%mul3A_2, %dma_start3A_324] : memref<6400x128xi32, #tpu.memory_space<hbm>> -> memref<200x128xi32, #tpu.memory_space<hbm>>
      tpu.enqueue_dma source(%dma_start3A_325 : memref<200x128xi32, #tpu.memory_space<hbm>>) target(%arg5 : memref<200x128xi32, #tpu.memory_space<vmem>>) target_semaphore(%run_scoped3A : memref<!tpu.dma_semaphore, #tpu.memory_space<semaphore_mem>>)
      %dma_wait3A_326 = arith.constant 0 : i32
      %dma_wait3A_327 = tpu.memref_slice %arg2[%mul3A_2, %dma_wait3A_326] : memref<6400x128xi32, #tpu.memory_space<hbm>> -> memref<200x128xi32, #tpu.memory_space<hbm>>
      %dma_wait3A_328 = arith.constant 0 : i32
      %dma_wait3A_329 = tpu.memref_slice %arg2[%mul3A_2, %dma_wait3A_328] : memref<6400x128xi32, #tpu.memory_space<hbm>> -> memref<200x128xi32, #tpu.memory_space<hbm>>
      tpu.wait_dma2 semaphore(%run_scoped3A : memref<!tpu.dma_semaphore, #tpu.memory_space<semaphore_mem>>) src(%dma_wait3A_329 : memref<200x128xi32, #tpu.memory_space<hbm>>) dst(%arg5 : memref<200x128xi32, #tpu.memory_space<vmem>>)
      tpu.yield
    }) : () -> ()
    %iota3A = tpu.iota {dimensions = array<i32: 0>} : vector<16xi32>
    %add3A_3 = arith.constant 0 : i32
    %add3A_4 = vector.broadcast %add3A_3 : i32 to vector<16xi32>
    %add3A_5 = arith.addi %iota3A, %add3A_4 : vector<16xi32>
    %rem3A = arith.constant 16 : i32
    %rem3A_6 = vector.broadcast %rem3A : i32 to vector<16xi32>
    %rem3A_7 = arith.remsi %add3A_5, %rem3A_6 : vector<16xi32>
    %add3A_8 = arith.constant 1 : i32
    %add3A_9 = vector.broadcast %add3A_8 : i32 to vector<16xi32>
    %add3A_10 = arith.addi %iota3A, %add3A_9 : vector<16xi32>
    %rem3A_11 = arith.constant 16 : i32
    %rem3A_12 = vector.broadcast %rem3A_11 : i32 to vector<16xi32>
    %rem3A_13 = arith.remsi %add3A_10, %rem3A_12 : vector<16xi32>
    %add3A_14 = arith.constant 2 : i32
    %add3A_15 = vector.broadcast %add3A_14 : i32 to vector<16xi32>
    %add3A_16 = arith.addi %iota3A, %add3A_15 : vector<16xi32>
    %rem3A_17 = arith.constant 16 : i32
    %rem3A_18 = vector.broadcast %rem3A_17 : i32 to vector<16xi32>
    %rem3A_19 = arith.remsi %add3A_16, %rem3A_18 : vector<16xi32>
    %add3A_20 = arith.constant 3 : i32
    %add3A_21 = vector.broadcast %add3A_20 : i32 to vector<16xi32>
    %add3A_22 = arith.addi %iota3A, %add3A_21 : vector<16xi32>
    %rem3A_23 = arith.constant 16 : i32
    %rem3A_24 = vector.broadcast %rem3A_23 : i32 to vector<16xi32>
    %rem3A_25 = arith.remsi %add3A_22, %rem3A_24 : vector<16xi32>
    %add3A_26 = arith.constant 4 : i32
    %add3A_27 = vector.broadcast %add3A_26 : i32 to vector<16xi32>
    %add3A_28 = arith.addi %iota3A, %add3A_27 : vector<16xi32>
    %rem3A_29 = arith.constant 16 : i32
    %rem3A_30 = vector.broadcast %rem3A_29 : i32 to vector<16xi32>
    %rem3A_31 = arith.remsi %add3A_28, %rem3A_30 : vector<16xi32>
    %add3A_32 = arith.constant 5 : i32
    %add3A_33 = vector.broadcast %add3A_32 : i32 to vector<16xi32>
    %add3A_34 = arith.addi %iota3A, %add3A_33 : vector<16xi32>
    %rem3A_35 = arith.constant 16 : i32
    %rem3A_36 = vector.broadcast %rem3A_35 : i32 to vector<16xi32>
    %rem3A_37 = arith.remsi %add3A_34, %rem3A_36 : vector<16xi32>
    %add3A_38 = arith.constant 6 : i32
    %add3A_39 = vector.broadcast %add3A_38 : i32 to vector<16xi32>
    %add3A_40 = arith.addi %iota3A, %add3A_39 : vector<16xi32>
    %rem3A_41 = arith.constant 16 : i32
    %rem3A_42 = vector.broadcast %rem3A_41 : i32 to vector<16xi32>
    %rem3A_43 = arith.remsi %add3A_40, %rem3A_42 : vector<16xi32>
    %add3A_44 = arith.constant 7 : i32
    %add3A_45 = vector.broadcast %add3A_44 : i32 to vector<16xi32>
    %add3A_46 = arith.addi %iota3A, %add3A_45 : vector<16xi32>
    %rem3A_47 = arith.constant 16 : i32
    %rem3A_48 = vector.broadcast %rem3A_47 : i32 to vector<16xi32>
    %rem3A_49 = arith.remsi %add3A_46, %rem3A_48 : vector<16xi32>
    %add3A_50 = arith.constant 8 : i32
    %add3A_51 = vector.broadcast %add3A_50 : i32 to vector<16xi32>
    %add3A_52 = arith.addi %iota3A, %add3A_51 : vector<16xi32>
    %rem3A_53 = arith.constant 16 : i32
    %rem3A_54 = vector.broadcast %rem3A_53 : i32 to vector<16xi32>
    %rem3A_55 = arith.remsi %add3A_52, %rem3A_54 : vector<16xi32>
    %add3A_56 = arith.constant 9 : i32
    %add3A_57 = vector.broadcast %add3A_56 : i32 to vector<16xi32>
    %add3A_58 = arith.addi %iota3A, %add3A_57 : vector<16xi32>
    %rem3A_59 = arith.constant 16 : i32
    %rem3A_60 = vector.broadcast %rem3A_59 : i32 to vector<16xi32>
    %rem3A_61 = arith.remsi %add3A_58, %rem3A_60 : vector<16xi32>
    %add3A_62 = arith.constant 10 : i32
    %add3A_63 = vector.broadcast %add3A_62 : i32 to vector<16xi32>
    %add3A_64 = arith.addi %iota3A, %add3A_63 : vector<16xi32>
    %rem3A_65 = arith.constant 16 : i32
    %rem3A_66 = vector.broadcast %rem3A_65 : i32 to vector<16xi32>
    %rem3A_67 = arith.remsi %add3A_64, %rem3A_66 : vector<16xi32>
    %add3A_68 = arith.constant 11 : i32
    %add3A_69 = vector.broadcast %add3A_68 : i32 to vector<16xi32>
    %add3A_70 = arith.addi %iota3A, %add3A_69 : vector<16xi32>
    %rem3A_71 = arith.constant 16 : i32
    %rem3A_72 = vector.broadcast %rem3A_71 : i32 to vector<16xi32>
    %rem3A_73 = arith.remsi %add3A_70, %rem3A_72 : vector<16xi32>
    %add3A_74 = arith.constant 12 : i32
    %add3A_75 = vector.broadcast %add3A_74 : i32 to vector<16xi32>
    %add3A_76 = arith.addi %iota3A, %add3A_75 : vector<16xi32>
    %rem3A_77 = arith.constant 16 : i32
    %rem3A_78 = vector.broadcast %rem3A_77 : i32 to vector<16xi32>
    %rem3A_79 = arith.remsi %add3A_76, %rem3A_78 : vector<16xi32>
    %add3A_80 = arith.constant 13 : i32
    %add3A_81 = vector.broadcast %add3A_80 : i32 to vector<16xi32>
    %add3A_82 = arith.addi %iota3A, %add3A_81 : vector<16xi32>
    %rem3A_83 = arith.constant 16 : i32
    %rem3A_84 = vector.broadcast %rem3A_83 : i32 to vector<16xi32>
    %rem3A_85 = arith.remsi %add3A_82, %rem3A_84 : vector<16xi32>
    %add3A_86 = arith.constant 14 : i32
    %add3A_87 = vector.broadcast %add3A_86 : i32 to vector<16xi32>
    %add3A_88 = arith.addi %iota3A, %add3A_87 : vector<16xi32>
    %rem3A_89 = arith.constant 16 : i32
    %rem3A_90 = vector.broadcast %rem3A_89 : i32 to vector<16xi32>
    %rem3A_91 = arith.remsi %add3A_88, %rem3A_90 : vector<16xi32>
    %add3A_92 = arith.constant 15 : i32
    %add3A_93 = vector.broadcast %add3A_92 : i32 to vector<16xi32>
    %add3A_94 = arith.addi %iota3A, %add3A_93 : vector<16xi32>
    %rem3A_95 = arith.constant 16 : i32
    %rem3A_96 = vector.broadcast %rem3A_95 : i32 to vector<16xi32>
    %rem3A_97 = arith.remsi %add3A_94, %rem3A_96 : vector<16xi32>
    %get3A = arith.constant 0 : i32
    %get3A_98 = arith.index_cast %get3A : i32 to index
    %get3A_99 = arith.constant 0 : index
    %get3A_100 = tpu.vector_load %arg5[%get3A_98, %get3A_99] {strides = array<i32>} : memref<200x128xi32, #tpu.memory_space<vmem>>, vector<16xi32>,
    %mul3A_101 = arith.constant 2 : i32
    %mul3A_102 = vector.broadcast %mul3A_101 : i32 to vector<16xi32>
    %mul3A_103 = arith.muli %get3A_100, %mul3A_102 : vector<16xi32>
    %swap3A = arith.constant 0 : i32
    %swap3A_104 = arith.index_cast %swap3A : i32 to index
    %swap3A_105 = arith.constant 0 : index
    %swap3A_106 = tpu.vector_load %arg6[%swap3A_104, %swap3A_105] {strides = array<i32>} : memref<3x128xi32, #tpu.memory_space<vmem>>, vector<16xi32>,
    tpu.vector_store %arg6[%swap3A_104, %swap3A_105], %mul3A_103 {strides = array<i32>} : memref<3x128xi32, #tpu.memory_space<vmem>>, vector<16xi32>,
    %get3A_107 = arith.constant 0 : i32
    %get3A_108 = arith.index_cast %get3A_107 : i32 to index
    %get3A_109 = arith.constant 16 : index
    %get3A_110 = tpu.vector_load %arg5[%get3A_108, %get3A_109] {strides = array<i32>} : memref<200x128xi32, #tpu.memory_space<vmem>>, vector<16xi32>,
    %mul3A_111 = arith.constant 2 : i32
    %mul3A_112 = vector.broadcast %mul3A_111 : i32 to vector<16xi32>
    %mul3A_113 = arith.muli %get3A_110, %mul3A_112 : vector<16xi32>
    %swap3A_114 = arith.constant 0 : i32
    %swap3A_115 = arith.index_cast %swap3A_114 : i32 to index
    %swap3A_116 = arith.constant 16 : index
    %swap3A_117 = tpu.vector_load %arg6[%swap3A_115, %swap3A_116] {strides = array<i32>} : memref<3x128xi32, #tpu.memory_space<vmem>>, vector<16xi32>,
    tpu.vector_store %arg6[%swap3A_115, %swap3A_116], %mul3A_113 {strides = array<i32>} : memref<3x128xi32, #tpu.memory_space<vmem>>, vector<16xi32>,
    %get3A_118 = arith.constant 0 : i32
    %get3A_119 = arith.index_cast %get3A_118 : i32 to index
    %get3A_120 = arith.constant 32 : index
    %get3A_121 = tpu.vector_load %arg5[%get3A_119, %get3A_120] {strides = array<i32>} : memref<200x128xi32, #tpu.memory_space<vmem>>, vector<16xi32>,
    %mul3A_122 = arith.constant 2 : i32
    %mul3A_123 = vector.broadcast %mul3A_122 : i32 to vector<16xi32>
    %mul3A_124 = arith.muli %get3A_121, %mul3A_123 : vector<16xi32>
    %swap3A_125 = arith.constant 0 : i32
    %swap3A_126 = arith.index_cast %swap3A_125 : i32 to index
    %swap3A_127 = arith.constant 32 : index
    %swap3A_128 = tpu.vector_load %arg6[%swap3A_126, %swap3A_127] {strides = array<i32>} : memref<3x128xi32, #tpu.memory_space<vmem>>, vector<16xi32>,
    tpu.vector_store %arg6[%swap3A_126, %swap3A_127], %mul3A_124 {strides = array<i32>} : memref<3x128xi32, #tpu.memory_space<vmem>>, vector<16xi32>,
    %get3A_129 = arith.constant 0 : i32
    %get3A_130 = arith.index_cast %get3A_129 : i32 to index
    %get3A_131 = arith.constant 48 : index
    %get3A_132 = tpu.vector_load %arg5[%get3A_130, %get3A_131] {strides = array<i32>} : memref<200x128xi32, #tpu.memory_space<vmem>>, vector<16xi32>,
    %mul3A_133 = arith.constant 2 : i32
    %mul3A_134 = vector.broadcast %mul3A_133 : i32 to vector<16xi32>
    %mul3A_135 = arith.muli %get3A_132, %mul3A_134 : vector<16xi32>
    %swap3A_136 = arith.constant 0 : i32
    %swap3A_137 = arith.index_cast %swap3A_136 : i32 to index
    %swap3A_138 = arith.constant 48 : index
    %swap3A_139 = tpu.vector_load %arg6[%swap3A_137, %swap3A_138] {strides = array<i32>} : memref<3x128xi32, #tpu.memory_space<vmem>>, vector<16xi32>,
    tpu.vector_store %arg6[%swap3A_137, %swap3A_138], %mul3A_135 {strides = array<i32>} : memref<3x128xi32, #tpu.memory_space<vmem>>, vector<16xi32>,
    %get3A_140 = arith.constant 0 : i32
    %get3A_141 = arith.index_cast %get3A_140 : i32 to index
    %get3A_142 = arith.constant 64 : index
    %get3A_143 = tpu.vector_load %arg5[%get3A_141, %get3A_142] {strides = array<i32>} : memref<200x128xi32, #tpu.memory_space<vmem>>, vector<16xi32>,
    %mul3A_144 = arith.constant 2 : i32
    %mul3A_145 = vector.broadcast %mul3A_144 : i32 to vector<16xi32>
    %mul3A_146 = arith.muli %get3A_143, %mul3A_145 : vector<16xi32>
    %swap3A_147 = arith.constant 0 : i32
    %swap3A_148 = arith.index_cast %swap3A_147 : i32 to index
    %swap3A_149 = arith.constant 64 : index
    %swap3A_150 = tpu.vector_load %arg6[%swap3A_148, %swap3A_149] {strides = array<i32>} : memref<3x128xi32, #tpu.memory_space<vmem>>, vector<16xi32>,
    tpu.vector_store %arg6[%swap3A_148, %swap3A_149], %mul3A_146 {strides = array<i32>} : memref<3x128xi32, #tpu.memory_space<vmem>>, vector<16xi32>,
    %get3A_151 = arith.constant 0 : i32
    %get3A_152 = arith.index_cast %get3A_151 : i32 to index
    %get3A_153 = arith.constant 80 : index
    %get3A_154 = tpu.vector_load %arg5[%get3A_152, %get3A_153] {strides = array<i32>} : memref<200x128xi32, #tpu.memory_space<vmem>>, vector<16xi32>,
    %mul3A_155 = arith.constant 2 : i32
    %mul3A_156 = vector.broadcast %mul3A_155 : i32 to vector<16xi32>
    %mul3A_157 = arith.muli %get3A_154, %mul3A_156 : vector<16xi32>
    %swap3A_158 = arith.constant 0 : i32
    %swap3A_159 = arith.index_cast %swap3A_158 : i32 to index
    %swap3A_160 = arith.constant 80 : index
    %swap3A_161 = tpu.vector_load %arg6[%swap3A_159, %swap3A_160] {strides = array<i32>} : memref<3x128xi32, #tpu.memory_space<vmem>>, vector<16xi32>,
    tpu.vector_store %arg6[%swap3A_159, %swap3A_160], %mul3A_157 {strides = array<i32>} : memref<3x128xi32, #tpu.memory_space<vmem>>, vector<16xi32>,
    %get3A_162 = arith.constant 0 : i32
    %get3A_163 = arith.index_cast %get3A_162 : i32 to index
    %get3A_164 = arith.constant 96 : index
    %get3A_165 = tpu.vector_load %arg5[%get3A_163, %get3A_164] {strides = array<i32>} : memref<200x128xi32, #tpu.memory_space<vmem>>, vector<16xi32>,
    %mul3A_166 = arith.constant 2 : i32
    %mul3A_167 = vector.broadcast %mul3A_166 : i32 to vector<16xi32>
    %mul3A_168 = arith.muli %get3A_165, %mul3A_167 : vector<16xi32>
    %swap3A_169 = arith.constant 0 : i32
    %swap3A_170 = arith.index_cast %swap3A_169 : i32 to index
    %swap3A_171 = arith.constant 96 : index
    %swap3A_172 = tpu.vector_load %arg6[%swap3A_170, %swap3A_171] {strides = array<i32>} : memref<3x128xi32, #tpu.memory_space<vmem>>, vector<16xi32>,
    tpu.vector_store %arg6[%swap3A_170, %swap3A_171], %mul3A_168 {strides = array<i32>} : memref<3x128xi32, #tpu.memory_space<vmem>>, vector<16xi32>,
    %get3A_173 = arith.constant 0 : i32
    %get3A_174 = arith.index_cast %get3A_173 : i32 to index
    %get3A_175 = arith.constant 112 : index
    %get3A_176 = tpu.vector_load %arg5[%get3A_174, %get3A_175] {strides = array<i32>} : memref<200x128xi32, #tpu.memory_space<vmem>>, vector<16xi32>,
    %mul3A_177 = arith.constant 2 : i32
    %mul3A_178 = vector.broadcast %mul3A_177 : i32 to vector<16xi32>
    %mul3A_179 = arith.muli %get3A_176, %mul3A_178 : vector<16xi32>
    %swap3A_180 = arith.constant 0 : i32
    %swap3A_181 = arith.index_cast %swap3A_180 : i32 to index
    %swap3A_182 = arith.constant 112 : index
    %swap3A_183 = tpu.vector_load %arg6[%swap3A_181, %swap3A_182] {strides = array<i32>} : memref<3x128xi32, #tpu.memory_space<vmem>>, vector<16xi32>,
    tpu.vector_store %arg6[%swap3A_181, %swap3A_182], %mul3A_179 {strides = array<i32>} : memref<3x128xi32, #tpu.memory_space<vmem>>, vector<16xi32>,
    %dma_start3A = arith.constant 0 : i32
    %dma_start3A_184 = arith.constant 0 : i32
    %dma_start3A_185 = arith.constant 0 : i32
    %dma_start3A_186 = tpu.memref_slice %arg6[%dma_start3A, %dma_start3A_185] : memref<3x128xi32, #tpu.memory_space<vmem>> -> memref<1x128xi32, #tpu.memory_space<vmem>>
    %dma_start3A_187 = tpu.memref_squeeze %dma_start3A_186 : memref<1x128xi32, #tpu.memory_space<vmem>> -> memref<128xi32, #tpu.memory_space<vmem>>
    %dma_start3A_188 = arith.constant 0 : i32
    %dma_start3A_189 = arith.constant 0 : i32
    %dma_start3A_190 = tpu.memref_slice %arg3[%dma_start3A_188, %dma_start3A_189] : memref<2000000x64xf32, #tpu.memory_space<hbm>> -> memref<2000000x64xf32, #tpu.memory_space<hbm>>
    %dma_start3A_191 = tpu.memref_slice %arg13[%dma_start3A_184] : memref<3x!tpu.dma_semaphore, #tpu.memory_space<semaphore_mem>> -> memref<1x!tpu.dma_semaphore, #tpu.memory_space<semaphore_mem>>
    %dma_start3A_192 = tpu.memref_squeeze %dma_start3A_191 : memref<1x!tpu.dma_semaphore, #tpu.memory_space<semaphore_mem>> -> memref<!tpu.dma_semaphore, #tpu.memory_space<semaphore_mem>>
    tpu.enqueue_indirect_dma source(%dma_start3A_190 : memref<2000000x64xf32, #tpu.memory_space<hbm>>) target(%arg7 : memref<128x64xf32, #tpu.memory_space<vmem>>) offsets(%dma_start3A_187 : memref<128xi32, #tpu.memory_space<vmem>>) semaphore(%dma_start3A_192 : memref<!tpu.dma_semaphore, #tpu.memory_space<semaphore_mem>>)
    %get3A_193 = arith.constant 1 : i32
    %get3A_194 = arith.index_cast %get3A_193 : i32 to index
    %get3A_195 = arith.constant 0 : index
    %get3A_196 = tpu.vector_load %arg5[%get3A_194, %get3A_195] {strides = array<i32>} : memref<200x128xi32, #tpu.memory_space<vmem>>, vector<16xi32>,
    %mul3A_197 = arith.constant 2 : i32
    %mul3A_198 = vector.broadcast %mul3A_197 : i32 to vector<16xi32>
    %mul3A_199 = arith.muli %get3A_196, %mul3A_198 : vector<16xi32>
    %swap3A_200 = arith.constant 1 : i32
    %swap3A_201 = arith.index_cast %swap3A_200 : i32 to index
    %swap3A_202 = arith.constant 0 : index
    %swap3A_203 = tpu.vector_load %arg6[%swap3A_201, %swap3A_202] {strides = array<i32>} : memref<3x128xi32, #tpu.memory_space<vmem>>, vector<16xi32>,
    tpu.vector_store %arg6[%swap3A_201, %swap3A_202], %mul3A_199 {strides = array<i32>} : memref<3x128xi32, #tpu.memory_space<vmem>>, vector<16xi32>,
    %get3A_204 = arith.constant 1 : i32
    %get3A_205 = arith.index_cast %get3A_204 : i32 to index
    %get3A_206 = arith.constant 16 : index
    %get3A_207 = tpu.vector_load %arg5[%get3A_205, %get3A_206] {strides = array<i32>} : memref<200x128xi32, #tpu.memory_space<vmem>>, vector<16xi32>,
    %mul3A_208 = arith.constant 2 : i32
    %mul3A_209 = vector.broadcast %mul3A_208 : i32 to vector<16xi32>
    %mul3A_210 = arith.muli %get3A_207, %mul3A_209 : vector<16xi32>
    %swap3A_211 = arith.constant 1 : i32
    %swap3A_212 = arith.index_cast %swap3A_211 : i32 to index
    %swap3A_213 = arith.constant 16 : index
    %swap3A_214 = tpu.vector_load %arg6[%swap3A_212, %swap3A_213] {strides = array<i32>} : memref<3x128xi32, #tpu.memory_space<vmem>>, vector<16xi32>,
    tpu.vector_store %arg6[%swap3A_212, %swap3A_213], %mul3A_210 {strides = array<i32>} : memref<3x128xi32, #tpu.memory_space<vmem>>, vector<16xi32>,
    %get3A_215 = arith.constant 1 : i32
    %get3A_216 = arith.index_cast %get3A_215 : i32 to index
    %get3A_217 = arith.constant 32 : index
    %get3A_218 = tpu.vector_load %arg5[%get3A_216, %get3A_217] {strides = array<i32>} : memref<200x128xi32, #tpu.memory_space<vmem>>, vector<16xi32>,
    %mul3A_219 = arith.constant 2 : i32
    %mul3A_220 = vector.broadcast %mul3A_219 : i32 to vector<16xi32>
    %mul3A_221 = arith.muli %get3A_218, %mul3A_220 : vector<16xi32>
    %swap3A_222 = arith.constant 1 : i32
    %swap3A_223 = arith.index_cast %swap3A_222 : i32 to index
    %swap3A_224 = arith.constant 32 : index
    %swap3A_225 = tpu.vector_load %arg6[%swap3A_223, %swap3A_224] {strides = array<i32>} : memref<3x128xi32, #tpu.memory_space<vmem>>, vector<16xi32>,
    tpu.vector_store %arg6[%swap3A_223, %swap3A_224], %mul3A_221 {strides = array<i32>} : memref<3x128xi32, #tpu.memory_space<vmem>>, vector<16xi32>,
    %get3A_226 = arith.constant 1 : i32
    %get3A_227 = arith.index_cast %get3A_226 : i32 to index
    %get3A_228 = arith.constant 48 : index
    %get3A_229 = tpu.vector_load %arg5[%get3A_227, %get3A_228] {strides = array<i32>} : memref<200x128xi32, #tpu.memory_space<vmem>>, vector<16xi32>,
    %mul3A_230 = arith.constant 2 : i32
    %mul3A_231 = vector.broadcast %mul3A_230 : i32 to vector<16xi32>
    %mul3A_232 = arith.muli %get3A_229, %mul3A_231 : vector<16xi32>
    %swap3A_233 = arith.constant 1 : i32
    %swap3A_234 = arith.index_cast %swap3A_233 : i32 to index
    %swap3A_235 = arith.constant 48 : index
    %swap3A_236 = tpu.vector_load %arg6[%swap3A_234, %swap3A_235] {strides = array<i32>} : memref<3x128xi32, #tpu.memory_space<vmem>>, vector<16xi32>,
    tpu.vector_store %arg6[%swap3A_234, %swap3A_235], %mul3A_232 {strides = array<i32>} : memref<3x128xi32, #tpu.memory_space<vmem>>, vector<16xi32>,
    %get3A_237 = arith.constant 1 : i32
    %get3A_238 = arith.index_cast %get3A_237 : i32 to index
    %get3A_239 = arith.constant 64 : index
    %get3A_240 = tpu.vector_load %arg5[%get3A_238, %get3A_239] {strides = array<i32>} : memref<200x128xi32, #tpu.memory_space<vmem>>, vector<16xi32>,
    %mul3A_241 = arith.constant 2 : i32
    %mul3A_242 = vector.broadcast %mul3A_241 : i32 to vector<16xi32>
    %mul3A_243 = arith.muli %get3A_240, %mul3A_242 : vector<16xi32>
    %swap3A_244 = arith.constant 1 : i32
    %swap3A_245 = arith.index_cast %swap3A_244 : i32 to index
    %swap3A_246 = arith.constant 64 : index
    %swap3A_247 = tpu.vector_load %arg6[%swap3A_245, %swap3A_246] {strides = array<i32>} : memref<3x128xi32, #tpu.memory_space<vmem>>, vector<16xi32>,
    tpu.vector_store %arg6[%swap3A_245, %swap3A_246], %mul3A_243 {strides = array<i32>} : memref<3x128xi32, #tpu.memory_space<vmem>>, vector<16xi32>,
    %get3A_248 = arith.constant 1 : i32
    %get3A_249 = arith.index_cast %get3A_248 : i32 to index
    %get3A_250 = arith.constant 80 : index
    %get3A_251 = tpu.vector_load %arg5[%get3A_249, %get3A_250] {strides = array<i32>} : memref<200x128xi32, #tpu.memory_space<vmem>>, vector<16xi32>,
    %mul3A_252 = arith.constant 2 : i32
    %mul3A_253 = vector.broadcast %mul3A_252 : i32 to vector<16xi32>
    %mul3A_254 = arith.muli %get3A_251, %mul3A_253 : vector<16xi32>
    %swap3A_255 = arith.constant 1 : i32
    %swap3A_256 = arith.index_cast %swap3A_255 : i32 to index
    %swap3A_257 = arith.constant 80 : index
    %swap3A_258 = tpu.vector_load %arg6[%swap3A_256, %swap3A_257] {strides = array<i32>} : memref<3x128xi32, #tpu.memory_space<vmem>>, vector<16xi32>,
    tpu.vector_store %arg6[%swap3A_256, %swap3A_257], %mul3A_254 {strides = array<i32>} : memref<3x128xi32, #tpu.memory_space<vmem>>, vector<16xi32>,
    %get3A_259 = arith.constant 1 : i32
    %get3A_260 = arith.index_cast %get3A_259 : i32 to index
    %get3A_261 = arith.constant 96 : index
    %get3A_262 = tpu.vector_load %arg5[%get3A_260, %get3A_261] {strides = array<i32>} : memref<200x128xi32, #tpu.memory_space<vmem>>, vector<16xi32>,
    %mul3A_263 = arith.constant 2 : i32
    %mul3A_264 = vector.broadcast %mul3A_263 : i32 to vector<16xi32>
    %mul3A_265 = arith.muli %get3A_262, %mul3A_264 : vector<16xi32>
    %swap3A_266 = arith.constant 1 : i32
    %swap3A_267 = arith.index_cast %swap3A_266 : i32 to index
    %swap3A_268 = arith.constant 96 : index
    %swap3A_269 = tpu.vector_load %arg6[%swap3A_267, %swap3A_268] {strides = array<i32>} : memref<3x128xi32, #tpu.memory_space<vmem>>, vector<16xi32>,
    tpu.vector_store %arg6[%swap3A_267, %swap3A_268], %mul3A_265 {strides = array<i32>} : memref<3x128xi32, #tpu.memory_space<vmem>>, vector<16xi32>,
    %get3A_270 = arith.constant 1 : i32
    %get3A_271 = arith.index_cast %get3A_270 : i32 to index
    %get3A_272 = arith.constant 112 : index
    %get3A_273 = tpu.vector_load %arg5[%get3A_271, %get3A_272] {strides = array<i32>} : memref<200x128xi32, #tpu.memory_space<vmem>>, vector<16xi32>,
    %mul3A_274 = arith.constant 2 : i32
    %mul3A_275 = vector.broadcast %mul3A_274 : i32 to vector<16xi32>
    %mul3A_276 = arith.muli %get3A_273, %mul3A_275 : vector<16xi32>
    %swap3A_277 = arith.constant 1 : i32
    %swap3A_278 = arith.index_cast %swap3A_277 : i32 to index
    %swap3A_279 = arith.constant 112 : index
    %swap3A_280 = tpu.vector_load %arg6[%swap3A_278, %swap3A_279] {strides = array<i32>} : memref<3x128xi32, #tpu.memory_space<vmem>>, vector<16xi32>,
    tpu.vector_store %arg6[%swap3A_278, %swap3A_279], %mul3A_276 {strides = array<i32>} : memref<3x128xi32, #tpu.memory_space<vmem>>, vector<16xi32>,
    %dma_start3A_281 = arith.constant 1 : i32
    %dma_start3A_282 = arith.constant 1 : i32
    %dma_start3A_283 = arith.constant 0 : i32
    %dma_start3A_284 = tpu.memref_slice %arg6[%dma_start3A_281, %dma_start3A_283] : memref<3x128xi32, #tpu.memory_space<vmem>> -> memref<1x128xi32, #tpu.memory_space<vmem>>
    %dma_start3A_285 = tpu.memref_squeeze %dma_start3A_284 : memref<1x128xi32, #tpu.memory_space<vmem>> -> memref<128xi32, #tpu.memory_space<vmem>>
    %dma_start3A_286 = arith.constant 0 : i32
    %dma_start3A_287 = arith.constant 0 : i32
    %dma_start3A_288 = tpu.memref_slice %arg3[%dma_start3A_286, %dma_start3A_287] : memref<2000000x64xf32, #tpu.memory_space<hbm>> -> memref<2000000x64xf32, #tpu.memory_space<hbm>>
    %dma_start3A_289 = tpu.memref_slice %arg13[%dma_start3A_282] : memref<3x!tpu.dma_semaphore, #tpu.memory_space<semaphore_mem>> -> memref<1x!tpu.dma_semaphore, #tpu.memory_space<semaphore_mem>>
    %dma_start3A_290 = tpu.memref_squeeze %dma_start3A_289 : memref<1x!tpu.dma_semaphore, #tpu.memory_space<semaphore_mem>> -> memref<!tpu.dma_semaphore, #tpu.memory_space<semaphore_mem>>
    tpu.enqueue_indirect_dma source(%dma_start3A_288 : memref<2000000x64xf32, #tpu.memory_space<hbm>>) target(%arg8 : memref<128x64xf32, #tpu.memory_space<vmem>>) offsets(%dma_start3A_285 : memref<128xi32, #tpu.memory_space<vmem>>) semaphore(%dma_start3A_290 : memref<!tpu.dma_semaphore, #tpu.memory_space<semaphore_mem>>)
    %scan3A = arith.constant 0 : i32
    %scan3A_291 = arith.constant 0 : i32
    %scan3A_292 = arith.constant 67 : i32
    %scan3A_293 = arith.addi %scan3A_291, %scan3A_292 : i32
    %scan3A_294 = arith.constant 1 : i32
    scf.for %scan3A_322 = %scan3A_291 to %scan3A_293 step %scan3A_294  : i32 {
      %mul3A_323 = arith.constant 3 : i32
      %mul3A_324 = arith.muli %scan3A_322, %mul3A_323 : i32
      %add3A_325 = arith.constant 0 : i32
      %add3A_326 = arith.addi %mul3A_324, %add3A_325 : i32
      %lt3A = arith.constant 200 : i32
      %lt3A_327 = arith.cmpi slt, %add3A_326, %lt3A : i32
      %convert_element_type3A = arith.extui %lt3A_327 : i1 to i32
      %cond3A = arith.constant 0 : i32
      %cond3A_328 = arith.cmpi ne, %convert_element_type3A, %cond3A : i32
      scf.if %cond3A_328 {
        %dma_wait3A_347 = arith.constant 0 : i32
        %dma_wait3A_348 = arith.constant 0 : i32
        %dma_wait3A_349 = arith.constant 0 : i32
        %dma_wait3A_350 = tpu.memref_slice %arg3[%dma_wait3A_348, %dma_wait3A_349] : memref<2000000x64xf32, #tpu.memory_space<hbm>> -> memref<128x64xf32, #tpu.memory_space<hbm>>
        %dma_wait3A_351 = tpu.memref_slice %arg13[%dma_wait3A_347] : memref<3x!tpu.dma_semaphore, #tpu.memory_space<semaphore_mem>> -> memref<1x!tpu.dma_semaphore, #tpu.memory_space<semaphore_mem>>
        %dma_wait3A_352 = tpu.memref_squeeze %dma_wait3A_351 : memref<1x!tpu.dma_semaphore, #tpu.memory_space<semaphore_mem>> -> memref<!tpu.dma_semaphore, #tpu.memory_space<semaphore_mem>>
        %dma_wait3A_353 = arith.constant 0 : i32
        %dma_wait3A_354 = arith.constant 0 : i32
        %dma_wait3A_355 = tpu.memref_slice %arg3[%dma_wait3A_353, %dma_wait3A_354] : memref<2000000x64xf32, #tpu.memory_space<hbm>> -> memref<128x64xf32, #tpu.memory_space<hbm>>
        tpu.wait_dma2 semaphore(%dma_wait3A_352 : memref<!tpu.dma_semaphore, #tpu.memory_space<semaphore_mem>>) src(%dma_wait3A_355 : memref<128x64xf32, #tpu.memory_space<hbm>>) dst(%arg7 : memref<128x64xf32, #tpu.memory_space<vmem>>)
        %add3A_356 = arith.constant 2 : i32
        %add3A_357 = arith.addi %add3A_326, %add3A_356 : i32
        %lt3A_358 = arith.constant 200 : i32
        %lt3A_359 = arith.cmpi slt, %add3A_357, %lt3A_358 : i32
        %convert_element_type3A_360 = arith.extui %lt3A_359 : i1 to i32
        %cond3A_361 = arith.constant 0 : i32
        %cond3A_362 = arith.cmpi ne, %convert_element_type3A_360, %cond3A_361 : i32
        scf.if %cond3A_362 {
          %add3A_537 = arith.constant 2 : i32
          %add3A_538 = arith.addi %add3A_326, %add3A_537 : i32
          %get3A_539 = arith.index_cast %add3A_538 : i32 to index
          %get3A_540 = arith.constant 0 : index
          %get3A_541 = tpu.vector_load %arg5[%get3A_539, %get3A_540] {strides = array<i32>} : memref<200x128xi32, #tpu.memory_space<vmem>>, vector<16xi32>,
          %mul3A_542 = arith.constant 2 : i32
          %mul3A_543 = vector.broadcast %mul3A_542 : i32 to vector<16xi32>
          %mul3A_544 = arith.muli %get3A_541, %mul3A_543 : vector<16xi32>
          %swap3A_545 = arith.constant 2 : i32
          %swap3A_546 = arith.index_cast %swap3A_545 : i32 to index
          %swap3A_547 = arith.constant 0 : index
          %swap3A_548 = tpu.vector_load %arg6[%swap3A_546, %swap3A_547] {strides = array<i32>} : memref<3x128xi32, #tpu.memory_space<vmem>>, vector<16xi32>,
          tpu.vector_store %arg6[%swap3A_546, %swap3A_547], %mul3A_544 {strides = array<i32>} : memref<3x128xi32, #tpu.memory_space<vmem>>, vector<16xi32>,
          %get3A_549 = arith.index_cast %add3A_538 : i32 to index
          %get3A_550 = arith.constant 16 : index
          %get3A_551 = tpu.vector_load %arg5[%get3A_549, %get3A_550] {strides = array<i32>} : memref<200x128xi32, #tpu.memory_space<vmem>>, vector<16xi32>,
          %mul3A_552 = arith.constant 2 : i32
          %mul3A_553 = vector.broadcast %mul3A_552 : i32 to vector<16xi32>
          %mul3A_554 = arith.muli %get3A_551, %mul3A_553 : vector<16xi32>
          %swap3A_555 = arith.constant 2 : i32
          %swap3A_556 = arith.index_cast %swap3A_555 : i32 to index
          %swap3A_557 = arith.constant 16 : index
          %swap3A_558 = tpu.vector_load %arg6[%swap3A_556, %swap3A_557] {strides = array<i32>} : memref<3x128xi32, #tpu.memory_space<vmem>>, vector<16xi32>,
          tpu.vector_store %arg6[%swap3A_556, %swap3A_557], %mul3A_554 {strides = array<i32>} : memref<3x128xi32, #tpu.memory_space<vmem>>, vector<16xi32>,
          %get3A_559 = arith.index_cast %add3A_538 : i32 to index
          %get3A_560 = arith.constant 32 : index
          %get3A_561 = tpu.vector_load %arg5[%get3A_559, %get3A_560] {strides = array<i32>} : memref<200x128xi32, #tpu.memory_space<vmem>>, vector<16xi32>,
          %mul3A_562 = arith.constant 2 : i32
          %mul3A_563 = vector.broadcast %mul3A_562 : i32 to vector<16xi32>
          %mul3A_564 = arith.muli %get3A_561, %mul3A_563 : vector<16xi32>
          %swap3A_565 = arith.constant 2 : i32
          %swap3A_566 = arith.index_cast %swap3A_565 : i32 to index
          %swap3A_567 = arith.constant 32 : index
          %swap3A_568 = tpu.vector_load %arg6[%swap3A_566, %swap3A_567] {strides = array<i32>} : memref<3x128xi32, #tpu.memory_space<vmem>>, vector<16xi32>,
          tpu.vector_store %arg6[%swap3A_566, %swap3A_567], %mul3A_564 {strides = array<i32>} : memref<3x128xi32, #tpu.memory_space<vmem>>, vector<16xi32>,
          %get3A_569 = arith.index_cast %add3A_538 : i32 to index
          %get3A_570 = arith.constant 48 : index
          %get3A_571 = tpu.vector_load %arg5[%get3A_569, %get3A_570] {strides = array<i32>} : memref<200x128xi32, #tpu.memory_space<vmem>>, vector<16xi32>,
          %mul3A_572 = arith.constant 2 : i32
          %mul3A_573 = vector.broadcast %mul3A_572 : i32 to vector<16xi32>
          %mul3A_574 = arith.muli %get3A_571, %mul3A_573 : vector<16xi32>
          %swap3A_575 = arith.constant 2 : i32
          %swap3A_576 = arith.index_cast %swap3A_575 : i32 to index
          %swap3A_577 = arith.constant 48 : index
          %swap3A_578 = tpu.vector_load %arg6[%swap3A_576, %swap3A_577] {strides = array<i32>} : memref<3x128xi32, #tpu.memory_space<vmem>>, vector<16xi32>,
          tpu.vector_store %arg6[%swap3A_576, %swap3A_577], %mul3A_574 {strides = array<i32>} : memref<3x128xi32, #tpu.memory_space<vmem>>, vector<16xi32>,
          %get3A_579 = arith.index_cast %add3A_538 : i32 to index
          %get3A_580 = arith.constant 64 : index
          %get3A_581 = tpu.vector_load %arg5[%get3A_579, %get3A_580] {strides = array<i32>} : memref<200x128xi32, #tpu.memory_space<vmem>>, vector<16xi32>,
          %mul3A_582 = arith.constant 2 : i32
          %mul3A_583 = vector.broadcast %mul3A_582 : i32 to vector<16xi32>
          %mul3A_584 = arith.muli %get3A_581, %mul3A_583 : vector<16xi32>
          %swap3A_585 = arith.constant 2 : i32
          %swap3A_586 = arith.index_cast %swap3A_585 : i32 to index
          %swap3A_587 = arith.constant 64 : index
          %swap3A_588 = tpu.vector_load %arg6[%swap3A_586, %swap3A_587] {strides = array<i32>} : memref<3x128xi32, #tpu.memory_space<vmem>>, vector<16xi32>,
          tpu.vector_store %arg6[%swap3A_586, %swap3A_587], %mul3A_584 {strides = array<i32>} : memref<3x128xi32, #tpu.memory_space<vmem>>, vector<16xi32>,
          %get3A_589 = arith.index_cast %add3A_538 : i32 to index
          %get3A_590 = arith.constant 80 : index
          %get3A_591 = tpu.vector_load %arg5[%get3A_589, %get3A_590] {strides = array<i32>} : memref<200x128xi32, #tpu.memory_space<vmem>>, vector<16xi32>,
          %mul3A_592 = arith.constant 2 : i32
          %mul3A_593 = vector.broadcast %mul3A_592 : i32 to vector<16xi32>
          %mul3A_594 = arith.muli %get3A_591, %mul3A_593 : vector<16xi32>
          %swap3A_595 = arith.constant 2 : i32
          %swap3A_596 = arith.index_cast %swap3A_595 : i32 to index
          %swap3A_597 = arith.constant 80 : index
          %swap3A_598 = tpu.vector_load %arg6[%swap3A_596, %swap3A_597] {strides = array<i32>} : memref<3x128xi32, #tpu.memory_space<vmem>>, vector<16xi32>,
          tpu.vector_store %arg6[%swap3A_596, %swap3A_597], %mul3A_594 {strides = array<i32>} : memref<3x128xi32, #tpu.memory_space<vmem>>, vector<16xi32>,
          %get3A_599 = arith.index_cast %add3A_538 : i32 to index
          %get3A_600 = arith.constant 96 : index
          %get3A_601 = tpu.vector_load %arg5[%get3A_599, %get3A_600] {strides = array<i32>} : memref<200x128xi32, #tpu.memory_space<vmem>>, vector<16xi32>,
          %mul3A_602 = arith.constant 2 : i32
          %mul3A_603 = vector.broadcast %mul3A_602 : i32 to vector<16xi32>
          %mul3A_604 = arith.muli %get3A_601, %mul3A_603 : vector<16xi32>
          %swap3A_605 = arith.constant 2 : i32
          %swap3A_606 = arith.index_cast %swap3A_605 : i32 to index
          %swap3A_607 = arith.constant 96 : index
          %swap3A_608 = tpu.vector_load %arg6[%swap3A_606, %swap3A_607] {strides = array<i32>} : memref<3x128xi32, #tpu.memory_space<vmem>>, vector<16xi32>,
          tpu.vector_store %arg6[%swap3A_606, %swap3A_607], %mul3A_604 {strides = array<i32>} : memref<3x128xi32, #tpu.memory_space<vmem>>, vector<16xi32>,
          %get3A_609 = arith.index_cast %add3A_538 : i32 to index
          %get3A_610 = arith.constant 112 : index
          %get3A_611 = tpu.vector_load %arg5[%get3A_609, %get3A_610] {strides = array<i32>} : memref<200x128xi32, #tpu.memory_space<vmem>>, vector<16xi32>,
          %mul3A_612 = arith.constant 2 : i32
          %mul3A_613 = vector.broadcast %mul3A_612 : i32 to vector<16xi32>
          %mul3A_614 = arith.muli %get3A_611, %mul3A_613 : vector<16xi32>
          %swap3A_615 = arith.constant 2 : i32
          %swap3A_616 = arith.index_cast %swap3A_615 : i32 to index
          %swap3A_617 = arith.constant 112 : index
          %swap3A_618 = tpu.vector_load %arg6[%swap3A_616, %swap3A_617] {strides = array<i32>} : memref<3x128xi32, #tpu.memory_space<vmem>>, vector<16xi32>,
          tpu.vector_store %arg6[%swap3A_616, %swap3A_617], %mul3A_614 {strides = array<i32>} : memref<3x128xi32, #tpu.memory_space<vmem>>, vector<16xi32>,
          %dma_start3A_619 = arith.constant 2 : i32
          %dma_start3A_620 = arith.constant 2 : i32
          %dma_start3A_621 = arith.constant 0 : i32
          %dma_start3A_622 = tpu.memref_slice %arg6[%dma_start3A_619, %dma_start3A_621] : memref<3x128xi32, #tpu.memory_space<vmem>> -> memref<1x128xi32, #tpu.memory_space<vmem>>
          %dma_start3A_623 = tpu.memref_squeeze %dma_start3A_622 : memref<1x128xi32, #tpu.memory_space<vmem>> -> memref<128xi32, #tpu.memory_space<vmem>>
          %dma_start3A_624 = arith.constant 0 : i32
          %dma_start3A_625 = arith.constant 0 : i32
          %dma_start3A_626 = tpu.memref_slice %arg3[%dma_start3A_624, %dma_start3A_625] : memref<2000000x64xf32, #tpu.memory_space<hbm>> -> memref<2000000x64xf32, #tpu.memory_space<hbm>>
          %dma_start3A_627 = tpu.memref_slice %arg13[%dma_start3A_620] : memref<3x!tpu.dma_semaphore, #tpu.memory_space<semaphore_mem>> -> memref<1x!tpu.dma_semaphore, #tpu.memory_space<semaphore_mem>>
          %dma_start3A_628 = tpu.memref_squeeze %dma_start3A_627 : memref<1x!tpu.dma_semaphore, #tpu.memory_space<semaphore_mem>> -> memref<!tpu.dma_semaphore, #tpu.memory_space<semaphore_mem>>
          tpu.enqueue_indirect_dma source(%dma_start3A_626 : memref<2000000x64xf32, #tpu.memory_space<hbm>>) target(%arg9 : memref<128x64xf32, #tpu.memory_space<vmem>>) offsets(%dma_start3A_623 : memref<128xi32, #tpu.memory_space<vmem>>) semaphore(%dma_start3A_628 : memref<!tpu.dma_semaphore, #tpu.memory_space<semaphore_mem>>)
        } else {
        }
        %ge3A = arith.constant 3 : i32
        %ge3A_363 = arith.cmpi sge, %add3A_326, %ge3A : i32
        %convert_element_type3A_364 = arith.extui %ge3A_363 : i1 to i32
        %cond3A_365 = arith.constant 0 : i32
        %cond3A_366 = arith.cmpi ne, %convert_element_type3A_364, %cond3A_365 : i32
        scf.if %cond3A_366 {
          %dma_wait3A_537 = arith.constant 0 : i32
          %dma_wait3A_538 = arith.constant 0 : i32
          %dma_wait3A_539 = arith.constant 0 : i32
          %dma_wait3A_540 = tpu.memref_slice %arg3[%dma_wait3A_538, %dma_wait3A_539] : memref<2000000x64xf32, #tpu.memory_space<hbm>> -> memref<128x64xf32, #tpu.memory_space<hbm>>
          %dma_wait3A_541 = tpu.memref_slice %arg14[%dma_wait3A_537] : memref<3x!tpu.dma_semaphore, #tpu.memory_space<semaphore_mem>> -> memref<1x!tpu.dma_semaphore, #tpu.memory_space<semaphore_mem>>
          %dma_wait3A_542 = tpu.memref_squeeze %dma_wait3A_541 : memref<1x!tpu.dma_semaphore, #tpu.memory_space<semaphore_mem>> -> memref<!tpu.dma_semaphore, #tpu.memory_space<semaphore_mem>>
          %dma_wait3A_543 = arith.constant 0 : i32
          %dma_wait3A_544 = arith.constant 0 : i32
          %dma_wait3A_545 = tpu.memref_slice %arg3[%dma_wait3A_543, %dma_wait3A_544] : memref<2000000x64xf32, #tpu.memory_space<hbm>> -> memref<128x64xf32, #tpu.memory_space<hbm>>
          tpu.wait_dma2 semaphore(%dma_wait3A_542 : memref<!tpu.dma_semaphore, #tpu.memory_space<semaphore_mem>>) src(%arg7 : memref<128x64xf32, #tpu.memory_space<vmem>>) dst(%dma_wait3A_545 : memref<128x64xf32, #tpu.memory_space<hbm>>)
        } else {
        }
        %scan3A_367 = arith.constant 0 : i32
        %scan3A_368 = arith.constant 0 : i32
        %scan3A_369 = arith.constant 32 : i32
        %scan3A_370 = arith.addi %scan3A_368, %scan3A_369 : i32
        %scan3A_371 = arith.constant 1 : i32
        scf.for %scan3A_537 = %scan3A_368 to %scan3A_370 step %scan3A_371  : i32 {
          %shift_right_logical3A = arith.constant 2 : i32
          %shift_right_logical3A_538 = arith.shrui %scan3A_537, %shift_right_logical3A : i32
          %and3A_539 = arith.constant 3 : i32
          %and3A_540 = arith.andi %scan3A_537, %and3A_539 : i32
          %mul3A_541 = arith.constant 16 : i32
          %mul3A_542 = arith.muli %shift_right_logical3A_538, %mul3A_541 : i32
          %mul3A_543 = arith.constant 16 : i32
          %mul3A_544 = arith.muli %and3A_540, %mul3A_543 : i32
          %add3A_545 = vector.broadcast %mul3A_542 : i32 to vector<16xi32>
          %add3A_546 = arith.addi %iota3A, %add3A_545 : vector<16xi32>
          %add3A_547 = vector.broadcast %mul3A_544 : i32 to vector<16xi32>
          %add3A_548 = arith.addi %rem3A_7, %add3A_547 : vector<16xi32>
          %add3A_549 = vector.broadcast %mul3A_544 : i32 to vector<16xi32>
          %add3A_550 = arith.addi %rem3A_13, %add3A_549 : vector<16xi32>
          %add3A_551 = vector.broadcast %mul3A_544 : i32 to vector<16xi32>
          %add3A_552 = arith.addi %rem3A_19, %add3A_551 : vector<16xi32>
          %add3A_553 = vector.broadcast %mul3A_544 : i32 to vector<16xi32>
          %add3A_554 = arith.addi %rem3A_25, %add3A_553 : vector<16xi32>
          %add3A_555 = vector.broadcast %mul3A_544 : i32 to vector<16xi32>
          %add3A_556 = arith.addi %rem3A_31, %add3A_555 : vector<16xi32>
          %add3A_557 = vector.broadcast %mul3A_544 : i32 to vector<16xi32>
          %add3A_558 = arith.addi %rem3A_37, %add3A_557 : vector<16xi32>
          %add3A_559 = vector.broadcast %mul3A_544 : i32 to vector<16xi32>
          %add3A_560 = arith.addi %rem3A_43, %add3A_559 : vector<16xi32>
          %add3A_561 = vector.broadcast %mul3A_544 : i32 to vector<16xi32>
          %add3A_562 = arith.addi %rem3A_49, %add3A_561 : vector<16xi32>
          %add3A_563 = vector.broadcast %mul3A_544 : i32 to vector<16xi32>
          %add3A_564 = arith.addi %rem3A_55, %add3A_563 : vector<16xi32>
          %add3A_565 = vector.broadcast %mul3A_544 : i32 to vector<16xi32>
          %add3A_566 = arith.addi %rem3A_61, %add3A_565 : vector<16xi32>
          %add3A_567 = vector.broadcast %mul3A_544 : i32 to vector<16xi32>
          %add3A_568 = arith.addi %rem3A_67, %add3A_567 : vector<16xi32>
          %add3A_569 = vector.broadcast %mul3A_544 : i32 to vector<16xi32>
          %add3A_570 = arith.addi %rem3A_73, %add3A_569 : vector<16xi32>
          %add3A_571 = vector.broadcast %mul3A_544 : i32 to vector<16xi32>
          %add3A_572 = arith.addi %rem3A_79, %add3A_571 : vector<16xi32>
          %add3A_573 = vector.broadcast %mul3A_544 : i32 to vector<16xi32>
          %add3A_574 = arith.addi %rem3A_85, %add3A_573 : vector<16xi32>
          %add3A_575 = vector.broadcast %mul3A_544 : i32 to vector<16xi32>
          %add3A_576 = arith.addi %rem3A_91, %add3A_575 : vector<16xi32>
          %add3A_577 = vector.broadcast %mul3A_544 : i32 to vector<16xi32>
          %add3A_578 = arith.addi %rem3A_97, %add3A_577 : vector<16xi32>
          %gather3A = tpu.vector_load_idx %arg7[%add3A_546, %add3A_548] : memref<128x64xf32, #tpu.memory_space<vmem>>[vector<16xi32>, vector<16xi32>], vector<16xf32>,
          %gather3A_579 = tpu.vector_load_idx %arg7[%add3A_546, %add3A_550] : memref<128x64xf32, #tpu.memory_space<vmem>>[vector<16xi32>, vector<16xi32>], vector<16xf32>,
          %gather3A_580 = tpu.vector_load_idx %arg7[%add3A_546, %add3A_552] : memref<128x64xf32, #tpu.memory_space<vmem>>[vector<16xi32>, vector<16xi32>], vector<16xf32>,
          %gather3A_581 = tpu.vector_load_idx %arg7[%add3A_546, %add3A_554] : memref<128x64xf32, #tpu.memory_space<vmem>>[vector<16xi32>, vector<16xi32>], vector<16xf32>,
          %gather3A_582 = tpu.vector_load_idx %arg7[%add3A_546, %add3A_556] : memref<128x64xf32, #tpu.memory_space<vmem>>[vector<16xi32>, vector<16xi32>], vector<16xf32>,
          %gather3A_583 = tpu.vector_load_idx %arg7[%add3A_546, %add3A_558] : memref<128x64xf32, #tpu.memory_space<vmem>>[vector<16xi32>, vector<16xi32>], vector<16xf32>,
          %gather3A_584 = tpu.vector_load_idx %arg7[%add3A_546, %add3A_560] : memref<128x64xf32, #tpu.memory_space<vmem>>[vector<16xi32>, vector<16xi32>], vector<16xf32>,
          %gather3A_585 = tpu.vector_load_idx %arg7[%add3A_546, %add3A_562] : memref<128x64xf32, #tpu.memory_space<vmem>>[vector<16xi32>, vector<16xi32>], vector<16xf32>,
          %gather3A_586 = tpu.vector_load_idx %arg7[%add3A_546, %add3A_564] : memref<128x64xf32, #tpu.memory_space<vmem>>[vector<16xi32>, vector<16xi32>], vector<16xf32>,
          %gather3A_587 = tpu.vector_load_idx %arg7[%add3A_546, %add3A_566] : memref<128x64xf32, #tpu.memory_space<vmem>>[vector<16xi32>, vector<16xi32>], vector<16xf32>,
          %gather3A_588 = tpu.vector_load_idx %arg7[%add3A_546, %add3A_568] : memref<128x64xf32, #tpu.memory_space<vmem>>[vector<16xi32>, vector<16xi32>], vector<16xf32>,
          %gather3A_589 = tpu.vector_load_idx %arg7[%add3A_546, %add3A_570] : memref<128x64xf32, #tpu.memory_space<vmem>>[vector<16xi32>, vector<16xi32>], vector<16xf32>,
          %gather3A_590 = tpu.vector_load_idx %arg7[%add3A_546, %add3A_572] : memref<128x64xf32, #tpu.memory_space<vmem>>[vector<16xi32>, vector<16xi32>], vector<16xf32>,
          %gather3A_591 = tpu.vector_load_idx %arg7[%add3A_546, %add3A_574] : memref<128x64xf32, #tpu.memory_space<vmem>>[vector<16xi32>, vector<16xi32>], vector<16xf32>,
          %gather3A_592 = tpu.vector_load_idx %arg7[%add3A_546, %add3A_576] : memref<128x64xf32, #tpu.memory_space<vmem>>[vector<16xi32>, vector<16xi32>], vector<16xf32>,
          %gather3A_593 = tpu.vector_load_idx %arg7[%add3A_546, %add3A_578] : memref<128x64xf32, #tpu.memory_space<vmem>>[vector<16xi32>, vector<16xi32>], vector<16xf32>,
          %mul3A_594 = arith.constant 8.000000e+00 : f32
          %mul3A_595 = vector.broadcast %mul3A_594 : f32 to vector<16xf32>
          %mul3A_596 = arith.mulf %gather3A, %mul3A_595 : vector<16xf32>
          tpu.vector_store_idx %arg10[%add3A_548, %add3A_546], %mul3A_596 : memref<64x128xf32, #tpu.memory_space<vmem>>[vector<16xi32>, vector<16xi32>], vector<16xf32>,
          %mul3A_597 = arith.constant 8.000000e+00 : f32
          %mul3A_598 = vector.broadcast %mul3A_597 : f32 to vector<16xf32>
          %mul3A_599 = arith.mulf %gather3A_579, %mul3A_598 : vector<16xf32>
          tpu.vector_store_idx %arg10[%add3A_550, %add3A_546], %mul3A_599 : memref<64x128xf32, #tpu.memory_space<vmem>>[vector<16xi32>, vector<16xi32>], vector<16xf32>,
          %mul3A_600 = arith.constant 8.000000e+00 : f32
          %mul3A_601 = vector.broadcast %mul3A_600 : f32 to vector<16xf32>
          %mul3A_602 = arith.mulf %gather3A_580, %mul3A_601 : vector<16xf32>
          tpu.vector_store_idx %arg10[%add3A_552, %add3A_546], %mul3A_602 : memref<64x128xf32, #tpu.memory_space<vmem>>[vector<16xi32>, vector<16xi32>], vector<16xf32>,
          %mul3A_603 = arith.constant 8.000000e+00 : f32
          %mul3A_604 = vector.broadcast %mul3A_603 : f32 to vector<16xf32>
          %mul3A_605 = arith.mulf %gather3A_581, %mul3A_604 : vector<16xf32>
          tpu.vector_store_idx %arg10[%add3A_554, %add3A_546], %mul3A_605 : memref<64x128xf32, #tpu.memory_space<vmem>>[vector<16xi32>, vector<16xi32>], vector<16xf32>,
          %mul3A_606 = arith.constant 8.000000e+00 : f32
          %mul3A_607 = vector.broadcast %mul3A_606 : f32 to vector<16xf32>
          %mul3A_608 = arith.mulf %gather3A_582, %mul3A_607 : vector<16xf32>
          tpu.vector_store_idx %arg10[%add3A_556, %add3A_546], %mul3A_608 : memref<64x128xf32, #tpu.memory_space<vmem>>[vector<16xi32>, vector<16xi32>], vector<16xf32>,
          %mul3A_609 = arith.constant 8.000000e+00 : f32
          %mul3A_610 = vector.broadcast %mul3A_609 : f32 to vector<16xf32>
          %mul3A_611 = arith.mulf %gather3A_583, %mul3A_610 : vector<16xf32>
          tpu.vector_store_idx %arg10[%add3A_558, %add3A_546], %mul3A_611 : memref<64x128xf32, #tpu.memory_space<vmem>>[vector<16xi32>, vector<16xi32>], vector<16xf32>,
          %mul3A_612 = arith.constant 8.000000e+00 : f32
          %mul3A_613 = vector.broadcast %mul3A_612 : f32 to vector<16xf32>
          %mul3A_614 = arith.mulf %gather3A_584, %mul3A_613 : vector<16xf32>
          tpu.vector_store_idx %arg10[%add3A_560, %add3A_546], %mul3A_614 : memref<64x128xf32, #tpu.memory_space<vmem>>[vector<16xi32>, vector<16xi32>], vector<16xf32>,
          %mul3A_615 = arith.constant 8.000000e+00 : f32
          %mul3A_616 = vector.broadcast %mul3A_615 : f32 to vector<16xf32>
          %mul3A_617 = arith.mulf %gather3A_585, %mul3A_616 : vector<16xf32>
          tpu.vector_store_idx %arg10[%add3A_562, %add3A_546], %mul3A_617 : memref<64x128xf32, #tpu.memory_space<vmem>>[vector<16xi32>, vector<16xi32>], vector<16xf32>,
          %mul3A_618 = arith.constant 8.000000e+00 : f32
          %mul3A_619 = vector.broadcast %mul3A_618 : f32 to vector<16xf32>
          %mul3A_620 = arith.mulf %gather3A_586, %mul3A_619 : vector<16xf32>
          tpu.vector_store_idx %arg10[%add3A_564, %add3A_546], %mul3A_620 : memref<64x128xf32, #tpu.memory_space<vmem>>[vector<16xi32>, vector<16xi32>], vector<16xf32>,
          %mul3A_621 = arith.constant 8.000000e+00 : f32
          %mul3A_622 = vector.broadcast %mul3A_621 : f32 to vector<16xf32>
          %mul3A_623 = arith.mulf %gather3A_587, %mul3A_622 : vector<16xf32>
          tpu.vector_store_idx %arg10[%add3A_566, %add3A_546], %mul3A_623 : memref<64x128xf32, #tpu.memory_space<vmem>>[vector<16xi32>, vector<16xi32>], vector<16xf32>,
          %mul3A_624 = arith.constant 8.000000e+00 : f32
          %mul3A_625 = vector.broadcast %mul3A_624 : f32 to vector<16xf32>
          %mul3A_626 = arith.mulf %gather3A_588, %mul3A_625 : vector<16xf32>
          tpu.vector_store_idx %arg10[%add3A_568, %add3A_546], %mul3A_626 : memref<64x128xf32, #tpu.memory_space<vmem>>[vector<16xi32>, vector<16xi32>], vector<16xf32>,
          %mul3A_627 = arith.constant 8.000000e+00 : f32
          %mul3A_628 = vector.broadcast %mul3A_627 : f32 to vector<16xf32>
          %mul3A_629 = arith.mulf %gather3A_589, %mul3A_628 : vector<16xf32>
          tpu.vector_store_idx %arg10[%add3A_570, %add3A_546], %mul3A_629 : memref<64x128xf32, #tpu.memory_space<vmem>>[vector<16xi32>, vector<16xi32>], vector<16xf32>,
          %mul3A_630 = arith.constant 8.000000e+00 : f32
          %mul3A_631 = vector.broadcast %mul3A_630 : f32 to vector<16xf32>
          %mul3A_632 = arith.mulf %gather3A_590, %mul3A_631 : vector<16xf32>
          tpu.vector_store_idx %arg10[%add3A_572, %add3A_546], %mul3A_632 : memref<64x128xf32, #tpu.memory_space<vmem>>[vector<16xi32>, vector<16xi32>], vector<16xf32>,
          %mul3A_633 = arith.constant 8.000000e+00 : f32
          %mul3A_634 = vector.broadcast %mul3A_633 : f32 to vector<16xf32>
          %mul3A_635 = arith.mulf %gather3A_591, %mul3A_634 : vector<16xf32>
          tpu.vector_store_idx %arg10[%add3A_574, %add3A_546], %mul3A_635 : memref<64x128xf32, #tpu.memory_space<vmem>>[vector<16xi32>, vector<16xi32>], vector<16xf32>,
          %mul3A_636 = arith.constant 8.000000e+00 : f32
          %mul3A_637 = vector.broadcast %mul3A_636 : f32 to vector<16xf32>
          %mul3A_638 = arith.mulf %gather3A_592, %mul3A_637 : vector<16xf32>
          tpu.vector_store_idx %arg10[%add3A_576, %add3A_546], %mul3A_638 : memref<64x128xf32, #tpu.memory_space<vmem>>[vector<16xi32>, vector<16xi32>], vector<16xf32>,
          %mul3A_639 = arith.constant 8.000000e+00 : f32
          %mul3A_640 = vector.broadcast %mul3A_639 : f32 to vector<16xf32>
          %mul3A_641 = arith.mulf %gather3A_593, %mul3A_640 : vector<16xf32>
          tpu.vector_store_idx %arg10[%add3A_578, %add3A_546], %mul3A_641 : memref<64x128xf32, #tpu.memory_space<vmem>>[vector<16xi32>, vector<16xi32>], vector<16xf32>,
        }
        %scan3A_372 = arith.constant 32 : i32
        %add3A_373 = arith.addi %mul3A_2, %add3A_326 : i32
        %jit3A = arith.constant 32 : i32
        %div3A = arith.divsi %add3A_373, %jit3A : i32
        %sign3A = arith.constant 0 : i32
        %sign3A_374 = arith.cmpi sgt, %add3A_373, %sign3A : i32
        %sign3A_375 = arith.extui %sign3A_374 : i1 to i32
        %sign3A_376 = arith.constant 0 : i32
        %sign3A_377 = arith.cmpi slt, %add3A_373, %sign3A_376 : i32
        %sign3A_378 = arith.extui %sign3A_377 : i1 to i32
        %sign3A_379 = arith.subi %sign3A_375, %sign3A_378 : i32
        %sign3A_380 = arith.constant 0 : i32
        %sign3A_381 = arith.cmpi sgt, %jit3A, %sign3A_380 : i32
        %sign3A_382 = arith.extui %sign3A_381 : i1 to i32
        %sign3A_383 = arith.constant 0 : i32
        %sign3A_384 = arith.cmpi slt, %jit3A, %sign3A_383 : i32
        %sign3A_385 = arith.extui %sign3A_384 : i1 to i32
        %sign3A_386 = arith.subi %sign3A_382, %sign3A_385 : i32
        %ne3A = arith.cmpi ne, %sign3A_379, %sign3A_386 : i32
        %rem3A_387 = arith.remsi %add3A_373, %jit3A : i32
        %ne3A_388 = arith.constant 0 : i32
        %ne3A_389 = arith.cmpi ne, %rem3A_387, %ne3A_388 : i32
        %and3A = arith.andi %ne3A, %ne3A_389 : i1
        %sub3A = arith.constant 1 : i32
        %sub3A_390 = arith.subi %div3A, %sub3A : i32
        %select_n3A = arith.select %and3A, %sub3A_390, %div3A : i32
        %rem3A_391 = arith.constant 32 : i32
        %rem3A_392 = arith.remsi %add3A_373, %rem3A_391 : i32
        %dma_start3A_393 = arith.constant 0 : i32
        %dma_start3A_394 = arith.constant 0 : i32
        %dma_start3A_395 = arith.constant 0 : i32
        %dma_start3A_396 = arith.constant 0 : i32
        %dma_start3A_397 = tpu.memref_slice %arg10[%dma_start3A_395, %dma_start3A_396] : memref<64x128xf32, #tpu.memory_space<vmem>> -> memref<8x128xf32, #tpu.memory_space<vmem>>
        %dma_start3A_398 = arith.constant 0 : i32
        %dma_start3A_399 = arith.constant 0 : i32
        %dma_start3A_400 = tpu.memref_slice %arg4[%select_n3A, %dma_start3A_393, %rem3A_392, %dma_start3A_398, %dma_start3A_399] : memref<200x8x32x8x128xf32, #tpu.memory_space<hbm>> -> memref<1x1x1x8x128xf32, #tpu.memory_space<hbm>>
        %dma_start3A_401 = tpu.memref_squeeze %dma_start3A_400 : memref<1x1x1x8x128xf32, #tpu.memory_space<hbm>> -> memref<8x128xf32, #tpu.memory_space<hbm>>
        %dma_start3A_402 = tpu.memref_slice %arg14[%dma_start3A_394] : memref<3x!tpu.dma_semaphore, #tpu.memory_space<semaphore_mem>> -> memref<1x!tpu.dma_semaphore, #tpu.memory_space<semaphore_mem>>
        %dma_start3A_403 = tpu.memref_squeeze %dma_start3A_402 : memref<1x!tpu.dma_semaphore, #tpu.memory_space<semaphore_mem>> -> memref<!tpu.dma_semaphore, #tpu.memory_space<semaphore_mem>>
        %dma_start3A_404 = arith.constant 0 : i32
        %dma_start3A_405 = arith.constant 0 : i32
        %dma_start3A_406 = tpu.memref_slice %arg4[%select_n3A, %dma_start3A_393, %rem3A_392, %dma_start3A_404, %dma_start3A_405] : memref<200x8x32x8x128xf32, #tpu.memory_space<hbm>> -> memref<1x1x1x8x128xf32, #tpu.memory_space<hbm>>
        %dma_start3A_407 = tpu.memref_squeeze %dma_start3A_406 : memref<1x1x1x8x128xf32, #tpu.memory_space<hbm>> -> memref<8x128xf32, #tpu.memory_space<hbm>>
        %dma_start3A_408 = arith.constant 0 : i32
        %dma_start3A_409 = arith.constant 0 : i32
        %dma_start3A_410 = tpu.memref_slice %arg10[%dma_start3A_408, %dma_start3A_409] : memref<64x128xf32, #tpu.memory_space<vmem>> -> memref<8x128xf32, #tpu.memory_space<vmem>>
        tpu.enqueue_dma source(%dma_start3A_410 : memref<8x128xf32, #tpu.memory_space<vmem>>) target(%dma_start3A_407 : memref<8x128xf32, #tpu.memory_space<hbm>>) target_semaphore(%dma_start3A_403 : memref<!tpu.dma_semaphore, #tpu.memory_space<semaphore_mem>>)
        %dma_start3A_411 = arith.constant 1 : i32
        %dma_start3A_412 = arith.constant 0 : i32
        %dma_start3A_413 = arith.constant 8 : i32
        %dma_start3A_414 = arith.constant 0 : i32
        %dma_start3A_415 = tpu.memref_slice %arg10[%dma_start3A_413, %dma_start3A_414] : memref<64x128xf32, #tpu.memory_space<vmem>> -> memref<8x128xf32, #tpu.memory_space<vmem>>
        %dma_start3A_416 = arith.constant 0 : i32
        %dma_start3A_417 = arith.constant 0 : i32
        %dma_start3A_418 = tpu.memref_slice %arg4[%select_n3A, %dma_start3A_411, %rem3A_392, %dma_start3A_416, %dma_start3A_417] : memref<200x8x32x8x128xf32, #tpu.memory_space<hbm>> -> memref<1x1x1x8x128xf32, #tpu.memory_space<hbm>>
        %dma_start3A_419 = tpu.memref_squeeze %dma_start3A_418 : memref<1x1x1x8x128xf32, #tpu.memory_space<hbm>> -> memref<8x128xf32, #tpu.memory_space<hbm>>
        %dma_start3A_420 = tpu.memref_slice %arg14[%dma_start3A_412] : memref<3x!tpu.dma_semaphore, #tpu.memory_space<semaphore_mem>> -> memref<1x!tpu.dma_semaphore, #tpu.memory_space<semaphore_mem>>
        %dma_start3A_421 = tpu.memref_squeeze %dma_start3A_420 : memref<1x!tpu.dma_semaphore, #tpu.memory_space<semaphore_mem>> -> memref<!tpu.dma_semaphore, #tpu.memory_space<semaphore_mem>>
        %dma_start3A_422 = arith.constant 0 : i32
        %dma_start3A_423 = arith.constant 0 : i32
        %dma_start3A_424 = tpu.memref_slice %arg4[%select_n3A, %dma_start3A_411, %rem3A_392, %dma_start3A_422, %dma_start3A_423] : memref<200x8x32x8x128xf32, #tpu.memory_space<hbm>> -> memref<1x1x1x8x128xf32, #tpu.memory_space<hbm>>
        %dma_start3A_425 = tpu.memref_squeeze %dma_start3A_424 : memref<1x1x1x8x128xf32, #tpu.memory_space<hbm>> -> memref<8x128xf32, #tpu.memory_space<hbm>>
        %dma_start3A_426 = arith.constant 8 : i32
        %dma_start3A_427 = arith.constant 0 : i32
        %dma_start3A_428 = tpu.memref_slice %arg10[%dma_start3A_426, %dma_start3A_427] : memref<64x128xf32, #tpu.memory_space<vmem>> -> memref<8x128xf32, #tpu.memory_space<vmem>>
        tpu.enqueue_dma source(%dma_start3A_428 : memref<8x128xf32, #tpu.memory_space<vmem>>) target(%dma_start3A_425 : memref<8x128xf32, #tpu.memory_space<hbm>>) target_semaphore(%dma_start3A_421 : memref<!tpu.dma_semaphore, #tpu.memory_space<semaphore_mem>>)
        %dma_start3A_429 = arith.constant 2 : i32
        %dma_start3A_430 = arith.constant 0 : i32
        %dma_start3A_431 = arith.constant 16 : i32
        %dma_start3A_432 = arith.constant 0 : i32
        %dma_start3A_433 = tpu.memref_slice %arg10[%dma_start3A_431, %dma_start3A_432] : memref<64x128xf32, #tpu.memory_space<vmem>> -> memref<8x128xf32, #tpu.memory_space<vmem>>
        %dma_start3A_434 = arith.constant 0 : i32
        %dma_start3A_435 = arith.constant 0 : i32
        %dma_start3A_436 = tpu.memref_slice %arg4[%select_n3A, %dma_start3A_429, %rem3A_392, %dma_start3A_434, %dma_start3A_435] : memref<200x8x32x8x128xf32, #tpu.memory_space<hbm>> -> memref<1x1x1x8x128xf32, #tpu.memory_space<hbm>>
        %dma_start3A_437 = tpu.memref_squeeze %dma_start3A_436 : memref<1x1x1x8x128xf32, #tpu.memory_space<hbm>> -> memref<8x128xf32, #tpu.memory_space<hbm>>
        %dma_start3A_438 = tpu.memref_slice %arg14[%dma_start3A_430] : memref<3x!tpu.dma_semaphore, #tpu.memory_space<semaphore_mem>> -> memref<1x!tpu.dma_semaphore, #tpu.memory_space<semaphore_mem>>
        %dma_start3A_439 = tpu.memref_squeeze %dma_start3A_438 : memref<1x!tpu.dma_semaphore, #tpu.memory_space<semaphore_mem>> -> memref<!tpu.dma_semaphore, #tpu.memory_space<semaphore_mem>>
        %dma_start3A_440 = arith.constant 0 : i32
        %dma_start3A_441 = arith.constant 0 : i32
        %dma_start3A_442 = tpu.memref_slice %arg4[%select_n3A, %dma_start3A_429, %rem3A_392, %dma_start3A_440, %dma_start3A_441] : memref<200x8x32x8x128xf32, #tpu.memory_space<hbm>> -> memref<1x1x1x8x128xf32, #tpu.memory_space<hbm>>
        %dma_start3A_443 = tpu.memref_squeeze %dma_start3A_442 : memref<1x1x1x8x128xf32, #tpu.memory_space<hbm>> -> memref<8x128xf32, #tpu.memory_space<hbm>>
        %dma_start3A_444 = arith.constant 16 : i32
        %dma_start3A_445 = arith.constant 0 : i32
        %dma_start3A_446 = tpu.memref_slice %arg10[%dma_start3A_444, %dma_start3A_445] : memref<64x128xf32, #tpu.memory_space<vmem>> -> memref<8x128xf32, #tpu.memory_space<vmem>>
        tpu.enqueue_dma source(%dma_start3A_446 : memref<8x128xf32, #tpu.memory_space<vmem>>) target(%dma_start3A_443 : memref<8x128xf32, #tpu.memory_space<hbm>>) target_semaphore(%dma_start3A_439 : memref<!tpu.dma_semaphore, #tpu.memory_space<semaphore_mem>>)
        %dma_start3A_447 = arith.constant 3 : i32
        %dma_start3A_448 = arith.constant 0 : i32
        %dma_start3A_449 = arith.constant 24 : i32
        %dma_start3A_450 = arith.constant 0 : i32
        %dma_start3A_451 = tpu.memref_slice %arg10[%dma_start3A_449, %dma_start3A_450] : memref<64x128xf32, #tpu.memory_space<vmem>> -> memref<8x128xf32, #tpu.memory_space<vmem>>
        %dma_start3A_452 = arith.constant 0 : i32
        %dma_start3A_453 = arith.constant 0 : i32
        %dma_start3A_454 = tpu.memref_slice %arg4[%select_n3A, %dma_start3A_447, %rem3A_392, %dma_start3A_452, %dma_start3A_453] : memref<200x8x32x8x128xf32, #tpu.memory_space<hbm>> -> memref<1x1x1x8x128xf32, #tpu.memory_space<hbm>>
        %dma_start3A_455 = tpu.memref_squeeze %dma_start3A_454 : memref<1x1x1x8x128xf32, #tpu.memory_space<hbm>> -> memref<8x128xf32, #tpu.memory_space<hbm>>
        %dma_start3A_456 = tpu.memref_slice %arg14[%dma_start3A_448] : memref<3x!tpu.dma_semaphore, #tpu.memory_space<semaphore_mem>> -> memref<1x!tpu.dma_semaphore, #tpu.memory_space<semaphore_mem>>
        %dma_start3A_457 = tpu.memref_squeeze %dma_start3A_456 : memref<1x!tpu.dma_semaphore, #tpu.memory_space<semaphore_mem>> -> memref<!tpu.dma_semaphore, #tpu.memory_space<semaphore_mem>>
        %dma_start3A_458 = arith.constant 0 : i32
        %dma_start3A_459 = arith.constant 0 : i32
        %dma_start3A_460 = tpu.memref_slice %arg4[%select_n3A, %dma_start3A_447, %rem3A_392, %dma_start3A_458, %dma_start3A_459] : memref<200x8x32x8x128xf32, #tpu.memory_space<hbm>> -> memref<1x1x1x8x128xf32, #tpu.memory_space<hbm>>
        %dma_start3A_461 = tpu.memref_squeeze %dma_start3A_460 : memref<1x1x1x8x128xf32, #tpu.memory_space<hbm>> -> memref<8x128xf32, #tpu.memory_space<hbm>>
        %dma_start3A_462 = arith.constant 24 : i32
        %dma_start3A_463 = arith.constant 0 : i32
        %dma_start3A_464 = tpu.memref_slice %arg10[%dma_start3A_462, %dma_start3A_463] : memref<64x128xf32, #tpu.memory_space<vmem>> -> memref<8x128xf32, #tpu.memory_space<vmem>>
        tpu.enqueue_dma source(%dma_start3A_464 : memref<8x128xf32, #tpu.memory_space<vmem>>) target(%dma_start3A_461 : memref<8x128xf32, #tpu.memory_space<hbm>>) target_semaphore(%dma_start3A_457 : memref<!tpu.dma_semaphore, #tpu.memory_space<semaphore_mem>>)
        %dma_start3A_465 = arith.constant 4 : i32
        %dma_start3A_466 = arith.constant 0 : i32
        %dma_start3A_467 = arith.constant 32 : i32
        %dma_start3A_468 = arith.constant 0 : i32
        %dma_start3A_469 = tpu.memref_slice %arg10[%dma_start3A_467, %dma_start3A_468] : memref<64x128xf32, #tpu.memory_space<vmem>> -> memref<8x128xf32, #tpu.memory_space<vmem>>
        %dma_start3A_470 = arith.constant 0 : i32
        %dma_start3A_471 = arith.constant 0 : i32
        %dma_start3A_472 = tpu.memref_slice %arg4[%select_n3A, %dma_start3A_465, %rem3A_392, %dma_start3A_470, %dma_start3A_471] : memref<200x8x32x8x128xf32, #tpu.memory_space<hbm>> -> memref<1x1x1x8x128xf32, #tpu.memory_space<hbm>>
        %dma_start3A_473 = tpu.memref_squeeze %dma_start3A_472 : memref<1x1x1x8x128xf32, #tpu.memory_space<hbm>> -> memref<8x128xf32, #tpu.memory_space<hbm>>
        %dma_start3A_474 = tpu.memref_slice %arg14[%dma_start3A_466] : memref<3x!tpu.dma_semaphore, #tpu.memory_space<semaphore_mem>> -> memref<1x!tpu.dma_semaphore, #tpu.memory_space<semaphore_mem>>
        %dma_start3A_475 = tpu.memref_squeeze %dma_start3A_474 : memref<1x!tpu.dma_semaphore, #tpu.memory_space<semaphore_mem>> -> memref<!tpu.dma_semaphore, #tpu.memory_space<semaphore_mem>>
        %dma_start3A_476 = arith.constant 0 : i32
        %dma_start3A_477 = arith.constant 0 : i32
        %dma_start3A_478 = tpu.memref_slice %arg4[%select_n3A, %dma_start3A_465, %rem3A_392, %dma_start3A_476, %dma_start3A_477] : memref<200x8x32x8x128xf32, #tpu.memory_space<hbm>> -> memref<1x1x1x8x128xf32, #tpu.memory_space<hbm>>
        %dma_start3A_479 = tpu.memref_squeeze %dma_start3A_478 : memref<1x1x1x8x128xf32, #tpu.memory_space<hbm>> -> memref<8x128xf32, #tpu.memory_space<hbm>>
        %dma_start3A_480 = arith.constant 32 : i32
        %dma_start3A_481 = arith.constant 0 : i32
        %dma_start3A_482 = tpu.memref_slice %arg10[%dma_start3A_480, %dma_start3A_481] : memref<64x128xf32, #tpu.memory_space<vmem>> -> memref<8x128xf32, #tpu.memory_space<vmem>>
        tpu.enqueue_dma source(%dma_start3A_482 : memref<8x128xf32, #tpu.memory_space<vmem>>) target(%dma_start3A_479 : memref<8x128xf32, #tpu.memory_space<hbm>>) target_semaphore(%dma_start3A_475 : memref<!tpu.dma_semaphore, #tpu.memory_space<semaphore_mem>>)
        %dma_start3A_483 = arith.constant 5 : i32
        %dma_start3A_484 = arith.constant 0 : i32
        %dma_start3A_485 = arith.constant 40 : i32
        %dma_start3A_486 = arith.constant 0 : i32
        %dma_start3A_487 = tpu.memref_slice %arg10[%dma_start3A_485, %dma_start3A_486] : memref<64x128xf32, #tpu.memory_space<vmem>> -> memref<8x128xf32, #tpu.memory_space<vmem>>
        %dma_start3A_488 = arith.constant 0 : i32
        %dma_start3A_489 = arith.constant 0 : i32
        %dma_start3A_490 = tpu.memref_slice %arg4[%select_n3A, %dma_start3A_483, %rem3A_392, %dma_start3A_488, %dma_start3A_489] : memref<200x8x32x8x128xf32, #tpu.memory_space<hbm>> -> memref<1x1x1x8x128xf32, #tpu.memory_space<hbm>>
        %dma_start3A_491 = tpu.memref_squeeze %dma_start3A_490 : memref<1x1x1x8x128xf32, #tpu.memory_space<hbm>> -> memref<8x128xf32, #tpu.memory_space<hbm>>
        %dma_start3A_492 = tpu.memref_slice %arg14[%dma_start3A_484] : memref<3x!tpu.dma_semaphore, #tpu.memory_space<semaphore_mem>> -> memref<1x!tpu.dma_semaphore, #tpu.memory_space<semaphore_mem>>
        %dma_start3A_493 = tpu.memref_squeeze %dma_start3A_492 : memref<1x!tpu.dma_semaphore, #tpu.memory_space<semaphore_mem>> -> memref<!tpu.dma_semaphore, #tpu.memory_space<semaphore_mem>>
        %dma_start3A_494 = arith.constant 0 : i32
        %dma_start3A_495 = arith.constant 0 : i32
        %dma_start3A_496 = tpu.memref_slice %arg4[%select_n3A, %dma_start3A_483, %rem3A_392, %dma_start3A_494, %dma_start3A_495] : memref<200x8x32x8x128xf32, #tpu.memory_space<hbm>> -> memref<1x1x1x8x128xf32, #tpu.memory_space<hbm>>
        %dma_start3A_497 = tpu.memref_squeeze %dma_start3A_496 : memref<1x1x1x8x128xf32, #tpu.memory_space<hbm>> -> memref<8x128xf32, #tpu.memory_space<hbm>>
        %dma_start3A_498 = arith.constant 40 : i32
        %dma_start3A_499 = arith.constant 0 : i32
        %dma_start3A_500 = tpu.memref_slice %arg10[%dma_start3A_498, %dma_start3A_499] : memref<64x128xf32, #tpu.memory_space<vmem>> -> memref<8x128xf32, #tpu.memory_space<vmem>>
        tpu.enqueue_dma source(%dma_start3A_500 : memref<8x128xf32, #tpu.memory_space<vmem>>) target(%dma_start3A_497 : memref<8x128xf32, #tpu.memory_space<hbm>>) target_semaphore(%dma_start3A_493 : memref<!tpu.dma_semaphore, #tpu.memory_space<semaphore_mem>>)
        %dma_start3A_501 = arith.constant 6 : i32
        %dma_start3A_502 = arith.constant 0 : i32
        %dma_start3A_503 = arith.constant 48 : i32
        %dma_start3A_504 = arith.constant 0 : i32
        %dma_start3A_505 = tpu.memref_slice %arg10[%dma_start3A_503, %dma_start3A_504] : memref<64x128xf32, #tpu.memory_space<vmem>> -> memref<8x128xf32, #tpu.memory_space<vmem>>
        %dma_start3A_506 = arith.constant 0 : i32
        %dma_start3A_507 = arith.constant 0 : i32
        %dma_start3A_508 = tpu.memref_slice %arg4[%select_n3A, %dma_start3A_501, %rem3A_392, %dma_start3A_506, %dma_start3A_507] : memref<200x8x32x8x128xf32, #tpu.memory_space<hbm>> -> memref<1x1x1x8x128xf32, #tpu.memory_space<hbm>>
        %dma_start3A_509 = tpu.memref_squeeze %dma_start3A_508 : memref<1x1x1x8x128xf32, #tpu.memory_space<hbm>> -> memref<8x128xf32, #tpu.memory_space<hbm>>
        %dma_start3A_510 = tpu.memref_slice %arg14[%dma_start3A_502] : memref<3x!tpu.dma_semaphore, #tpu.memory_space<semaphore_mem>> -> memref<1x!tpu.dma_semaphore, #tpu.memory_space<semaphore_mem>>
        %dma_start3A_511 = tpu.memref_squeeze %dma_start3A_510 : memref<1x!tpu.dma_semaphore, #tpu.memory_space<semaphore_mem>> -> memref<!tpu.dma_semaphore, #tpu.memory_space<semaphore_mem>>
        %dma_start3A_512 = arith.constant 0 : i32
        %dma_start3A_513 = arith.constant 0 : i32
        %dma_start3A_514 = tpu.memref_slice %arg4[%select_n3A, %dma_start3A_501, %rem3A_392, %dma_start3A_512, %dma_start3A_513] : memref<200x8x32x8x128xf32, #tpu.memory_space<hbm>> -> memref<1x1x1x8x128xf32, #tpu.memory_space<hbm>>
        %dma_start3A_515 = tpu.memref_squeeze %dma_start3A_514 : memref<1x1x1x8x128xf32, #tpu.memory_space<hbm>> -> memref<8x128xf32, #tpu.memory_space<hbm>>
        %dma_start3A_516 = arith.constant 48 : i32
        %dma_start3A_517 = arith.constant 0 : i32
        %dma_start3A_518 = tpu.memref_slice %arg10[%dma_start3A_516, %dma_start3A_517] : memref<64x128xf32, #tpu.memory_space<vmem>> -> memref<8x128xf32, #tpu.memory_space<vmem>>
        tpu.enqueue_dma source(%dma_start3A_518 : memref<8x128xf32, #tpu.memory_space<vmem>>) target(%dma_start3A_515 : memref<8x128xf32, #tpu.memory_space<hbm>>) target_semaphore(%dma_start3A_511 : memref<!tpu.dma_semaphore, #tpu.memory_space<semaphore_mem>>)
        %dma_start3A_519 = arith.constant 7 : i32
        %dma_start3A_520 = arith.constant 0 : i32
        %dma_start3A_521 = arith.constant 56 : i32
        %dma_start3A_522 = arith.constant 0 : i32
        %dma_start3A_523 = tpu.memref_slice %arg10[%dma_start3A_521, %dma_start3A_522] : memref<64x128xf32, #tpu.memory_space<vmem>> -> memref<8x128xf32, #tpu.memory_space<vmem>>
        %dma_start3A_524 = arith.constant 0 : i32
        %dma_start3A_525 = arith.constant 0 : i32
        %dma_start3A_526 = tpu.memref_slice %arg4[%select_n3A, %dma_start3A_519, %rem3A_392, %dma_start3A_524, %dma_start3A_525] : memref<200x8x32x8x128xf32, #tpu.memory_space<hbm>> -> memref<1x1x1x8x128xf32, #tpu.memory_space<hbm>>
        %dma_start3A_527 = tpu.memref_squeeze %dma_start3A_526 : memref<1x1x1x8x128xf32, #tpu.memory_space<hbm>> -> memref<8x128xf32, #tpu.memory_space<hbm>>
        %dma_start3A_528 = tpu.memref_slice %arg14[%dma_start3A_520] : memref<3x!tpu.dma_semaphore, #tpu.memory_space<semaphore_mem>> -> memref<1x!tpu.dma_semaphore, #tpu.memory_space<semaphore_mem>>
        %dma_start3A_529 = tpu.memref_squeeze %dma_start3A_528 : memref<1x!tpu.dma_semaphore, #tpu.memory_space<semaphore_mem>> -> memref<!tpu.dma_semaphore, #tpu.memory_space<semaphore_mem>>
        %dma_start3A_530 = arith.constant 0 : i32
        %dma_start3A_531 = arith.constant 0 : i32
        %dma_start3A_532 = tpu.memref_slice %arg4[%select_n3A, %dma_start3A_519, %rem3A_392, %dma_start3A_530, %dma_start3A_531] : memref<200x8x32x8x128xf32, #tpu.memory_space<hbm>> -> memref<1x1x1x8x128xf32, #tpu.memory_space<hbm>>
        %dma_start3A_533 = tpu.memref_squeeze %dma_start3A_532 : memref<1x1x1x8x128xf32, #tpu.memory_space<hbm>> -> memref<8x128xf32, #tpu.memory_space<hbm>>
        %dma_start3A_534 = arith.constant 56 : i32
        %dma_start3A_535 = arith.constant 0 : i32
        %dma_start3A_536 = tpu.memref_slice %arg10[%dma_start3A_534, %dma_start3A_535] : memref<64x128xf32, #tpu.memory_space<vmem>> -> memref<8x128xf32, #tpu.memory_space<vmem>>
        tpu.enqueue_dma source(%dma_start3A_536 : memref<8x128xf32, #tpu.memory_space<vmem>>) target(%dma_start3A_533 : memref<8x128xf32, #tpu.memory_space<hbm>>) target_semaphore(%dma_start3A_529 : memref<!tpu.dma_semaphore, #tpu.memory_space<semaphore_mem>>)
      } else {
      }
      %mul3A_329 = arith.constant 3 : i32
      %mul3A_330 = arith.muli %scan3A_322, %mul3A_329 : i32
      %add3A_331 = arith.constant 1 : i32
      %add3A_332 = arith.addi %mul3A_330, %add3A_331 : i32
      %lt3A_333 = arith.constant 200 : i32
      %lt3A_334 = arith.cmpi slt, %add3A_332, %lt3A_333 : i32
      %convert_element_type3A_335 = arith.extui %lt3A_334 : i1 to i32
      %cond3A_336 = arith.constant 0 : i32
      %cond3A_337 = arith.cmpi ne, %convert_element_type3A_335, %cond3A_336 : i32
      scf.if %cond3A_337 {
        %dma_wait3A_347 = arith.constant 1 : i32
        %dma_wait3A_348 = arith.constant 0 : i32
        %dma_wait3A_349 = arith.constant 0 : i32
        %dma_wait3A_350 = tpu.memref_slice %arg3[%dma_wait3A_348, %dma_wait3A_349] : memref<2000000x64xf32, #tpu.memory_space<hbm>> -> memref<128x64xf32, #tpu.memory_space<hbm>>
        %dma_wait3A_351 = tpu.memref_slice %arg13[%dma_wait3A_347] : memref<3x!tpu.dma_semaphore, #tpu.memory_space<semaphore_mem>> -> memref<1x!tpu.dma_semaphore, #tpu.memory_space<semaphore_mem>>
        %dma_wait3A_352 = tpu.memref_squeeze %dma_wait3A_351 : memref<1x!tpu.dma_semaphore, #tpu.memory_space<semaphore_mem>> -> memref<!tpu.dma_semaphore, #tpu.memory_space<semaphore_mem>>
        %dma_wait3A_353 = arith.constant 0 : i32
        %dma_wait3A_354 = arith.constant 0 : i32
        %dma_wait3A_355 = tpu.memref_slice %arg3[%dma_wait3A_353, %dma_wait3A_354] : memref<2000000x64xf32, #tpu.memory_space<hbm>> -> memref<128x64xf32, #tpu.memory_space<hbm>>
        tpu.wait_dma2 semaphore(%dma_wait3A_352 : memref<!tpu.dma_semaphore, #tpu.memory_space<semaphore_mem>>) src(%dma_wait3A_355 : memref<128x64xf32, #tpu.memory_space<hbm>>) dst(%arg8 : memref<128x64xf32, #tpu.memory_space<vmem>>)
        %add3A_356 = arith.constant 2 : i32
        %add3A_357 = arith.addi %add3A_332, %add3A_356 : i32
        %lt3A_358 = arith.constant 200 : i32
        %lt3A_359 = arith.cmpi slt, %add3A_357, %lt3A_358 : i32
        %convert_element_type3A_360 = arith.extui %lt3A_359 : i1 to i32
        %cond3A_361 = arith.constant 0 : i32
        %cond3A_362 = arith.cmpi ne, %convert_element_type3A_360, %cond3A_361 : i32
        scf.if %cond3A_362 {
          %add3A_537 = arith.constant 2 : i32
          %add3A_538 = arith.addi %add3A_332, %add3A_537 : i32
          %get3A_539 = arith.index_cast %add3A_538 : i32 to index
          %get3A_540 = arith.constant 0 : index
          %get3A_541 = tpu.vector_load %arg5[%get3A_539, %get3A_540] {strides = array<i32>} : memref<200x128xi32, #tpu.memory_space<vmem>>, vector<16xi32>,
          %mul3A_542 = arith.constant 2 : i32
          %mul3A_543 = vector.broadcast %mul3A_542 : i32 to vector<16xi32>
          %mul3A_544 = arith.muli %get3A_541, %mul3A_543 : vector<16xi32>
          %swap3A_545 = arith.constant 0 : i32
          %swap3A_546 = arith.index_cast %swap3A_545 : i32 to index
          %swap3A_547 = arith.constant 0 : index
          %swap3A_548 = tpu.vector_load %arg6[%swap3A_546, %swap3A_547] {strides = array<i32>} : memref<3x128xi32, #tpu.memory_space<vmem>>, vector<16xi32>,
          tpu.vector_store %arg6[%swap3A_546, %swap3A_547], %mul3A_544 {strides = array<i32>} : memref<3x128xi32, #tpu.memory_space<vmem>>, vector<16xi32>,
          %get3A_549 = arith.index_cast %add3A_538 : i32 to index
          %get3A_550 = arith.constant 16 : index
          %get3A_551 = tpu.vector_load %arg5[%get3A_549, %get3A_550] {strides = array<i32>} : memref<200x128xi32, #tpu.memory_space<vmem>>, vector<16xi32>,
          %mul3A_552 = arith.constant 2 : i32
          %mul3A_553 = vector.broadcast %mul3A_552 : i32 to vector<16xi32>
          %mul3A_554 = arith.muli %get3A_551, %mul3A_553 : vector<16xi32>
          %swap3A_555 = arith.constant 0 : i32
          %swap3A_556 = arith.index_cast %swap3A_555 : i32 to index
          %swap3A_557 = arith.constant 16 : index
          %swap3A_558 = tpu.vector_load %arg6[%swap3A_556, %swap3A_557] {strides = array<i32>} : memref<3x128xi32, #tpu.memory_space<vmem>>, vector<16xi32>,
          tpu.vector_store %arg6[%swap3A_556, %swap3A_557], %mul3A_554 {strides = array<i32>} : memref<3x128xi32, #tpu.memory_space<vmem>>, vector<16xi32>,
          %get3A_559 = arith.index_cast %add3A_538 : i32 to index
          %get3A_560 = arith.constant 32 : index
          %get3A_561 = tpu.vector_load %arg5[%get3A_559, %get3A_560] {strides = array<i32>} : memref<200x128xi32, #tpu.memory_space<vmem>>, vector<16xi32>,
          %mul3A_562 = arith.constant 2 : i32
          %mul3A_563 = vector.broadcast %mul3A_562 : i32 to vector<16xi32>
          %mul3A_564 = arith.muli %get3A_561, %mul3A_563 : vector<16xi32>
          %swap3A_565 = arith.constant 0 : i32
          %swap3A_566 = arith.index_cast %swap3A_565 : i32 to index
          %swap3A_567 = arith.constant 32 : index
          %swap3A_568 = tpu.vector_load %arg6[%swap3A_566, %swap3A_567] {strides = array<i32>} : memref<3x128xi32, #tpu.memory_space<vmem>>, vector<16xi32>,
          tpu.vector_store %arg6[%swap3A_566, %swap3A_567], %mul3A_564 {strides = array<i32>} : memref<3x128xi32, #tpu.memory_space<vmem>>, vector<16xi32>,
          %get3A_569 = arith.index_cast %add3A_538 : i32 to index
          %get3A_570 = arith.constant 48 : index
          %get3A_571 = tpu.vector_load %arg5[%get3A_569, %get3A_570] {strides = array<i32>} : memref<200x128xi32, #tpu.memory_space<vmem>>, vector<16xi32>,
          %mul3A_572 = arith.constant 2 : i32
          %mul3A_573 = vector.broadcast %mul3A_572 : i32 to vector<16xi32>
          %mul3A_574 = arith.muli %get3A_571, %mul3A_573 : vector<16xi32>
          %swap3A_575 = arith.constant 0 : i32
          %swap3A_576 = arith.index_cast %swap3A_575 : i32 to index
          %swap3A_577 = arith.constant 48 : index
          %swap3A_578 = tpu.vector_load %arg6[%swap3A_576, %swap3A_577] {strides = array<i32>} : memref<3x128xi32, #tpu.memory_space<vmem>>, vector<16xi32>,
          tpu.vector_store %arg6[%swap3A_576, %swap3A_577], %mul3A_574 {strides = array<i32>} : memref<3x128xi32, #tpu.memory_space<vmem>>, vector<16xi32>,
          %get3A_579 = arith.index_cast %add3A_538 : i32 to index
          %get3A_580 = arith.constant 64 : index
          %get3A_581 = tpu.vector_load %arg5[%get3A_579, %get3A_580] {strides = array<i32>} : memref<200x128xi32, #tpu.memory_space<vmem>>, vector<16xi32>,
          %mul3A_582 = arith.constant 2 : i32
          %mul3A_583 = vector.broadcast %mul3A_582 : i32 to vector<16xi32>
          %mul3A_584 = arith.muli %get3A_581, %mul3A_583 : vector<16xi32>
          %swap3A_585 = arith.constant 0 : i32
          %swap3A_586 = arith.index_cast %swap3A_585 : i32 to index
          %swap3A_587 = arith.constant 64 : index
          %swap3A_588 = tpu.vector_load %arg6[%swap3A_586, %swap3A_587] {strides = array<i32>} : memref<3x128xi32, #tpu.memory_space<vmem>>, vector<16xi32>,
          tpu.vector_store %arg6[%swap3A_586, %swap3A_587], %mul3A_584 {strides = array<i32>} : memref<3x128xi32, #tpu.memory_space<vmem>>, vector<16xi32>,
          %get3A_589 = arith.index_cast %add3A_538 : i32 to index
          %get3A_590 = arith.constant 80 : index
          %get3A_591 = tpu.vector_load %arg5[%get3A_589, %get3A_590] {strides = array<i32>} : memref<200x128xi32, #tpu.memory_space<vmem>>, vector<16xi32>,
          %mul3A_592 = arith.constant 2 : i32
          %mul3A_593 = vector.broadcast %mul3A_592 : i32 to vector<16xi32>
          %mul3A_594 = arith.muli %get3A_591, %mul3A_593 : vector<16xi32>
          %swap3A_595 = arith.constant 0 : i32
          %swap3A_596 = arith.index_cast %swap3A_595 : i32 to index
          %swap3A_597 = arith.constant 80 : index
          %swap3A_598 = tpu.vector_load %arg6[%swap3A_596, %swap3A_597] {strides = array<i32>} : memref<3x128xi32, #tpu.memory_space<vmem>>, vector<16xi32>,
          tpu.vector_store %arg6[%swap3A_596, %swap3A_597], %mul3A_594 {strides = array<i32>} : memref<3x128xi32, #tpu.memory_space<vmem>>, vector<16xi32>,
          %get3A_599 = arith.index_cast %add3A_538 : i32 to index
          %get3A_600 = arith.constant 96 : index
          %get3A_601 = tpu.vector_load %arg5[%get3A_599, %get3A_600] {strides = array<i32>} : memref<200x128xi32, #tpu.memory_space<vmem>>, vector<16xi32>,
          %mul3A_602 = arith.constant 2 : i32
          %mul3A_603 = vector.broadcast %mul3A_602 : i32 to vector<16xi32>
          %mul3A_604 = arith.muli %get3A_601, %mul3A_603 : vector<16xi32>
          %swap3A_605 = arith.constant 0 : i32
          %swap3A_606 = arith.index_cast %swap3A_605 : i32 to index
          %swap3A_607 = arith.constant 96 : index
          %swap3A_608 = tpu.vector_load %arg6[%swap3A_606, %swap3A_607] {strides = array<i32>} : memref<3x128xi32, #tpu.memory_space<vmem>>, vector<16xi32>,
          tpu.vector_store %arg6[%swap3A_606, %swap3A_607], %mul3A_604 {strides = array<i32>} : memref<3x128xi32, #tpu.memory_space<vmem>>, vector<16xi32>,
          %get3A_609 = arith.index_cast %add3A_538 : i32 to index
          %get3A_610 = arith.constant 112 : index
          %get3A_611 = tpu.vector_load %arg5[%get3A_609, %get3A_610] {strides = array<i32>} : memref<200x128xi32, #tpu.memory_space<vmem>>, vector<16xi32>,
          %mul3A_612 = arith.constant 2 : i32
          %mul3A_613 = vector.broadcast %mul3A_612 : i32 to vector<16xi32>
          %mul3A_614 = arith.muli %get3A_611, %mul3A_613 : vector<16xi32>
          %swap3A_615 = arith.constant 0 : i32
          %swap3A_616 = arith.index_cast %swap3A_615 : i32 to index
          %swap3A_617 = arith.constant 112 : index
          %swap3A_618 = tpu.vector_load %arg6[%swap3A_616, %swap3A_617] {strides = array<i32>} : memref<3x128xi32, #tpu.memory_space<vmem>>, vector<16xi32>,
          tpu.vector_store %arg6[%swap3A_616, %swap3A_617], %mul3A_614 {strides = array<i32>} : memref<3x128xi32, #tpu.memory_space<vmem>>, vector<16xi32>,
          %dma_start3A_619 = arith.constant 0 : i32
          %dma_start3A_620 = arith.constant 0 : i32
          %dma_start3A_621 = arith.constant 0 : i32
          %dma_start3A_622 = tpu.memref_slice %arg6[%dma_start3A_619, %dma_start3A_621] : memref<3x128xi32, #tpu.memory_space<vmem>> -> memref<1x128xi32, #tpu.memory_space<vmem>>
          %dma_start3A_623 = tpu.memref_squeeze %dma_start3A_622 : memref<1x128xi32, #tpu.memory_space<vmem>> -> memref<128xi32, #tpu.memory_space<vmem>>
          %dma_start3A_624 = arith.constant 0 : i32
          %dma_start3A_625 = arith.constant 0 : i32
          %dma_start3A_626 = tpu.memref_slice %arg3[%dma_start3A_624, %dma_start3A_625] : memref<2000000x64xf32, #tpu.memory_space<hbm>> -> memref<2000000x64xf32, #tpu.memory_space<hbm>>
          %dma_start3A_627 = tpu.memref_slice %arg13[%dma_start3A_620] : memref<3x!tpu.dma_semaphore, #tpu.memory_space<semaphore_mem>> -> memref<1x!tpu.dma_semaphore, #tpu.memory_space<semaphore_mem>>
          %dma_start3A_628 = tpu.memref_squeeze %dma_start3A_627 : memref<1x!tpu.dma_semaphore, #tpu.memory_space<semaphore_mem>> -> memref<!tpu.dma_semaphore, #tpu.memory_space<semaphore_mem>>
          tpu.enqueue_indirect_dma source(%dma_start3A_626 : memref<2000000x64xf32, #tpu.memory_space<hbm>>) target(%arg7 : memref<128x64xf32, #tpu.memory_space<vmem>>) offsets(%dma_start3A_623 : memref<128xi32, #tpu.memory_space<vmem>>) semaphore(%dma_start3A_628 : memref<!tpu.dma_semaphore, #tpu.memory_space<semaphore_mem>>)
        } else {
        }
        %ge3A = arith.constant 3 : i32
        %ge3A_363 = arith.cmpi sge, %add3A_332, %ge3A : i32
        %convert_element_type3A_364 = arith.extui %ge3A_363 : i1 to i32
        %cond3A_365 = arith.constant 0 : i32
        %cond3A_366 = arith.cmpi ne, %convert_element_type3A_364, %cond3A_365 : i32
        scf.if %cond3A_366 {
          %dma_wait3A_537 = arith.constant 1 : i32
          %dma_wait3A_538 = arith.constant 0 : i32
          %dma_wait3A_539 = arith.constant 0 : i32
          %dma_wait3A_540 = tpu.memref_slice %arg3[%dma_wait3A_538, %dma_wait3A_539] : memref<2000000x64xf32, #tpu.memory_space<hbm>> -> memref<128x64xf32, #tpu.memory_space<hbm>>
          %dma_wait3A_541 = tpu.memref_slice %arg14[%dma_wait3A_537] : memref<3x!tpu.dma_semaphore, #tpu.memory_space<semaphore_mem>> -> memref<1x!tpu.dma_semaphore, #tpu.memory_space<semaphore_mem>>
          %dma_wait3A_542 = tpu.memref_squeeze %dma_wait3A_541 : memref<1x!tpu.dma_semaphore, #tpu.memory_space<semaphore_mem>> -> memref<!tpu.dma_semaphore, #tpu.memory_space<semaphore_mem>>
          %dma_wait3A_543 = arith.constant 0 : i32
          %dma_wait3A_544 = arith.constant 0 : i32
          %dma_wait3A_545 = tpu.memref_slice %arg3[%dma_wait3A_543, %dma_wait3A_544] : memref<2000000x64xf32, #tpu.memory_space<hbm>> -> memref<128x64xf32, #tpu.memory_space<hbm>>
          tpu.wait_dma2 semaphore(%dma_wait3A_542 : memref<!tpu.dma_semaphore, #tpu.memory_space<semaphore_mem>>) src(%arg8 : memref<128x64xf32, #tpu.memory_space<vmem>>) dst(%dma_wait3A_545 : memref<128x64xf32, #tpu.memory_space<hbm>>)
        } else {
        }
        %scan3A_367 = arith.constant 0 : i32
        %scan3A_368 = arith.constant 0 : i32
        %scan3A_369 = arith.constant 32 : i32
        %scan3A_370 = arith.addi %scan3A_368, %scan3A_369 : i32
        %scan3A_371 = arith.constant 1 : i32
        scf.for %scan3A_537 = %scan3A_368 to %scan3A_370 step %scan3A_371  : i32 {
          %shift_right_logical3A = arith.constant 2 : i32
          %shift_right_logical3A_538 = arith.shrui %scan3A_537, %shift_right_logical3A : i32
          %and3A_539 = arith.constant 3 : i32
          %and3A_540 = arith.andi %scan3A_537, %and3A_539 : i32
          %mul3A_541 = arith.constant 16 : i32
          %mul3A_542 = arith.muli %shift_right_logical3A_538, %mul3A_541 : i32
          %mul3A_543 = arith.constant 16 : i32
          %mul3A_544 = arith.muli %and3A_540, %mul3A_543 : i32
          %add3A_545 = vector.broadcast %mul3A_542 : i32 to vector<16xi32>
          %add3A_546 = arith.addi %iota3A, %add3A_545 : vector<16xi32>
          %add3A_547 = vector.broadcast %mul3A_544 : i32 to vector<16xi32>
          %add3A_548 = arith.addi %rem3A_7, %add3A_547 : vector<16xi32>
          %add3A_549 = vector.broadcast %mul3A_544 : i32 to vector<16xi32>
          %add3A_550 = arith.addi %rem3A_13, %add3A_549 : vector<16xi32>
          %add3A_551 = vector.broadcast %mul3A_544 : i32 to vector<16xi32>
          %add3A_552 = arith.addi %rem3A_19, %add3A_551 : vector<16xi32>
          %add3A_553 = vector.broadcast %mul3A_544 : i32 to vector<16xi32>
          %add3A_554 = arith.addi %rem3A_25, %add3A_553 : vector<16xi32>
          %add3A_555 = vector.broadcast %mul3A_544 : i32 to vector<16xi32>
          %add3A_556 = arith.addi %rem3A_31, %add3A_555 : vector<16xi32>
          %add3A_557 = vector.broadcast %mul3A_544 : i32 to vector<16xi32>
          %add3A_558 = arith.addi %rem3A_37, %add3A_557 : vector<16xi32>
          %add3A_559 = vector.broadcast %mul3A_544 : i32 to vector<16xi32>
          %add3A_560 = arith.addi %rem3A_43, %add3A_559 : vector<16xi32>
          %add3A_561 = vector.broadcast %mul3A_544 : i32 to vector<16xi32>
          %add3A_562 = arith.addi %rem3A_49, %add3A_561 : vector<16xi32>
          %add3A_563 = vector.broadcast %mul3A_544 : i32 to vector<16xi32>
          %add3A_564 = arith.addi %rem3A_55, %add3A_563 : vector<16xi32>
          %add3A_565 = vector.broadcast %mul3A_544 : i32 to vector<16xi32>
          %add3A_566 = arith.addi %rem3A_61, %add3A_565 : vector<16xi32>
          %add3A_567 = vector.broadcast %mul3A_544 : i32 to vector<16xi32>
          %add3A_568 = arith.addi %rem3A_67, %add3A_567 : vector<16xi32>
          %add3A_569 = vector.broadcast %mul3A_544 : i32 to vector<16xi32>
          %add3A_570 = arith.addi %rem3A_73, %add3A_569 : vector<16xi32>
          %add3A_571 = vector.broadcast %mul3A_544 : i32 to vector<16xi32>
          %add3A_572 = arith.addi %rem3A_79, %add3A_571 : vector<16xi32>
          %add3A_573 = vector.broadcast %mul3A_544 : i32 to vector<16xi32>
          %add3A_574 = arith.addi %rem3A_85, %add3A_573 : vector<16xi32>
          %add3A_575 = vector.broadcast %mul3A_544 : i32 to vector<16xi32>
          %add3A_576 = arith.addi %rem3A_91, %add3A_575 : vector<16xi32>
          %add3A_577 = vector.broadcast %mul3A_544 : i32 to vector<16xi32>
          %add3A_578 = arith.addi %rem3A_97, %add3A_577 : vector<16xi32>
          %gather3A = tpu.vector_load_idx %arg8[%add3A_546, %add3A_548] : memref<128x64xf32, #tpu.memory_space<vmem>>[vector<16xi32>, vector<16xi32>], vector<16xf32>,
          %gather3A_579 = tpu.vector_load_idx %arg8[%add3A_546, %add3A_550] : memref<128x64xf32, #tpu.memory_space<vmem>>[vector<16xi32>, vector<16xi32>], vector<16xf32>,
          %gather3A_580 = tpu.vector_load_idx %arg8[%add3A_546, %add3A_552] : memref<128x64xf32, #tpu.memory_space<vmem>>[vector<16xi32>, vector<16xi32>], vector<16xf32>,
          %gather3A_581 = tpu.vector_load_idx %arg8[%add3A_546, %add3A_554] : memref<128x64xf32, #tpu.memory_space<vmem>>[vector<16xi32>, vector<16xi32>], vector<16xf32>,
          %gather3A_582 = tpu.vector_load_idx %arg8[%add3A_546, %add3A_556] : memref<128x64xf32, #tpu.memory_space<vmem>>[vector<16xi32>, vector<16xi32>], vector<16xf32>,
          %gather3A_583 = tpu.vector_load_idx %arg8[%add3A_546, %add3A_558] : memref<128x64xf32, #tpu.memory_space<vmem>>[vector<16xi32>, vector<16xi32>], vector<16xf32>,
          %gather3A_584 = tpu.vector_load_idx %arg8[%add3A_546, %add3A_560] : memref<128x64xf32, #tpu.memory_space<vmem>>[vector<16xi32>, vector<16xi32>], vector<16xf32>,
          %gather3A_585 = tpu.vector_load_idx %arg8[%add3A_546, %add3A_562] : memref<128x64xf32, #tpu.memory_space<vmem>>[vector<16xi32>, vector<16xi32>], vector<16xf32>,
          %gather3A_586 = tpu.vector_load_idx %arg8[%add3A_546, %add3A_564] : memref<128x64xf32, #tpu.memory_space<vmem>>[vector<16xi32>, vector<16xi32>], vector<16xf32>,
          %gather3A_587 = tpu.vector_load_idx %arg8[%add3A_546, %add3A_566] : memref<128x64xf32, #tpu.memory_space<vmem>>[vector<16xi32>, vector<16xi32>], vector<16xf32>,
          %gather3A_588 = tpu.vector_load_idx %arg8[%add3A_546, %add3A_568] : memref<128x64xf32, #tpu.memory_space<vmem>>[vector<16xi32>, vector<16xi32>], vector<16xf32>,
          %gather3A_589 = tpu.vector_load_idx %arg8[%add3A_546, %add3A_570] : memref<128x64xf32, #tpu.memory_space<vmem>>[vector<16xi32>, vector<16xi32>], vector<16xf32>,
          %gather3A_590 = tpu.vector_load_idx %arg8[%add3A_546, %add3A_572] : memref<128x64xf32, #tpu.memory_space<vmem>>[vector<16xi32>, vector<16xi32>], vector<16xf32>,
          %gather3A_591 = tpu.vector_load_idx %arg8[%add3A_546, %add3A_574] : memref<128x64xf32, #tpu.memory_space<vmem>>[vector<16xi32>, vector<16xi32>], vector<16xf32>,
          %gather3A_592 = tpu.vector_load_idx %arg8[%add3A_546, %add3A_576] : memref<128x64xf32, #tpu.memory_space<vmem>>[vector<16xi32>, vector<16xi32>], vector<16xf32>,
          %gather3A_593 = tpu.vector_load_idx %arg8[%add3A_546, %add3A_578] : memref<128x64xf32, #tpu.memory_space<vmem>>[vector<16xi32>, vector<16xi32>], vector<16xf32>,
          %mul3A_594 = arith.constant 8.000000e+00 : f32
          %mul3A_595 = vector.broadcast %mul3A_594 : f32 to vector<16xf32>
          %mul3A_596 = arith.mulf %gather3A, %mul3A_595 : vector<16xf32>
          tpu.vector_store_idx %arg11[%add3A_548, %add3A_546], %mul3A_596 : memref<64x128xf32, #tpu.memory_space<vmem>>[vector<16xi32>, vector<16xi32>], vector<16xf32>,
          %mul3A_597 = arith.constant 8.000000e+00 : f32
          %mul3A_598 = vector.broadcast %mul3A_597 : f32 to vector<16xf32>
          %mul3A_599 = arith.mulf %gather3A_579, %mul3A_598 : vector<16xf32>
          tpu.vector_store_idx %arg11[%add3A_550, %add3A_546], %mul3A_599 : memref<64x128xf32, #tpu.memory_space<vmem>>[vector<16xi32>, vector<16xi32>], vector<16xf32>,
          %mul3A_600 = arith.constant 8.000000e+00 : f32
          %mul3A_601 = vector.broadcast %mul3A_600 : f32 to vector<16xf32>
          %mul3A_602 = arith.mulf %gather3A_580, %mul3A_601 : vector<16xf32>
          tpu.vector_store_idx %arg11[%add3A_552, %add3A_546], %mul3A_602 : memref<64x128xf32, #tpu.memory_space<vmem>>[vector<16xi32>, vector<16xi32>], vector<16xf32>,
          %mul3A_603 = arith.constant 8.000000e+00 : f32
          %mul3A_604 = vector.broadcast %mul3A_603 : f32 to vector<16xf32>
          %mul3A_605 = arith.mulf %gather3A_581, %mul3A_604 : vector<16xf32>
          tpu.vector_store_idx %arg11[%add3A_554, %add3A_546], %mul3A_605 : memref<64x128xf32, #tpu.memory_space<vmem>>[vector<16xi32>, vector<16xi32>], vector<16xf32>,
          %mul3A_606 = arith.constant 8.000000e+00 : f32
          %mul3A_607 = vector.broadcast %mul3A_606 : f32 to vector<16xf32>
          %mul3A_608 = arith.mulf %gather3A_582, %mul3A_607 : vector<16xf32>
          tpu.vector_store_idx %arg11[%add3A_556, %add3A_546], %mul3A_608 : memref<64x128xf32, #tpu.memory_space<vmem>>[vector<16xi32>, vector<16xi32>], vector<16xf32>,
          %mul3A_609 = arith.constant 8.000000e+00 : f32
          %mul3A_610 = vector.broadcast %mul3A_609 : f32 to vector<16xf32>
          %mul3A_611 = arith.mulf %gather3A_583, %mul3A_610 : vector<16xf32>
          tpu.vector_store_idx %arg11[%add3A_558, %add3A_546], %mul3A_611 : memref<64x128xf32, #tpu.memory_space<vmem>>[vector<16xi32>, vector<16xi32>], vector<16xf32>,
          %mul3A_612 = arith.constant 8.000000e+00 : f32
          %mul3A_613 = vector.broadcast %mul3A_612 : f32 to vector<16xf32>
          %mul3A_614 = arith.mulf %gather3A_584, %mul3A_613 : vector<16xf32>
          tpu.vector_store_idx %arg11[%add3A_560, %add3A_546], %mul3A_614 : memref<64x128xf32, #tpu.memory_space<vmem>>[vector<16xi32>, vector<16xi32>], vector<16xf32>,
          %mul3A_615 = arith.constant 8.000000e+00 : f32
          %mul3A_616 = vector.broadcast %mul3A_615 : f32 to vector<16xf32>
          %mul3A_617 = arith.mulf %gather3A_585, %mul3A_616 : vector<16xf32>
          tpu.vector_store_idx %arg11[%add3A_562, %add3A_546], %mul3A_617 : memref<64x128xf32, #tpu.memory_space<vmem>>[vector<16xi32>, vector<16xi32>], vector<16xf32>,
          %mul3A_618 = arith.constant 8.000000e+00 : f32
          %mul3A_619 = vector.broadcast %mul3A_618 : f32 to vector<16xf32>
          %mul3A_620 = arith.mulf %gather3A_586, %mul3A_619 : vector<16xf32>
          tpu.vector_store_idx %arg11[%add3A_564, %add3A_546], %mul3A_620 : memref<64x128xf32, #tpu.memory_space<vmem>>[vector<16xi32>, vector<16xi32>], vector<16xf32>,
          %mul3A_621 = arith.constant 8.000000e+00 : f32
          %mul3A_622 = vector.broadcast %mul3A_621 : f32 to vector<16xf32>
          %mul3A_623 = arith.mulf %gather3A_587, %mul3A_622 : vector<16xf32>
          tpu.vector_store_idx %arg11[%add3A_566, %add3A_546], %mul3A_623 : memref<64x128xf32, #tpu.memory_space<vmem>>[vector<16xi32>, vector<16xi32>], vector<16xf32>,
          %mul3A_624 = arith.constant 8.000000e+00 : f32
          %mul3A_625 = vector.broadcast %mul3A_624 : f32 to vector<16xf32>
          %mul3A_626 = arith.mulf %gather3A_588, %mul3A_625 : vector<16xf32>
          tpu.vector_store_idx %arg11[%add3A_568, %add3A_546], %mul3A_626 : memref<64x128xf32, #tpu.memory_space<vmem>>[vector<16xi32>, vector<16xi32>], vector<16xf32>,
          %mul3A_627 = arith.constant 8.000000e+00 : f32
          %mul3A_628 = vector.broadcast %mul3A_627 : f32 to vector<16xf32>
          %mul3A_629 = arith.mulf %gather3A_589, %mul3A_628 : vector<16xf32>
          tpu.vector_store_idx %arg11[%add3A_570, %add3A_546], %mul3A_629 : memref<64x128xf32, #tpu.memory_space<vmem>>[vector<16xi32>, vector<16xi32>], vector<16xf32>,
          %mul3A_630 = arith.constant 8.000000e+00 : f32
          %mul3A_631 = vector.broadcast %mul3A_630 : f32 to vector<16xf32>
          %mul3A_632 = arith.mulf %gather3A_590, %mul3A_631 : vector<16xf32>
          tpu.vector_store_idx %arg11[%add3A_572, %add3A_546], %mul3A_632 : memref<64x128xf32, #tpu.memory_space<vmem>>[vector<16xi32>, vector<16xi32>], vector<16xf32>,
          %mul3A_633 = arith.constant 8.000000e+00 : f32
          %mul3A_634 = vector.broadcast %mul3A_633 : f32 to vector<16xf32>
          %mul3A_635 = arith.mulf %gather3A_591, %mul3A_634 : vector<16xf32>
          tpu.vector_store_idx %arg11[%add3A_574, %add3A_546], %mul3A_635 : memref<64x128xf32, #tpu.memory_space<vmem>>[vector<16xi32>, vector<16xi32>], vector<16xf32>,
          %mul3A_636 = arith.constant 8.000000e+00 : f32
          %mul3A_637 = vector.broadcast %mul3A_636 : f32 to vector<16xf32>
          %mul3A_638 = arith.mulf %gather3A_592, %mul3A_637 : vector<16xf32>
          tpu.vector_store_idx %arg11[%add3A_576, %add3A_546], %mul3A_638 : memref<64x128xf32, #tpu.memory_space<vmem>>[vector<16xi32>, vector<16xi32>], vector<16xf32>,
          %mul3A_639 = arith.constant 8.000000e+00 : f32
          %mul3A_640 = vector.broadcast %mul3A_639 : f32 to vector<16xf32>
          %mul3A_641 = arith.mulf %gather3A_593, %mul3A_640 : vector<16xf32>
          tpu.vector_store_idx %arg11[%add3A_578, %add3A_546], %mul3A_641 : memref<64x128xf32, #tpu.memory_space<vmem>>[vector<16xi32>, vector<16xi32>], vector<16xf32>,
        }
        %scan3A_372 = arith.constant 32 : i32
        %add3A_373 = arith.addi %mul3A_2, %add3A_332 : i32
        %jit3A = arith.constant 32 : i32
        %div3A = arith.divsi %add3A_373, %jit3A : i32
        %sign3A = arith.constant 0 : i32
        %sign3A_374 = arith.cmpi sgt, %add3A_373, %sign3A : i32
        %sign3A_375 = arith.extui %sign3A_374 : i1 to i32
        %sign3A_376 = arith.constant 0 : i32
        %sign3A_377 = arith.cmpi slt, %add3A_373, %sign3A_376 : i32
        %sign3A_378 = arith.extui %sign3A_377 : i1 to i32
        %sign3A_379 = arith.subi %sign3A_375, %sign3A_378 : i32
        %sign3A_380 = arith.constant 0 : i32
        %sign3A_381 = arith.cmpi sgt, %jit3A, %sign3A_380 : i32
        %sign3A_382 = arith.extui %sign3A_381 : i1 to i32
        %sign3A_383 = arith.constant 0 : i32
        %sign3A_384 = arith.cmpi slt, %jit3A, %sign3A_383 : i32
        %sign3A_385 = arith.extui %sign3A_384 : i1 to i32
        %sign3A_386 = arith.subi %sign3A_382, %sign3A_385 : i32
        %ne3A = arith.cmpi ne, %sign3A_379, %sign3A_386 : i32
        %rem3A_387 = arith.remsi %add3A_373, %jit3A : i32
        %ne3A_388 = arith.constant 0 : i32
        %ne3A_389 = arith.cmpi ne, %rem3A_387, %ne3A_388 : i32
        %and3A = arith.andi %ne3A, %ne3A_389 : i1
        %sub3A = arith.constant 1 : i32
        %sub3A_390 = arith.subi %div3A, %sub3A : i32
        %select_n3A = arith.select %and3A, %sub3A_390, %div3A : i32
        %rem3A_391 = arith.constant 32 : i32
        %rem3A_392 = arith.remsi %add3A_373, %rem3A_391 : i32
        %dma_start3A_393 = arith.constant 0 : i32
        %dma_start3A_394 = arith.constant 1 : i32
        %dma_start3A_395 = arith.constant 0 : i32
        %dma_start3A_396 = arith.constant 0 : i32
        %dma_start3A_397 = tpu.memref_slice %arg11[%dma_start3A_395, %dma_start3A_396] : memref<64x128xf32, #tpu.memory_space<vmem>> -> memref<8x128xf32, #tpu.memory_space<vmem>>
        %dma_start3A_398 = arith.constant 0 : i32
        %dma_start3A_399 = arith.constant 0 : i32
        %dma_start3A_400 = tpu.memref_slice %arg4[%select_n3A, %dma_start3A_393, %rem3A_392, %dma_start3A_398, %dma_start3A_399] : memref<200x8x32x8x128xf32, #tpu.memory_space<hbm>> -> memref<1x1x1x8x128xf32, #tpu.memory_space<hbm>>
        %dma_start3A_401 = tpu.memref_squeeze %dma_start3A_400 : memref<1x1x1x8x128xf32, #tpu.memory_space<hbm>> -> memref<8x128xf32, #tpu.memory_space<hbm>>
        %dma_start3A_402 = tpu.memref_slice %arg14[%dma_start3A_394] : memref<3x!tpu.dma_semaphore, #tpu.memory_space<semaphore_mem>> -> memref<1x!tpu.dma_semaphore, #tpu.memory_space<semaphore_mem>>
        %dma_start3A_403 = tpu.memref_squeeze %dma_start3A_402 : memref<1x!tpu.dma_semaphore, #tpu.memory_space<semaphore_mem>> -> memref<!tpu.dma_semaphore, #tpu.memory_space<semaphore_mem>>
        %dma_start3A_404 = arith.constant 0 : i32
        %dma_start3A_405 = arith.constant 0 : i32
        %dma_start3A_406 = tpu.memref_slice %arg4[%select_n3A, %dma_start3A_393, %rem3A_392, %dma_start3A_404, %dma_start3A_405] : memref<200x8x32x8x128xf32, #tpu.memory_space<hbm>> -> memref<1x1x1x8x128xf32, #tpu.memory_space<hbm>>
        %dma_start3A_407 = tpu.memref_squeeze %dma_start3A_406 : memref<1x1x1x8x128xf32, #tpu.memory_space<hbm>> -> memref<8x128xf32, #tpu.memory_space<hbm>>
        %dma_start3A_408 = arith.constant 0 : i32
        %dma_start3A_409 = arith.constant 0 : i32
        %dma_start3A_410 = tpu.memref_slice %arg11[%dma_start3A_408, %dma_start3A_409] : memref<64x128xf32, #tpu.memory_space<vmem>> -> memref<8x128xf32, #tpu.memory_space<vmem>>
        tpu.enqueue_dma source(%dma_start3A_410 : memref<8x128xf32, #tpu.memory_space<vmem>>) target(%dma_start3A_407 : memref<8x128xf32, #tpu.memory_space<hbm>>) target_semaphore(%dma_start3A_403 : memref<!tpu.dma_semaphore, #tpu.memory_space<semaphore_mem>>)
        %dma_start3A_411 = arith.constant 1 : i32
        %dma_start3A_412 = arith.constant 1 : i32
        %dma_start3A_413 = arith.constant 8 : i32
        %dma_start3A_414 = arith.constant 0 : i32
        %dma_start3A_415 = tpu.memref_slice %arg11[%dma_start3A_413, %dma_start3A_414] : memref<64x128xf32, #tpu.memory_space<vmem>> -> memref<8x128xf32, #tpu.memory_space<vmem>>
        %dma_start3A_416 = arith.constant 0 : i32
        %dma_start3A_417 = arith.constant 0 : i32
        %dma_start3A_418 = tpu.memref_slice %arg4[%select_n3A, %dma_start3A_411, %rem3A_392, %dma_start3A_416, %dma_start3A_417] : memref<200x8x32x8x128xf32, #tpu.memory_space<hbm>> -> memref<1x1x1x8x128xf32, #tpu.memory_space<hbm>>
        %dma_start3A_419 = tpu.memref_squeeze %dma_start3A_418 : memref<1x1x1x8x128xf32, #tpu.memory_space<hbm>> -> memref<8x128xf32, #tpu.memory_space<hbm>>
        %dma_start3A_420 = tpu.memref_slice %arg14[%dma_start3A_412] : memref<3x!tpu.dma_semaphore, #tpu.memory_space<semaphore_mem>> -> memref<1x!tpu.dma_semaphore, #tpu.memory_space<semaphore_mem>>
        %dma_start3A_421 = tpu.memref_squeeze %dma_start3A_420 : memref<1x!tpu.dma_semaphore, #tpu.memory_space<semaphore_mem>> -> memref<!tpu.dma_semaphore, #tpu.memory_space<semaphore_mem>>
        %dma_start3A_422 = arith.constant 0 : i32
        %dma_start3A_423 = arith.constant 0 : i32
        %dma_start3A_424 = tpu.memref_slice %arg4[%select_n3A, %dma_start3A_411, %rem3A_392, %dma_start3A_422, %dma_start3A_423] : memref<200x8x32x8x128xf32, #tpu.memory_space<hbm>> -> memref<1x1x1x8x128xf32, #tpu.memory_space<hbm>>
        %dma_start3A_425 = tpu.memref_squeeze %dma_start3A_424 : memref<1x1x1x8x128xf32, #tpu.memory_space<hbm>> -> memref<8x128xf32, #tpu.memory_space<hbm>>
        %dma_start3A_426 = arith.constant 8 : i32
        %dma_start3A_427 = arith.constant 0 : i32
        %dma_start3A_428 = tpu.memref_slice %arg11[%dma_start3A_426, %dma_start3A_427] : memref<64x128xf32, #tpu.memory_space<vmem>> -> memref<8x128xf32, #tpu.memory_space<vmem>>
        tpu.enqueue_dma source(%dma_start3A_428 : memref<8x128xf32, #tpu.memory_space<vmem>>) target(%dma_start3A_425 : memref<8x128xf32, #tpu.memory_space<hbm>>) target_semaphore(%dma_start3A_421 : memref<!tpu.dma_semaphore, #tpu.memory_space<semaphore_mem>>)
        %dma_start3A_429 = arith.constant 2 : i32
        %dma_start3A_430 = arith.constant 1 : i32
        %dma_start3A_431 = arith.constant 16 : i32
        %dma_start3A_432 = arith.constant 0 : i32
        %dma_start3A_433 = tpu.memref_slice %arg11[%dma_start3A_431, %dma_start3A_432] : memref<64x128xf32, #tpu.memory_space<vmem>> -> memref<8x128xf32, #tpu.memory_space<vmem>>
        %dma_start3A_434 = arith.constant 0 : i32
        %dma_start3A_435 = arith.constant 0 : i32
        %dma_start3A_436 = tpu.memref_slice %arg4[%select_n3A, %dma_start3A_429, %rem3A_392, %dma_start3A_434, %dma_start3A_435] : memref<200x8x32x8x128xf32, #tpu.memory_space<hbm>> -> memref<1x1x1x8x128xf32, #tpu.memory_space<hbm>>
        %dma_start3A_437 = tpu.memref_squeeze %dma_start3A_436 : memref<1x1x1x8x128xf32, #tpu.memory_space<hbm>> -> memref<8x128xf32, #tpu.memory_space<hbm>>
        %dma_start3A_438 = tpu.memref_slice %arg14[%dma_start3A_430] : memref<3x!tpu.dma_semaphore, #tpu.memory_space<semaphore_mem>> -> memref<1x!tpu.dma_semaphore, #tpu.memory_space<semaphore_mem>>
        %dma_start3A_439 = tpu.memref_squeeze %dma_start3A_438 : memref<1x!tpu.dma_semaphore, #tpu.memory_space<semaphore_mem>> -> memref<!tpu.dma_semaphore, #tpu.memory_space<semaphore_mem>>
        %dma_start3A_440 = arith.constant 0 : i32
        %dma_start3A_441 = arith.constant 0 : i32
        %dma_start3A_442 = tpu.memref_slice %arg4[%select_n3A, %dma_start3A_429, %rem3A_392, %dma_start3A_440, %dma_start3A_441] : memref<200x8x32x8x128xf32, #tpu.memory_space<hbm>> -> memref<1x1x1x8x128xf32, #tpu.memory_space<hbm>>
        %dma_start3A_443 = tpu.memref_squeeze %dma_start3A_442 : memref<1x1x1x8x128xf32, #tpu.memory_space<hbm>> -> memref<8x128xf32, #tpu.memory_space<hbm>>
        %dma_start3A_444 = arith.constant 16 : i32
        %dma_start3A_445 = arith.constant 0 : i32
        %dma_start3A_446 = tpu.memref_slice %arg11[%dma_start3A_444, %dma_start3A_445] : memref<64x128xf32, #tpu.memory_space<vmem>> -> memref<8x128xf32, #tpu.memory_space<vmem>>
        tpu.enqueue_dma source(%dma_start3A_446 : memref<8x128xf32, #tpu.memory_space<vmem>>) target(%dma_start3A_443 : memref<8x128xf32, #tpu.memory_space<hbm>>) target_semaphore(%dma_start3A_439 : memref<!tpu.dma_semaphore, #tpu.memory_space<semaphore_mem>>)
        %dma_start3A_447 = arith.constant 3 : i32
        %dma_start3A_448 = arith.constant 1 : i32
        %dma_start3A_449 = arith.constant 24 : i32
        %dma_start3A_450 = arith.constant 0 : i32
        %dma_start3A_451 = tpu.memref_slice %arg11[%dma_start3A_449, %dma_start3A_450] : memref<64x128xf32, #tpu.memory_space<vmem>> -> memref<8x128xf32, #tpu.memory_space<vmem>>
        %dma_start3A_452 = arith.constant 0 : i32
        %dma_start3A_453 = arith.constant 0 : i32
        %dma_start3A_454 = tpu.memref_slice %arg4[%select_n3A, %dma_start3A_447, %rem3A_392, %dma_start3A_452, %dma_start3A_453] : memref<200x8x32x8x128xf32, #tpu.memory_space<hbm>> -> memref<1x1x1x8x128xf32, #tpu.memory_space<hbm>>
        %dma_start3A_455 = tpu.memref_squeeze %dma_start3A_454 : memref<1x1x1x8x128xf32, #tpu.memory_space<hbm>> -> memref<8x128xf32, #tpu.memory_space<hbm>>
        %dma_start3A_456 = tpu.memref_slice %arg14[%dma_start3A_448] : memref<3x!tpu.dma_semaphore, #tpu.memory_space<semaphore_mem>> -> memref<1x!tpu.dma_semaphore, #tpu.memory_space<semaphore_mem>>
        %dma_start3A_457 = tpu.memref_squeeze %dma_start3A_456 : memref<1x!tpu.dma_semaphore, #tpu.memory_space<semaphore_mem>> -> memref<!tpu.dma_semaphore, #tpu.memory_space<semaphore_mem>>
        %dma_start3A_458 = arith.constant 0 : i32
        %dma_start3A_459 = arith.constant 0 : i32
        %dma_start3A_460 = tpu.memref_slice %arg4[%select_n3A, %dma_start3A_447, %rem3A_392, %dma_start3A_458, %dma_start3A_459] : memref<200x8x32x8x128xf32, #tpu.memory_space<hbm>> -> memref<1x1x1x8x128xf32, #tpu.memory_space<hbm>>
        %dma_start3A_461 = tpu.memref_squeeze %dma_start3A_460 : memref<1x1x1x8x128xf32, #tpu.memory_space<hbm>> -> memref<8x128xf32, #tpu.memory_space<hbm>>
        %dma_start3A_462 = arith.constant 24 : i32
        %dma_start3A_463 = arith.constant 0 : i32
        %dma_start3A_464 = tpu.memref_slice %arg11[%dma_start3A_462, %dma_start3A_463] : memref<64x128xf32, #tpu.memory_space<vmem>> -> memref<8x128xf32, #tpu.memory_space<vmem>>
        tpu.enqueue_dma source(%dma_start3A_464 : memref<8x128xf32, #tpu.memory_space<vmem>>) target(%dma_start3A_461 : memref<8x128xf32, #tpu.memory_space<hbm>>) target_semaphore(%dma_start3A_457 : memref<!tpu.dma_semaphore, #tpu.memory_space<semaphore_mem>>)
        %dma_start3A_465 = arith.constant 4 : i32
        %dma_start3A_466 = arith.constant 1 : i32
        %dma_start3A_467 = arith.constant 32 : i32
        %dma_start3A_468 = arith.constant 0 : i32
        %dma_start3A_469 = tpu.memref_slice %arg11[%dma_start3A_467, %dma_start3A_468] : memref<64x128xf32, #tpu.memory_space<vmem>> -> memref<8x128xf32, #tpu.memory_space<vmem>>
        %dma_start3A_470 = arith.constant 0 : i32
        %dma_start3A_471 = arith.constant 0 : i32
        %dma_start3A_472 = tpu.memref_slice %arg4[%select_n3A, %dma_start3A_465, %rem3A_392, %dma_start3A_470, %dma_start3A_471] : memref<200x8x32x8x128xf32, #tpu.memory_space<hbm>> -> memref<1x1x1x8x128xf32, #tpu.memory_space<hbm>>
        %dma_start3A_473 = tpu.memref_squeeze %dma_start3A_472 : memref<1x1x1x8x128xf32, #tpu.memory_space<hbm>> -> memref<8x128xf32, #tpu.memory_space<hbm>>
        %dma_start3A_474 = tpu.memref_slice %arg14[%dma_start3A_466] : memref<3x!tpu.dma_semaphore, #tpu.memory_space<semaphore_mem>> -> memref<1x!tpu.dma_semaphore, #tpu.memory_space<semaphore_mem>>
        %dma_start3A_475 = tpu.memref_squeeze %dma_start3A_474 : memref<1x!tpu.dma_semaphore, #tpu.memory_space<semaphore_mem>> -> memref<!tpu.dma_semaphore, #tpu.memory_space<semaphore_mem>>
        %dma_start3A_476 = arith.constant 0 : i32
        %dma_start3A_477 = arith.constant 0 : i32
        %dma_start3A_478 = tpu.memref_slice %arg4[%select_n3A, %dma_start3A_465, %rem3A_392, %dma_start3A_476, %dma_start3A_477] : memref<200x8x32x8x128xf32, #tpu.memory_space<hbm>> -> memref<1x1x1x8x128xf32, #tpu.memory_space<hbm>>
        %dma_start3A_479 = tpu.memref_squeeze %dma_start3A_478 : memref<1x1x1x8x128xf32, #tpu.memory_space<hbm>> -> memref<8x128xf32, #tpu.memory_space<hbm>>
        %dma_start3A_480 = arith.constant 32 : i32
        %dma_start3A_481 = arith.constant 0 : i32
        %dma_start3A_482 = tpu.memref_slice %arg11[%dma_start3A_480, %dma_start3A_481] : memref<64x128xf32, #tpu.memory_space<vmem>> -> memref<8x128xf32, #tpu.memory_space<vmem>>
        tpu.enqueue_dma source(%dma_start3A_482 : memref<8x128xf32, #tpu.memory_space<vmem>>) target(%dma_start3A_479 : memref<8x128xf32, #tpu.memory_space<hbm>>) target_semaphore(%dma_start3A_475 : memref<!tpu.dma_semaphore, #tpu.memory_space<semaphore_mem>>)
        %dma_start3A_483 = arith.constant 5 : i32
        %dma_start3A_484 = arith.constant 1 : i32
        %dma_start3A_485 = arith.constant 40 : i32
        %dma_start3A_486 = arith.constant 0 : i32
        %dma_start3A_487 = tpu.memref_slice %arg11[%dma_start3A_485, %dma_start3A_486] : memref<64x128xf32, #tpu.memory_space<vmem>> -> memref<8x128xf32, #tpu.memory_space<vmem>>
        %dma_start3A_488 = arith.constant 0 : i32
        %dma_start3A_489 = arith.constant 0 : i32
        %dma_start3A_490 = tpu.memref_slice %arg4[%select_n3A, %dma_start3A_483, %rem3A_392, %dma_start3A_488, %dma_start3A_489] : memref<200x8x32x8x128xf32, #tpu.memory_space<hbm>> -> memref<1x1x1x8x128xf32, #tpu.memory_space<hbm>>
        %dma_start3A_491 = tpu.memref_squeeze %dma_start3A_490 : memref<1x1x1x8x128xf32, #tpu.memory_space<hbm>> -> memref<8x128xf32, #tpu.memory_space<hbm>>
        %dma_start3A_492 = tpu.memref_slice %arg14[%dma_start3A_484] : memref<3x!tpu.dma_semaphore, #tpu.memory_space<semaphore_mem>> -> memref<1x!tpu.dma_semaphore, #tpu.memory_space<semaphore_mem>>
        %dma_start3A_493 = tpu.memref_squeeze %dma_start3A_492 : memref<1x!tpu.dma_semaphore, #tpu.memory_space<semaphore_mem>> -> memref<!tpu.dma_semaphore, #tpu.memory_space<semaphore_mem>>
        %dma_start3A_494 = arith.constant 0 : i32
        %dma_start3A_495 = arith.constant 0 : i32
        %dma_start3A_496 = tpu.memref_slice %arg4[%select_n3A, %dma_start3A_483, %rem3A_392, %dma_start3A_494, %dma_start3A_495] : memref<200x8x32x8x128xf32, #tpu.memory_space<hbm>> -> memref<1x1x1x8x128xf32, #tpu.memory_space<hbm>>
        %dma_start3A_497 = tpu.memref_squeeze %dma_start3A_496 : memref<1x1x1x8x128xf32, #tpu.memory_space<hbm>> -> memref<8x128xf32, #tpu.memory_space<hbm>>
        %dma_start3A_498 = arith.constant 40 : i32
        %dma_start3A_499 = arith.constant 0 : i32
        %dma_start3A_500 = tpu.memref_slice %arg11[%dma_start3A_498, %dma_start3A_499] : memref<64x128xf32, #tpu.memory_space<vmem>> -> memref<8x128xf32, #tpu.memory_space<vmem>>
        tpu.enqueue_dma source(%dma_start3A_500 : memref<8x128xf32, #tpu.memory_space<vmem>>) target(%dma_start3A_497 : memref<8x128xf32, #tpu.memory_space<hbm>>) target_semaphore(%dma_start3A_493 : memref<!tpu.dma_semaphore, #tpu.memory_space<semaphore_mem>>)
        %dma_start3A_501 = arith.constant 6 : i32
        %dma_start3A_502 = arith.constant 1 : i32
        %dma_start3A_503 = arith.constant 48 : i32
        %dma_start3A_504 = arith.constant 0 : i32
        %dma_start3A_505 = tpu.memref_slice %arg11[%dma_start3A_503, %dma_start3A_504] : memref<64x128xf32, #tpu.memory_space<vmem>> -> memref<8x128xf32, #tpu.memory_space<vmem>>
        %dma_start3A_506 = arith.constant 0 : i32
        %dma_start3A_507 = arith.constant 0 : i32
        %dma_start3A_508 = tpu.memref_slice %arg4[%select_n3A, %dma_start3A_501, %rem3A_392, %dma_start3A_506, %dma_start3A_507] : memref<200x8x32x8x128xf32, #tpu.memory_space<hbm>> -> memref<1x1x1x8x128xf32, #tpu.memory_space<hbm>>
        %dma_start3A_509 = tpu.memref_squeeze %dma_start3A_508 : memref<1x1x1x8x128xf32, #tpu.memory_space<hbm>> -> memref<8x128xf32, #tpu.memory_space<hbm>>
        %dma_start3A_510 = tpu.memref_slice %arg14[%dma_start3A_502] : memref<3x!tpu.dma_semaphore, #tpu.memory_space<semaphore_mem>> -> memref<1x!tpu.dma_semaphore, #tpu.memory_space<semaphore_mem>>
        %dma_start3A_511 = tpu.memref_squeeze %dma_start3A_510 : memref<1x!tpu.dma_semaphore, #tpu.memory_space<semaphore_mem>> -> memref<!tpu.dma_semaphore, #tpu.memory_space<semaphore_mem>>
        %dma_start3A_512 = arith.constant 0 : i32
        %dma_start3A_513 = arith.constant 0 : i32
        %dma_start3A_514 = tpu.memref_slice %arg4[%select_n3A, %dma_start3A_501, %rem3A_392, %dma_start3A_512, %dma_start3A_513] : memref<200x8x32x8x128xf32, #tpu.memory_space<hbm>> -> memref<1x1x1x8x128xf32, #tpu.memory_space<hbm>>
        %dma_start3A_515 = tpu.memref_squeeze %dma_start3A_514 : memref<1x1x1x8x128xf32, #tpu.memory_space<hbm>> -> memref<8x128xf32, #tpu.memory_space<hbm>>
        %dma_start3A_516 = arith.constant 48 : i32
        %dma_start3A_517 = arith.constant 0 : i32
        %dma_start3A_518 = tpu.memref_slice %arg11[%dma_start3A_516, %dma_start3A_517] : memref<64x128xf32, #tpu.memory_space<vmem>> -> memref<8x128xf32, #tpu.memory_space<vmem>>
        tpu.enqueue_dma source(%dma_start3A_518 : memref<8x128xf32, #tpu.memory_space<vmem>>) target(%dma_start3A_515 : memref<8x128xf32, #tpu.memory_space<hbm>>) target_semaphore(%dma_start3A_511 : memref<!tpu.dma_semaphore, #tpu.memory_space<semaphore_mem>>)
        %dma_start3A_519 = arith.constant 7 : i32
        %dma_start3A_520 = arith.constant 1 : i32
        %dma_start3A_521 = arith.constant 56 : i32
        %dma_start3A_522 = arith.constant 0 : i32
        %dma_start3A_523 = tpu.memref_slice %arg11[%dma_start3A_521, %dma_start3A_522] : memref<64x128xf32, #tpu.memory_space<vmem>> -> memref<8x128xf32, #tpu.memory_space<vmem>>
        %dma_start3A_524 = arith.constant 0 : i32
        %dma_start3A_525 = arith.constant 0 : i32
        %dma_start3A_526 = tpu.memref_slice %arg4[%select_n3A, %dma_start3A_519, %rem3A_392, %dma_start3A_524, %dma_start3A_525] : memref<200x8x32x8x128xf32, #tpu.memory_space<hbm>> -> memref<1x1x1x8x128xf32, #tpu.memory_space<hbm>>
        %dma_start3A_527 = tpu.memref_squeeze %dma_start3A_526 : memref<1x1x1x8x128xf32, #tpu.memory_space<hbm>> -> memref<8x128xf32, #tpu.memory_space<hbm>>
        %dma_start3A_528 = tpu.memref_slice %arg14[%dma_start3A_520] : memref<3x!tpu.dma_semaphore, #tpu.memory_space<semaphore_mem>> -> memref<1x!tpu.dma_semaphore, #tpu.memory_space<semaphore_mem>>
        %dma_start3A_529 = tpu.memref_squeeze %dma_start3A_528 : memref<1x!tpu.dma_semaphore, #tpu.memory_space<semaphore_mem>> -> memref<!tpu.dma_semaphore, #tpu.memory_space<semaphore_mem>>
        %dma_start3A_530 = arith.constant 0 : i32
        %dma_start3A_531 = arith.constant 0 : i32
        %dma_start3A_532 = tpu.memref_slice %arg4[%select_n3A, %dma_start3A_519, %rem3A_392, %dma_start3A_530, %dma_start3A_531] : memref<200x8x32x8x128xf32, #tpu.memory_space<hbm>> -> memref<1x1x1x8x128xf32, #tpu.memory_space<hbm>>
        %dma_start3A_533 = tpu.memref_squeeze %dma_start3A_532 : memref<1x1x1x8x128xf32, #tpu.memory_space<hbm>> -> memref<8x128xf32, #tpu.memory_space<hbm>>
        %dma_start3A_534 = arith.constant 56 : i32
        %dma_start3A_535 = arith.constant 0 : i32
        %dma_start3A_536 = tpu.memref_slice %arg11[%dma_start3A_534, %dma_start3A_535] : memref<64x128xf32, #tpu.memory_space<vmem>> -> memref<8x128xf32, #tpu.memory_space<vmem>>
        tpu.enqueue_dma source(%dma_start3A_536 : memref<8x128xf32, #tpu.memory_space<vmem>>) target(%dma_start3A_533 : memref<8x128xf32, #tpu.memory_space<hbm>>) target_semaphore(%dma_start3A_529 : memref<!tpu.dma_semaphore, #tpu.memory_space<semaphore_mem>>)
      } else {
      }
      %mul3A_338 = arith.constant 3 : i32
      %mul3A_339 = arith.muli %scan3A_322, %mul3A_338 : i32
      %add3A_340 = arith.constant 2 : i32
      %add3A_341 = arith.addi %mul3A_339, %add3A_340 : i32
      %lt3A_342 = arith.constant 200 : i32
      %lt3A_343 = arith.cmpi slt, %add3A_341, %lt3A_342 : i32
      %convert_element_type3A_344 = arith.extui %lt3A_343 : i1 to i32
      %cond3A_345 = arith.constant 0 : i32
      %cond3A_346 = arith.cmpi ne, %convert_element_type3A_344, %cond3A_345 : i32
      scf.if %cond3A_346 {
        %dma_wait3A_347 = arith.constant 2 : i32
        %dma_wait3A_348 = arith.constant 0 : i32
        %dma_wait3A_349 = arith.constant 0 : i32
        %dma_wait3A_350 = tpu.memref_slice %arg3[%dma_wait3A_348, %dma_wait3A_349] : memref<2000000x64xf32, #tpu.memory_space<hbm>> -> memref<128x64xf32, #tpu.memory_space<hbm>>
        %dma_wait3A_351 = tpu.memref_slice %arg13[%dma_wait3A_347] : memref<3x!tpu.dma_semaphore, #tpu.memory_space<semaphore_mem>> -> memref<1x!tpu.dma_semaphore, #tpu.memory_space<semaphore_mem>>
        %dma_wait3A_352 = tpu.memref_squeeze %dma_wait3A_351 : memref<1x!tpu.dma_semaphore, #tpu.memory_space<semaphore_mem>> -> memref<!tpu.dma_semaphore, #tpu.memory_space<semaphore_mem>>
        %dma_wait3A_353 = arith.constant 0 : i32
        %dma_wait3A_354 = arith.constant 0 : i32
        %dma_wait3A_355 = tpu.memref_slice %arg3[%dma_wait3A_353, %dma_wait3A_354] : memref<2000000x64xf32, #tpu.memory_space<hbm>> -> memref<128x64xf32, #tpu.memory_space<hbm>>
        tpu.wait_dma2 semaphore(%dma_wait3A_352 : memref<!tpu.dma_semaphore, #tpu.memory_space<semaphore_mem>>) src(%dma_wait3A_355 : memref<128x64xf32, #tpu.memory_space<hbm>>) dst(%arg9 : memref<128x64xf32, #tpu.memory_space<vmem>>)
        %add3A_356 = arith.constant 2 : i32
        %add3A_357 = arith.addi %add3A_341, %add3A_356 : i32
        %lt3A_358 = arith.constant 200 : i32
        %lt3A_359 = arith.cmpi slt, %add3A_357, %lt3A_358 : i32
        %convert_element_type3A_360 = arith.extui %lt3A_359 : i1 to i32
        %cond3A_361 = arith.constant 0 : i32
        %cond3A_362 = arith.cmpi ne, %convert_element_type3A_360, %cond3A_361 : i32
        scf.if %cond3A_362 {
          %add3A_537 = arith.constant 2 : i32
          %add3A_538 = arith.addi %add3A_341, %add3A_537 : i32
          %get3A_539 = arith.index_cast %add3A_538 : i32 to index
          %get3A_540 = arith.constant 0 : index
          %get3A_541 = tpu.vector_load %arg5[%get3A_539, %get3A_540] {strides = array<i32>} : memref<200x128xi32, #tpu.memory_space<vmem>>, vector<16xi32>,
          %mul3A_542 = arith.constant 2 : i32
          %mul3A_543 = vector.broadcast %mul3A_542 : i32 to vector<16xi32>
          %mul3A_544 = arith.muli %get3A_541, %mul3A_543 : vector<16xi32>
          %swap3A_545 = arith.constant 1 : i32
          %swap3A_546 = arith.index_cast %swap3A_545 : i32 to index
          %swap3A_547 = arith.constant 0 : index
          %swap3A_548 = tpu.vector_load %arg6[%swap3A_546, %swap3A_547] {strides = array<i32>} : memref<3x128xi32, #tpu.memory_space<vmem>>, vector<16xi32>,
          tpu.vector_store %arg6[%swap3A_546, %swap3A_547], %mul3A_544 {strides = array<i32>} : memref<3x128xi32, #tpu.memory_space<vmem>>, vector<16xi32>,
          %get3A_549 = arith.index_cast %add3A_538 : i32 to index
          %get3A_550 = arith.constant 16 : index
          %get3A_551 = tpu.vector_load %arg5[%get3A_549, %get3A_550] {strides = array<i32>} : memref<200x128xi32, #tpu.memory_space<vmem>>, vector<16xi32>,
          %mul3A_552 = arith.constant 2 : i32
          %mul3A_553 = vector.broadcast %mul3A_552 : i32 to vector<16xi32>
          %mul3A_554 = arith.muli %get3A_551, %mul3A_553 : vector<16xi32>
          %swap3A_555 = arith.constant 1 : i32
          %swap3A_556 = arith.index_cast %swap3A_555 : i32 to index
          %swap3A_557 = arith.constant 16 : index
          %swap3A_558 = tpu.vector_load %arg6[%swap3A_556, %swap3A_557] {strides = array<i32>} : memref<3x128xi32, #tpu.memory_space<vmem>>, vector<16xi32>,
          tpu.vector_store %arg6[%swap3A_556, %swap3A_557], %mul3A_554 {strides = array<i32>} : memref<3x128xi32, #tpu.memory_space<vmem>>, vector<16xi32>,
          %get3A_559 = arith.index_cast %add3A_538 : i32 to index
          %get3A_560 = arith.constant 32 : index
          %get3A_561 = tpu.vector_load %arg5[%get3A_559, %get3A_560] {strides = array<i32>} : memref<200x128xi32, #tpu.memory_space<vmem>>, vector<16xi32>,
          %mul3A_562 = arith.constant 2 : i32
          %mul3A_563 = vector.broadcast %mul3A_562 : i32 to vector<16xi32>
          %mul3A_564 = arith.muli %get3A_561, %mul3A_563 : vector<16xi32>
          %swap3A_565 = arith.constant 1 : i32
          %swap3A_566 = arith.index_cast %swap3A_565 : i32 to index
          %swap3A_567 = arith.constant 32 : index
          %swap3A_568 = tpu.vector_load %arg6[%swap3A_566, %swap3A_567] {strides = array<i32>} : memref<3x128xi32, #tpu.memory_space<vmem>>, vector<16xi32>,
          tpu.vector_store %arg6[%swap3A_566, %swap3A_567], %mul3A_564 {strides = array<i32>} : memref<3x128xi32, #tpu.memory_space<vmem>>, vector<16xi32>,
          %get3A_569 = arith.index_cast %add3A_538 : i32 to index
          %get3A_570 = arith.constant 48 : index
          %get3A_571 = tpu.vector_load %arg5[%get3A_569, %get3A_570] {strides = array<i32>} : memref<200x128xi32, #tpu.memory_space<vmem>>, vector<16xi32>,
          %mul3A_572 = arith.constant 2 : i32
          %mul3A_573 = vector.broadcast %mul3A_572 : i32 to vector<16xi32>
          %mul3A_574 = arith.muli %get3A_571, %mul3A_573 : vector<16xi32>
          %swap3A_575 = arith.constant 1 : i32
          %swap3A_576 = arith.index_cast %swap3A_575 : i32 to index
          %swap3A_577 = arith.constant 48 : index
          %swap3A_578 = tpu.vector_load %arg6[%swap3A_576, %swap3A_577] {strides = array<i32>} : memref<3x128xi32, #tpu.memory_space<vmem>>, vector<16xi32>,
          tpu.vector_store %arg6[%swap3A_576, %swap3A_577], %mul3A_574 {strides = array<i32>} : memref<3x128xi32, #tpu.memory_space<vmem>>, vector<16xi32>,
          %get3A_579 = arith.index_cast %add3A_538 : i32 to index
          %get3A_580 = arith.constant 64 : index
          %get3A_581 = tpu.vector_load %arg5[%get3A_579, %get3A_580] {strides = array<i32>} : memref<200x128xi32, #tpu.memory_space<vmem>>, vector<16xi32>,
          %mul3A_582 = arith.constant 2 : i32
          %mul3A_583 = vector.broadcast %mul3A_582 : i32 to vector<16xi32>
          %mul3A_584 = arith.muli %get3A_581, %mul3A_583 : vector<16xi32>
          %swap3A_585 = arith.constant 1 : i32
          %swap3A_586 = arith.index_cast %swap3A_585 : i32 to index
          %swap3A_587 = arith.constant 64 : index
          %swap3A_588 = tpu.vector_load %arg6[%swap3A_586, %swap3A_587] {strides = array<i32>} : memref<3x128xi32, #tpu.memory_space<vmem>>, vector<16xi32>,
          tpu.vector_store %arg6[%swap3A_586, %swap3A_587], %mul3A_584 {strides = array<i32>} : memref<3x128xi32, #tpu.memory_space<vmem>>, vector<16xi32>,
          %get3A_589 = arith.index_cast %add3A_538 : i32 to index
          %get3A_590 = arith.constant 80 : index
          %get3A_591 = tpu.vector_load %arg5[%get3A_589, %get3A_590] {strides = array<i32>} : memref<200x128xi32, #tpu.memory_space<vmem>>, vector<16xi32>,
          %mul3A_592 = arith.constant 2 : i32
          %mul3A_593 = vector.broadcast %mul3A_592 : i32 to vector<16xi32>
          %mul3A_594 = arith.muli %get3A_591, %mul3A_593 : vector<16xi32>
          %swap3A_595 = arith.constant 1 : i32
          %swap3A_596 = arith.index_cast %swap3A_595 : i32 to index
          %swap3A_597 = arith.constant 80 : index
          %swap3A_598 = tpu.vector_load %arg6[%swap3A_596, %swap3A_597] {strides = array<i32>} : memref<3x128xi32, #tpu.memory_space<vmem>>, vector<16xi32>,
          tpu.vector_store %arg6[%swap3A_596, %swap3A_597], %mul3A_594 {strides = array<i32>} : memref<3x128xi32, #tpu.memory_space<vmem>>, vector<16xi32>,
          %get3A_599 = arith.index_cast %add3A_538 : i32 to index
          %get3A_600 = arith.constant 96 : index
          %get3A_601 = tpu.vector_load %arg5[%get3A_599, %get3A_600] {strides = array<i32>} : memref<200x128xi32, #tpu.memory_space<vmem>>, vector<16xi32>,
          %mul3A_602 = arith.constant 2 : i32
          %mul3A_603 = vector.broadcast %mul3A_602 : i32 to vector<16xi32>
          %mul3A_604 = arith.muli %get3A_601, %mul3A_603 : vector<16xi32>
          %swap3A_605 = arith.constant 1 : i32
          %swap3A_606 = arith.index_cast %swap3A_605 : i32 to index
          %swap3A_607 = arith.constant 96 : index
          %swap3A_608 = tpu.vector_load %arg6[%swap3A_606, %swap3A_607] {strides = array<i32>} : memref<3x128xi32, #tpu.memory_space<vmem>>, vector<16xi32>,
          tpu.vector_store %arg6[%swap3A_606, %swap3A_607], %mul3A_604 {strides = array<i32>} : memref<3x128xi32, #tpu.memory_space<vmem>>, vector<16xi32>,
          %get3A_609 = arith.index_cast %add3A_538 : i32 to index
          %get3A_610 = arith.constant 112 : index
          %get3A_611 = tpu.vector_load %arg5[%get3A_609, %get3A_610] {strides = array<i32>} : memref<200x128xi32, #tpu.memory_space<vmem>>, vector<16xi32>,
          %mul3A_612 = arith.constant 2 : i32
          %mul3A_613 = vector.broadcast %mul3A_612 : i32 to vector<16xi32>
          %mul3A_614 = arith.muli %get3A_611, %mul3A_613 : vector<16xi32>
          %swap3A_615 = arith.constant 1 : i32
          %swap3A_616 = arith.index_cast %swap3A_615 : i32 to index
          %swap3A_617 = arith.constant 112 : index
          %swap3A_618 = tpu.vector_load %arg6[%swap3A_616, %swap3A_617] {strides = array<i32>} : memref<3x128xi32, #tpu.memory_space<vmem>>, vector<16xi32>,
          tpu.vector_store %arg6[%swap3A_616, %swap3A_617], %mul3A_614 {strides = array<i32>} : memref<3x128xi32, #tpu.memory_space<vmem>>, vector<16xi32>,
          %dma_start3A_619 = arith.constant 1 : i32
          %dma_start3A_620 = arith.constant 1 : i32
          %dma_start3A_621 = arith.constant 0 : i32
          %dma_start3A_622 = tpu.memref_slice %arg6[%dma_start3A_619, %dma_start3A_621] : memref<3x128xi32, #tpu.memory_space<vmem>> -> memref<1x128xi32, #tpu.memory_space<vmem>>
          %dma_start3A_623 = tpu.memref_squeeze %dma_start3A_622 : memref<1x128xi32, #tpu.memory_space<vmem>> -> memref<128xi32, #tpu.memory_space<vmem>>
          %dma_start3A_624 = arith.constant 0 : i32
          %dma_start3A_625 = arith.constant 0 : i32
          %dma_start3A_626 = tpu.memref_slice %arg3[%dma_start3A_624, %dma_start3A_625] : memref<2000000x64xf32, #tpu.memory_space<hbm>> -> memref<2000000x64xf32, #tpu.memory_space<hbm>>
          %dma_start3A_627 = tpu.memref_slice %arg13[%dma_start3A_620] : memref<3x!tpu.dma_semaphore, #tpu.memory_space<semaphore_mem>> -> memref<1x!tpu.dma_semaphore, #tpu.memory_space<semaphore_mem>>
          %dma_start3A_628 = tpu.memref_squeeze %dma_start3A_627 : memref<1x!tpu.dma_semaphore, #tpu.memory_space<semaphore_mem>> -> memref<!tpu.dma_semaphore, #tpu.memory_space<semaphore_mem>>
          tpu.enqueue_indirect_dma source(%dma_start3A_626 : memref<2000000x64xf32, #tpu.memory_space<hbm>>) target(%arg8 : memref<128x64xf32, #tpu.memory_space<vmem>>) offsets(%dma_start3A_623 : memref<128xi32, #tpu.memory_space<vmem>>) semaphore(%dma_start3A_628 : memref<!tpu.dma_semaphore, #tpu.memory_space<semaphore_mem>>)
        } else {
        }
        %ge3A = arith.constant 3 : i32
        %ge3A_363 = arith.cmpi sge, %add3A_341, %ge3A : i32
        %convert_element_type3A_364 = arith.extui %ge3A_363 : i1 to i32
        %cond3A_365 = arith.constant 0 : i32
        %cond3A_366 = arith.cmpi ne, %convert_element_type3A_364, %cond3A_365 : i32
        scf.if %cond3A_366 {
          %dma_wait3A_537 = arith.constant 2 : i32
          %dma_wait3A_538 = arith.constant 0 : i32
          %dma_wait3A_539 = arith.constant 0 : i32
          %dma_wait3A_540 = tpu.memref_slice %arg3[%dma_wait3A_538, %dma_wait3A_539] : memref<2000000x64xf32, #tpu.memory_space<hbm>> -> memref<128x64xf32, #tpu.memory_space<hbm>>
          %dma_wait3A_541 = tpu.memref_slice %arg14[%dma_wait3A_537] : memref<3x!tpu.dma_semaphore, #tpu.memory_space<semaphore_mem>> -> memref<1x!tpu.dma_semaphore, #tpu.memory_space<semaphore_mem>>
          %dma_wait3A_542 = tpu.memref_squeeze %dma_wait3A_541 : memref<1x!tpu.dma_semaphore, #tpu.memory_space<semaphore_mem>> -> memref<!tpu.dma_semaphore, #tpu.memory_space<semaphore_mem>>
          %dma_wait3A_543 = arith.constant 0 : i32
          %dma_wait3A_544 = arith.constant 0 : i32
          %dma_wait3A_545 = tpu.memref_slice %arg3[%dma_wait3A_543, %dma_wait3A_544] : memref<2000000x64xf32, #tpu.memory_space<hbm>> -> memref<128x64xf32, #tpu.memory_space<hbm>>
          tpu.wait_dma2 semaphore(%dma_wait3A_542 : memref<!tpu.dma_semaphore, #tpu.memory_space<semaphore_mem>>) src(%arg9 : memref<128x64xf32, #tpu.memory_space<vmem>>) dst(%dma_wait3A_545 : memref<128x64xf32, #tpu.memory_space<hbm>>)
        } else {
        }
        %scan3A_367 = arith.constant 0 : i32
        %scan3A_368 = arith.constant 0 : i32
        %scan3A_369 = arith.constant 32 : i32
        %scan3A_370 = arith.addi %scan3A_368, %scan3A_369 : i32
        %scan3A_371 = arith.constant 1 : i32
        scf.for %scan3A_537 = %scan3A_368 to %scan3A_370 step %scan3A_371  : i32 {
          %shift_right_logical3A = arith.constant 2 : i32
          %shift_right_logical3A_538 = arith.shrui %scan3A_537, %shift_right_logical3A : i32
          %and3A_539 = arith.constant 3 : i32
          %and3A_540 = arith.andi %scan3A_537, %and3A_539 : i32
          %mul3A_541 = arith.constant 16 : i32
          %mul3A_542 = arith.muli %shift_right_logical3A_538, %mul3A_541 : i32
          %mul3A_543 = arith.constant 16 : i32
          %mul3A_544 = arith.muli %and3A_540, %mul3A_543 : i32
          %add3A_545 = vector.broadcast %mul3A_542 : i32 to vector<16xi32>
          %add3A_546 = arith.addi %iota3A, %add3A_545 : vector<16xi32>
          %add3A_547 = vector.broadcast %mul3A_544 : i32 to vector<16xi32>
          %add3A_548 = arith.addi %rem3A_7, %add3A_547 : vector<16xi32>
          %add3A_549 = vector.broadcast %mul3A_544 : i32 to vector<16xi32>
          %add3A_550 = arith.addi %rem3A_13, %add3A_549 : vector<16xi32>
          %add3A_551 = vector.broadcast %mul3A_544 : i32 to vector<16xi32>
          %add3A_552 = arith.addi %rem3A_19, %add3A_551 : vector<16xi32>
          %add3A_553 = vector.broadcast %mul3A_544 : i32 to vector<16xi32>
          %add3A_554 = arith.addi %rem3A_25, %add3A_553 : vector<16xi32>
          %add3A_555 = vector.broadcast %mul3A_544 : i32 to vector<16xi32>
          %add3A_556 = arith.addi %rem3A_31, %add3A_555 : vector<16xi32>
          %add3A_557 = vector.broadcast %mul3A_544 : i32 to vector<16xi32>
          %add3A_558 = arith.addi %rem3A_37, %add3A_557 : vector<16xi32>
          %add3A_559 = vector.broadcast %mul3A_544 : i32 to vector<16xi32>
          %add3A_560 = arith.addi %rem3A_43, %add3A_559 : vector<16xi32>
          %add3A_561 = vector.broadcast %mul3A_544 : i32 to vector<16xi32>
          %add3A_562 = arith.addi %rem3A_49, %add3A_561 : vector<16xi32>
          %add3A_563 = vector.broadcast %mul3A_544 : i32 to vector<16xi32>
          %add3A_564 = arith.addi %rem3A_55, %add3A_563 : vector<16xi32>
          %add3A_565 = vector.broadcast %mul3A_544 : i32 to vector<16xi32>
          %add3A_566 = arith.addi %rem3A_61, %add3A_565 : vector<16xi32>
          %add3A_567 = vector.broadcast %mul3A_544 : i32 to vector<16xi32>
          %add3A_568 = arith.addi %rem3A_67, %add3A_567 : vector<16xi32>
          %add3A_569 = vector.broadcast %mul3A_544 : i32 to vector<16xi32>
          %add3A_570 = arith.addi %rem3A_73, %add3A_569 : vector<16xi32>
          %add3A_571 = vector.broadcast %mul3A_544 : i32 to vector<16xi32>
          %add3A_572 = arith.addi %rem3A_79, %add3A_571 : vector<16xi32>
          %add3A_573 = vector.broadcast %mul3A_544 : i32 to vector<16xi32>
          %add3A_574 = arith.addi %rem3A_85, %add3A_573 : vector<16xi32>
          %add3A_575 = vector.broadcast %mul3A_544 : i32 to vector<16xi32>
          %add3A_576 = arith.addi %rem3A_91, %add3A_575 : vector<16xi32>
          %add3A_577 = vector.broadcast %mul3A_544 : i32 to vector<16xi32>
          %add3A_578 = arith.addi %rem3A_97, %add3A_577 : vector<16xi32>
          %gather3A = tpu.vector_load_idx %arg9[%add3A_546, %add3A_548] : memref<128x64xf32, #tpu.memory_space<vmem>>[vector<16xi32>, vector<16xi32>], vector<16xf32>,
          %gather3A_579 = tpu.vector_load_idx %arg9[%add3A_546, %add3A_550] : memref<128x64xf32, #tpu.memory_space<vmem>>[vector<16xi32>, vector<16xi32>], vector<16xf32>,
          %gather3A_580 = tpu.vector_load_idx %arg9[%add3A_546, %add3A_552] : memref<128x64xf32, #tpu.memory_space<vmem>>[vector<16xi32>, vector<16xi32>], vector<16xf32>,
          %gather3A_581 = tpu.vector_load_idx %arg9[%add3A_546, %add3A_554] : memref<128x64xf32, #tpu.memory_space<vmem>>[vector<16xi32>, vector<16xi32>], vector<16xf32>,
          %gather3A_582 = tpu.vector_load_idx %arg9[%add3A_546, %add3A_556] : memref<128x64xf32, #tpu.memory_space<vmem>>[vector<16xi32>, vector<16xi32>], vector<16xf32>,
          %gather3A_583 = tpu.vector_load_idx %arg9[%add3A_546, %add3A_558] : memref<128x64xf32, #tpu.memory_space<vmem>>[vector<16xi32>, vector<16xi32>], vector<16xf32>,
          %gather3A_584 = tpu.vector_load_idx %arg9[%add3A_546, %add3A_560] : memref<128x64xf32, #tpu.memory_space<vmem>>[vector<16xi32>, vector<16xi32>], vector<16xf32>,
          %gather3A_585 = tpu.vector_load_idx %arg9[%add3A_546, %add3A_562] : memref<128x64xf32, #tpu.memory_space<vmem>>[vector<16xi32>, vector<16xi32>], vector<16xf32>,
          %gather3A_586 = tpu.vector_load_idx %arg9[%add3A_546, %add3A_564] : memref<128x64xf32, #tpu.memory_space<vmem>>[vector<16xi32>, vector<16xi32>], vector<16xf32>,
          %gather3A_587 = tpu.vector_load_idx %arg9[%add3A_546, %add3A_566] : memref<128x64xf32, #tpu.memory_space<vmem>>[vector<16xi32>, vector<16xi32>], vector<16xf32>,
          %gather3A_588 = tpu.vector_load_idx %arg9[%add3A_546, %add3A_568] : memref<128x64xf32, #tpu.memory_space<vmem>>[vector<16xi32>, vector<16xi32>], vector<16xf32>,
          %gather3A_589 = tpu.vector_load_idx %arg9[%add3A_546, %add3A_570] : memref<128x64xf32, #tpu.memory_space<vmem>>[vector<16xi32>, vector<16xi32>], vector<16xf32>,
          %gather3A_590 = tpu.vector_load_idx %arg9[%add3A_546, %add3A_572] : memref<128x64xf32, #tpu.memory_space<vmem>>[vector<16xi32>, vector<16xi32>], vector<16xf32>,
          %gather3A_591 = tpu.vector_load_idx %arg9[%add3A_546, %add3A_574] : memref<128x64xf32, #tpu.memory_space<vmem>>[vector<16xi32>, vector<16xi32>], vector<16xf32>,
          %gather3A_592 = tpu.vector_load_idx %arg9[%add3A_546, %add3A_576] : memref<128x64xf32, #tpu.memory_space<vmem>>[vector<16xi32>, vector<16xi32>], vector<16xf32>,
          %gather3A_593 = tpu.vector_load_idx %arg9[%add3A_546, %add3A_578] : memref<128x64xf32, #tpu.memory_space<vmem>>[vector<16xi32>, vector<16xi32>], vector<16xf32>,
          %mul3A_594 = arith.constant 8.000000e+00 : f32
          %mul3A_595 = vector.broadcast %mul3A_594 : f32 to vector<16xf32>
          %mul3A_596 = arith.mulf %gather3A, %mul3A_595 : vector<16xf32>
          tpu.vector_store_idx %arg12[%add3A_548, %add3A_546], %mul3A_596 : memref<64x128xf32, #tpu.memory_space<vmem>>[vector<16xi32>, vector<16xi32>], vector<16xf32>,
          %mul3A_597 = arith.constant 8.000000e+00 : f32
          %mul3A_598 = vector.broadcast %mul3A_597 : f32 to vector<16xf32>
          %mul3A_599 = arith.mulf %gather3A_579, %mul3A_598 : vector<16xf32>
          tpu.vector_store_idx %arg12[%add3A_550, %add3A_546], %mul3A_599 : memref<64x128xf32, #tpu.memory_space<vmem>>[vector<16xi32>, vector<16xi32>], vector<16xf32>,
          %mul3A_600 = arith.constant 8.000000e+00 : f32
          %mul3A_601 = vector.broadcast %mul3A_600 : f32 to vector<16xf32>
          %mul3A_602 = arith.mulf %gather3A_580, %mul3A_601 : vector<16xf32>
          tpu.vector_store_idx %arg12[%add3A_552, %add3A_546], %mul3A_602 : memref<64x128xf32, #tpu.memory_space<vmem>>[vector<16xi32>, vector<16xi32>], vector<16xf32>,
          %mul3A_603 = arith.constant 8.000000e+00 : f32
          %mul3A_604 = vector.broadcast %mul3A_603 : f32 to vector<16xf32>
          %mul3A_605 = arith.mulf %gather3A_581, %mul3A_604 : vector<16xf32>
          tpu.vector_store_idx %arg12[%add3A_554, %add3A_546], %mul3A_605 : memref<64x128xf32, #tpu.memory_space<vmem>>[vector<16xi32>, vector<16xi32>], vector<16xf32>,
          %mul3A_606 = arith.constant 8.000000e+00 : f32
          %mul3A_607 = vector.broadcast %mul3A_606 : f32 to vector<16xf32>
          %mul3A_608 = arith.mulf %gather3A_582, %mul3A_607 : vector<16xf32>
          tpu.vector_store_idx %arg12[%add3A_556, %add3A_546], %mul3A_608 : memref<64x128xf32, #tpu.memory_space<vmem>>[vector<16xi32>, vector<16xi32>], vector<16xf32>,
          %mul3A_609 = arith.constant 8.000000e+00 : f32
          %mul3A_610 = vector.broadcast %mul3A_609 : f32 to vector<16xf32>
          %mul3A_611 = arith.mulf %gather3A_583, %mul3A_610 : vector<16xf32>
          tpu.vector_store_idx %arg12[%add3A_558, %add3A_546], %mul3A_611 : memref<64x128xf32, #tpu.memory_space<vmem>>[vector<16xi32>, vector<16xi32>], vector<16xf32>,
          %mul3A_612 = arith.constant 8.000000e+00 : f32
          %mul3A_613 = vector.broadcast %mul3A_612 : f32 to vector<16xf32>
          %mul3A_614 = arith.mulf %gather3A_584, %mul3A_613 : vector<16xf32>
          tpu.vector_store_idx %arg12[%add3A_560, %add3A_546], %mul3A_614 : memref<64x128xf32, #tpu.memory_space<vmem>>[vector<16xi32>, vector<16xi32>], vector<16xf32>,
          %mul3A_615 = arith.constant 8.000000e+00 : f32
          %mul3A_616 = vector.broadcast %mul3A_615 : f32 to vector<16xf32>
          %mul3A_617 = arith.mulf %gather3A_585, %mul3A_616 : vector<16xf32>
          tpu.vector_store_idx %arg12[%add3A_562, %add3A_546], %mul3A_617 : memref<64x128xf32, #tpu.memory_space<vmem>>[vector<16xi32>, vector<16xi32>], vector<16xf32>,
          %mul3A_618 = arith.constant 8.000000e+00 : f32
          %mul3A_619 = vector.broadcast %mul3A_618 : f32 to vector<16xf32>
          %mul3A_620 = arith.mulf %gather3A_586, %mul3A_619 : vector<16xf32>
          tpu.vector_store_idx %arg12[%add3A_564, %add3A_546], %mul3A_620 : memref<64x128xf32, #tpu.memory_space<vmem>>[vector<16xi32>, vector<16xi32>], vector<16xf32>,
          %mul3A_621 = arith.constant 8.000000e+00 : f32
          %mul3A_622 = vector.broadcast %mul3A_621 : f32 to vector<16xf32>
          %mul3A_623 = arith.mulf %gather3A_587, %mul3A_622 : vector<16xf32>
          tpu.vector_store_idx %arg12[%add3A_566, %add3A_546], %mul3A_623 : memref<64x128xf32, #tpu.memory_space<vmem>>[vector<16xi32>, vector<16xi32>], vector<16xf32>,
          %mul3A_624 = arith.constant 8.000000e+00 : f32
          %mul3A_625 = vector.broadcast %mul3A_624 : f32 to vector<16xf32>
          %mul3A_626 = arith.mulf %gather3A_588, %mul3A_625 : vector<16xf32>
          tpu.vector_store_idx %arg12[%add3A_568, %add3A_546], %mul3A_626 : memref<64x128xf32, #tpu.memory_space<vmem>>[vector<16xi32>, vector<16xi32>], vector<16xf32>,
          %mul3A_627 = arith.constant 8.000000e+00 : f32
          %mul3A_628 = vector.broadcast %mul3A_627 : f32 to vector<16xf32>
          %mul3A_629 = arith.mulf %gather3A_589, %mul3A_628 : vector<16xf32>
          tpu.vector_store_idx %arg12[%add3A_570, %add3A_546], %mul3A_629 : memref<64x128xf32, #tpu.memory_space<vmem>>[vector<16xi32>, vector<16xi32>], vector<16xf32>,
          %mul3A_630 = arith.constant 8.000000e+00 : f32
          %mul3A_631 = vector.broadcast %mul3A_630 : f32 to vector<16xf32>
          %mul3A_632 = arith.mulf %gather3A_590, %mul3A_631 : vector<16xf32>
          tpu.vector_store_idx %arg12[%add3A_572, %add3A_546], %mul3A_632 : memref<64x128xf32, #tpu.memory_space<vmem>>[vector<16xi32>, vector<16xi32>], vector<16xf32>,
          %mul3A_633 = arith.constant 8.000000e+00 : f32
          %mul3A_634 = vector.broadcast %mul3A_633 : f32 to vector<16xf32>
          %mul3A_635 = arith.mulf %gather3A_591, %mul3A_634 : vector<16xf32>
          tpu.vector_store_idx %arg12[%add3A_574, %add3A_546], %mul3A_635 : memref<64x128xf32, #tpu.memory_space<vmem>>[vector<16xi32>, vector<16xi32>], vector<16xf32>,
          %mul3A_636 = arith.constant 8.000000e+00 : f32
          %mul3A_637 = vector.broadcast %mul3A_636 : f32 to vector<16xf32>
          %mul3A_638 = arith.mulf %gather3A_592, %mul3A_637 : vector<16xf32>
          tpu.vector_store_idx %arg12[%add3A_576, %add3A_546], %mul3A_638 : memref<64x128xf32, #tpu.memory_space<vmem>>[vector<16xi32>, vector<16xi32>], vector<16xf32>,
          %mul3A_639 = arith.constant 8.000000e+00 : f32
          %mul3A_640 = vector.broadcast %mul3A_639 : f32 to vector<16xf32>
          %mul3A_641 = arith.mulf %gather3A_593, %mul3A_640 : vector<16xf32>
          tpu.vector_store_idx %arg12[%add3A_578, %add3A_546], %mul3A_641 : memref<64x128xf32, #tpu.memory_space<vmem>>[vector<16xi32>, vector<16xi32>], vector<16xf32>,
        }
        %scan3A_372 = arith.constant 32 : i32
        %add3A_373 = arith.addi %mul3A_2, %add3A_341 : i32
        %jit3A = arith.constant 32 : i32
        %div3A = arith.divsi %add3A_373, %jit3A : i32
        %sign3A = arith.constant 0 : i32
        %sign3A_374 = arith.cmpi sgt, %add3A_373, %sign3A : i32
        %sign3A_375 = arith.extui %sign3A_374 : i1 to i32
        %sign3A_376 = arith.constant 0 : i32
        %sign3A_377 = arith.cmpi slt, %add3A_373, %sign3A_376 : i32
        %sign3A_378 = arith.extui %sign3A_377 : i1 to i32
        %sign3A_379 = arith.subi %sign3A_375, %sign3A_378 : i32
        %sign3A_380 = arith.constant 0 : i32
        %sign3A_381 = arith.cmpi sgt, %jit3A, %sign3A_380 : i32
        %sign3A_382 = arith.extui %sign3A_381 : i1 to i32
        %sign3A_383 = arith.constant 0 : i32
        %sign3A_384 = arith.cmpi slt, %jit3A, %sign3A_383 : i32
        %sign3A_385 = arith.extui %sign3A_384 : i1 to i32
        %sign3A_386 = arith.subi %sign3A_382, %sign3A_385 : i32
        %ne3A = arith.cmpi ne, %sign3A_379, %sign3A_386 : i32
        %rem3A_387 = arith.remsi %add3A_373, %jit3A : i32
        %ne3A_388 = arith.constant 0 : i32
        %ne3A_389 = arith.cmpi ne, %rem3A_387, %ne3A_388 : i32
        %and3A = arith.andi %ne3A, %ne3A_389 : i1
        %sub3A = arith.constant 1 : i32
        %sub3A_390 = arith.subi %div3A, %sub3A : i32
        %select_n3A = arith.select %and3A, %sub3A_390, %div3A : i32
        %rem3A_391 = arith.constant 32 : i32
        %rem3A_392 = arith.remsi %add3A_373, %rem3A_391 : i32
        %dma_start3A_393 = arith.constant 0 : i32
        %dma_start3A_394 = arith.constant 2 : i32
        %dma_start3A_395 = arith.constant 0 : i32
        %dma_start3A_396 = arith.constant 0 : i32
        %dma_start3A_397 = tpu.memref_slice %arg12[%dma_start3A_395, %dma_start3A_396] : memref<64x128xf32, #tpu.memory_space<vmem>> -> memref<8x128xf32, #tpu.memory_space<vmem>>
        %dma_start3A_398 = arith.constant 0 : i32
        %dma_start3A_399 = arith.constant 0 : i32
        %dma_start3A_400 = tpu.memref_slice %arg4[%select_n3A, %dma_start3A_393, %rem3A_392, %dma_start3A_398, %dma_start3A_399] : memref<200x8x32x8x128xf32, #tpu.memory_space<hbm>> -> memref<1x1x1x8x128xf32, #tpu.memory_space<hbm>>
        %dma_start3A_401 = tpu.memref_squeeze %dma_start3A_400 : memref<1x1x1x8x128xf32, #tpu.memory_space<hbm>> -> memref<8x128xf32, #tpu.memory_space<hbm>>
        %dma_start3A_402 = tpu.memref_slice %arg14[%dma_start3A_394] : memref<3x!tpu.dma_semaphore, #tpu.memory_space<semaphore_mem>> -> memref<1x!tpu.dma_semaphore, #tpu.memory_space<semaphore_mem>>
        %dma_start3A_403 = tpu.memref_squeeze %dma_start3A_402 : memref<1x!tpu.dma_semaphore, #tpu.memory_space<semaphore_mem>> -> memref<!tpu.dma_semaphore, #tpu.memory_space<semaphore_mem>>
        %dma_start3A_404 = arith.constant 0 : i32
        %dma_start3A_405 = arith.constant 0 : i32
        %dma_start3A_406 = tpu.memref_slice %arg4[%select_n3A, %dma_start3A_393, %rem3A_392, %dma_start3A_404, %dma_start3A_405] : memref<200x8x32x8x128xf32, #tpu.memory_space<hbm>> -> memref<1x1x1x8x128xf32, #tpu.memory_space<hbm>>
        %dma_start3A_407 = tpu.memref_squeeze %dma_start3A_406 : memref<1x1x1x8x128xf32, #tpu.memory_space<hbm>> -> memref<8x128xf32, #tpu.memory_space<hbm>>
        %dma_start3A_408 = arith.constant 0 : i32
        %dma_start3A_409 = arith.constant 0 : i32
        %dma_start3A_410 = tpu.memref_slice %arg12[%dma_start3A_408, %dma_start3A_409] : memref<64x128xf32, #tpu.memory_space<vmem>> -> memref<8x128xf32, #tpu.memory_space<vmem>>
        tpu.enqueue_dma source(%dma_start3A_410 : memref<8x128xf32, #tpu.memory_space<vmem>>) target(%dma_start3A_407 : memref<8x128xf32, #tpu.memory_space<hbm>>) target_semaphore(%dma_start3A_403 : memref<!tpu.dma_semaphore, #tpu.memory_space<semaphore_mem>>)
        %dma_start3A_411 = arith.constant 1 : i32
        %dma_start3A_412 = arith.constant 2 : i32
        %dma_start3A_413 = arith.constant 8 : i32
        %dma_start3A_414 = arith.constant 0 : i32
        %dma_start3A_415 = tpu.memref_slice %arg12[%dma_start3A_413, %dma_start3A_414] : memref<64x128xf32, #tpu.memory_space<vmem>> -> memref<8x128xf32, #tpu.memory_space<vmem>>
        %dma_start3A_416 = arith.constant 0 : i32
        %dma_start3A_417 = arith.constant 0 : i32
        %dma_start3A_418 = tpu.memref_slice %arg4[%select_n3A, %dma_start3A_411, %rem3A_392, %dma_start3A_416, %dma_start3A_417] : memref<200x8x32x8x128xf32, #tpu.memory_space<hbm>> -> memref<1x1x1x8x128xf32, #tpu.memory_space<hbm>>
        %dma_start3A_419 = tpu.memref_squeeze %dma_start3A_418 : memref<1x1x1x8x128xf32, #tpu.memory_space<hbm>> -> memref<8x128xf32, #tpu.memory_space<hbm>>
        %dma_start3A_420 = tpu.memref_slice %arg14[%dma_start3A_412] : memref<3x!tpu.dma_semaphore, #tpu.memory_space<semaphore_mem>> -> memref<1x!tpu.dma_semaphore, #tpu.memory_space<semaphore_mem>>
        %dma_start3A_421 = tpu.memref_squeeze %dma_start3A_420 : memref<1x!tpu.dma_semaphore, #tpu.memory_space<semaphore_mem>> -> memref<!tpu.dma_semaphore, #tpu.memory_space<semaphore_mem>>
        %dma_start3A_422 = arith.constant 0 : i32
        %dma_start3A_423 = arith.constant 0 : i32
        %dma_start3A_424 = tpu.memref_slice %arg4[%select_n3A, %dma_start3A_411, %rem3A_392, %dma_start3A_422, %dma_start3A_423] : memref<200x8x32x8x128xf32, #tpu.memory_space<hbm>> -> memref<1x1x1x8x128xf32, #tpu.memory_space<hbm>>
        %dma_start3A_425 = tpu.memref_squeeze %dma_start3A_424 : memref<1x1x1x8x128xf32, #tpu.memory_space<hbm>> -> memref<8x128xf32, #tpu.memory_space<hbm>>
        %dma_start3A_426 = arith.constant 8 : i32
        %dma_start3A_427 = arith.constant 0 : i32
        %dma_start3A_428 = tpu.memref_slice %arg12[%dma_start3A_426, %dma_start3A_427] : memref<64x128xf32, #tpu.memory_space<vmem>> -> memref<8x128xf32, #tpu.memory_space<vmem>>
        tpu.enqueue_dma source(%dma_start3A_428 : memref<8x128xf32, #tpu.memory_space<vmem>>) target(%dma_start3A_425 : memref<8x128xf32, #tpu.memory_space<hbm>>) target_semaphore(%dma_start3A_421 : memref<!tpu.dma_semaphore, #tpu.memory_space<semaphore_mem>>)
        %dma_start3A_429 = arith.constant 2 : i32
        %dma_start3A_430 = arith.constant 2 : i32
        %dma_start3A_431 = arith.constant 16 : i32
        %dma_start3A_432 = arith.constant 0 : i32
        %dma_start3A_433 = tpu.memref_slice %arg12[%dma_start3A_431, %dma_start3A_432] : memref<64x128xf32, #tpu.memory_space<vmem>> -> memref<8x128xf32, #tpu.memory_space<vmem>>
        %dma_start3A_434 = arith.constant 0 : i32
        %dma_start3A_435 = arith.constant 0 : i32
        %dma_start3A_436 = tpu.memref_slice %arg4[%select_n3A, %dma_start3A_429, %rem3A_392, %dma_start3A_434, %dma_start3A_435] : memref<200x8x32x8x128xf32, #tpu.memory_space<hbm>> -> memref<1x1x1x8x128xf32, #tpu.memory_space<hbm>>
        %dma_start3A_437 = tpu.memref_squeeze %dma_start3A_436 : memref<1x1x1x8x128xf32, #tpu.memory_space<hbm>> -> memref<8x128xf32, #tpu.memory_space<hbm>>
        %dma_start3A_438 = tpu.memref_slice %arg14[%dma_start3A_430] : memref<3x!tpu.dma_semaphore, #tpu.memory_space<semaphore_mem>> -> memref<1x!tpu.dma_semaphore, #tpu.memory_space<semaphore_mem>>
        %dma_start3A_439 = tpu.memref_squeeze %dma_start3A_438 : memref<1x!tpu.dma_semaphore, #tpu.memory_space<semaphore_mem>> -> memref<!tpu.dma_semaphore, #tpu.memory_space<semaphore_mem>>
        %dma_start3A_440 = arith.constant 0 : i32
        %dma_start3A_441 = arith.constant 0 : i32
        %dma_start3A_442 = tpu.memref_slice %arg4[%select_n3A, %dma_start3A_429, %rem3A_392, %dma_start3A_440, %dma_start3A_441] : memref<200x8x32x8x128xf32, #tpu.memory_space<hbm>> -> memref<1x1x1x8x128xf32, #tpu.memory_space<hbm>>
        %dma_start3A_443 = tpu.memref_squeeze %dma_start3A_442 : memref<1x1x1x8x128xf32, #tpu.memory_space<hbm>> -> memref<8x128xf32, #tpu.memory_space<hbm>>
        %dma_start3A_444 = arith.constant 16 : i32
        %dma_start3A_445 = arith.constant 0 : i32
        %dma_start3A_446 = tpu.memref_slice %arg12[%dma_start3A_444, %dma_start3A_445] : memref<64x128xf32, #tpu.memory_space<vmem>> -> memref<8x128xf32, #tpu.memory_space<vmem>>
        tpu.enqueue_dma source(%dma_start3A_446 : memref<8x128xf32, #tpu.memory_space<vmem>>) target(%dma_start3A_443 : memref<8x128xf32, #tpu.memory_space<hbm>>) target_semaphore(%dma_start3A_439 : memref<!tpu.dma_semaphore, #tpu.memory_space<semaphore_mem>>)
        %dma_start3A_447 = arith.constant 3 : i32
        %dma_start3A_448 = arith.constant 2 : i32
        %dma_start3A_449 = arith.constant 24 : i32
        %dma_start3A_450 = arith.constant 0 : i32
        %dma_start3A_451 = tpu.memref_slice %arg12[%dma_start3A_449, %dma_start3A_450] : memref<64x128xf32, #tpu.memory_space<vmem>> -> memref<8x128xf32, #tpu.memory_space<vmem>>
        %dma_start3A_452 = arith.constant 0 : i32
        %dma_start3A_453 = arith.constant 0 : i32
        %dma_start3A_454 = tpu.memref_slice %arg4[%select_n3A, %dma_start3A_447, %rem3A_392, %dma_start3A_452, %dma_start3A_453] : memref<200x8x32x8x128xf32, #tpu.memory_space<hbm>> -> memref<1x1x1x8x128xf32, #tpu.memory_space<hbm>>
        %dma_start3A_455 = tpu.memref_squeeze %dma_start3A_454 : memref<1x1x1x8x128xf32, #tpu.memory_space<hbm>> -> memref<8x128xf32, #tpu.memory_space<hbm>>
        %dma_start3A_456 = tpu.memref_slice %arg14[%dma_start3A_448] : memref<3x!tpu.dma_semaphore, #tpu.memory_space<semaphore_mem>> -> memref<1x!tpu.dma_semaphore, #tpu.memory_space<semaphore_mem>>
        %dma_start3A_457 = tpu.memref_squeeze %dma_start3A_456 : memref<1x!tpu.dma_semaphore, #tpu.memory_space<semaphore_mem>> -> memref<!tpu.dma_semaphore, #tpu.memory_space<semaphore_mem>>
        %dma_start3A_458 = arith.constant 0 : i32
        %dma_start3A_459 = arith.constant 0 : i32
        %dma_start3A_460 = tpu.memref_slice %arg4[%select_n3A, %dma_start3A_447, %rem3A_392, %dma_start3A_458, %dma_start3A_459] : memref<200x8x32x8x128xf32, #tpu.memory_space<hbm>> -> memref<1x1x1x8x128xf32, #tpu.memory_space<hbm>>
        %dma_start3A_461 = tpu.memref_squeeze %dma_start3A_460 : memref<1x1x1x8x128xf32, #tpu.memory_space<hbm>> -> memref<8x128xf32, #tpu.memory_space<hbm>>
        %dma_start3A_462 = arith.constant 24 : i32
        %dma_start3A_463 = arith.constant 0 : i32
        %dma_start3A_464 = tpu.memref_slice %arg12[%dma_start3A_462, %dma_start3A_463] : memref<64x128xf32, #tpu.memory_space<vmem>> -> memref<8x128xf32, #tpu.memory_space<vmem>>
        tpu.enqueue_dma source(%dma_start3A_464 : memref<8x128xf32, #tpu.memory_space<vmem>>) target(%dma_start3A_461 : memref<8x128xf32, #tpu.memory_space<hbm>>) target_semaphore(%dma_start3A_457 : memref<!tpu.dma_semaphore, #tpu.memory_space<semaphore_mem>>)
        %dma_start3A_465 = arith.constant 4 : i32
        %dma_start3A_466 = arith.constant 2 : i32
        %dma_start3A_467 = arith.constant 32 : i32
        %dma_start3A_468 = arith.constant 0 : i32
        %dma_start3A_469 = tpu.memref_slice %arg12[%dma_start3A_467, %dma_start3A_468] : memref<64x128xf32, #tpu.memory_space<vmem>> -> memref<8x128xf32, #tpu.memory_space<vmem>>
        %dma_start3A_470 = arith.constant 0 : i32
        %dma_start3A_471 = arith.constant 0 : i32
        %dma_start3A_472 = tpu.memref_slice %arg4[%select_n3A, %dma_start3A_465, %rem3A_392, %dma_start3A_470, %dma_start3A_471] : memref<200x8x32x8x128xf32, #tpu.memory_space<hbm>> -> memref<1x1x1x8x128xf32, #tpu.memory_space<hbm>>
        %dma_start3A_473 = tpu.memref_squeeze %dma_start3A_472 : memref<1x1x1x8x128xf32, #tpu.memory_space<hbm>> -> memref<8x128xf32, #tpu.memory_space<hbm>>
        %dma_start3A_474 = tpu.memref_slice %arg14[%dma_start3A_466] : memref<3x!tpu.dma_semaphore, #tpu.memory_space<semaphore_mem>> -> memref<1x!tpu.dma_semaphore, #tpu.memory_space<semaphore_mem>>
        %dma_start3A_475 = tpu.memref_squeeze %dma_start3A_474 : memref<1x!tpu.dma_semaphore, #tpu.memory_space<semaphore_mem>> -> memref<!tpu.dma_semaphore, #tpu.memory_space<semaphore_mem>>
        %dma_start3A_476 = arith.constant 0 : i32
        %dma_start3A_477 = arith.constant 0 : i32
        %dma_start3A_478 = tpu.memref_slice %arg4[%select_n3A, %dma_start3A_465, %rem3A_392, %dma_start3A_476, %dma_start3A_477] : memref<200x8x32x8x128xf32, #tpu.memory_space<hbm>> -> memref<1x1x1x8x128xf32, #tpu.memory_space<hbm>>
        %dma_start3A_479 = tpu.memref_squeeze %dma_start3A_478 : memref<1x1x1x8x128xf32, #tpu.memory_space<hbm>> -> memref<8x128xf32, #tpu.memory_space<hbm>>
        %dma_start3A_480 = arith.constant 32 : i32
        %dma_start3A_481 = arith.constant 0 : i32
        %dma_start3A_482 = tpu.memref_slice %arg12[%dma_start3A_480, %dma_start3A_481] : memref<64x128xf32, #tpu.memory_space<vmem>> -> memref<8x128xf32, #tpu.memory_space<vmem>>
        tpu.enqueue_dma source(%dma_start3A_482 : memref<8x128xf32, #tpu.memory_space<vmem>>) target(%dma_start3A_479 : memref<8x128xf32, #tpu.memory_space<hbm>>) target_semaphore(%dma_start3A_475 : memref<!tpu.dma_semaphore, #tpu.memory_space<semaphore_mem>>)
        %dma_start3A_483 = arith.constant 5 : i32
        %dma_start3A_484 = arith.constant 2 : i32
        %dma_start3A_485 = arith.constant 40 : i32
        %dma_start3A_486 = arith.constant 0 : i32
        %dma_start3A_487 = tpu.memref_slice %arg12[%dma_start3A_485, %dma_start3A_486] : memref<64x128xf32, #tpu.memory_space<vmem>> -> memref<8x128xf32, #tpu.memory_space<vmem>>
        %dma_start3A_488 = arith.constant 0 : i32
        %dma_start3A_489 = arith.constant 0 : i32
        %dma_start3A_490 = tpu.memref_slice %arg4[%select_n3A, %dma_start3A_483, %rem3A_392, %dma_start3A_488, %dma_start3A_489] : memref<200x8x32x8x128xf32, #tpu.memory_space<hbm>> -> memref<1x1x1x8x128xf32, #tpu.memory_space<hbm>>
        %dma_start3A_491 = tpu.memref_squeeze %dma_start3A_490 : memref<1x1x1x8x128xf32, #tpu.memory_space<hbm>> -> memref<8x128xf32, #tpu.memory_space<hbm>>
        %dma_start3A_492 = tpu.memref_slice %arg14[%dma_start3A_484] : memref<3x!tpu.dma_semaphore, #tpu.memory_space<semaphore_mem>> -> memref<1x!tpu.dma_semaphore, #tpu.memory_space<semaphore_mem>>
        %dma_start3A_493 = tpu.memref_squeeze %dma_start3A_492 : memref<1x!tpu.dma_semaphore, #tpu.memory_space<semaphore_mem>> -> memref<!tpu.dma_semaphore, #tpu.memory_space<semaphore_mem>>
        %dma_start3A_494 = arith.constant 0 : i32
        %dma_start3A_495 = arith.constant 0 : i32
        %dma_start3A_496 = tpu.memref_slice %arg4[%select_n3A, %dma_start3A_483, %rem3A_392, %dma_start3A_494, %dma_start3A_495] : memref<200x8x32x8x128xf32, #tpu.memory_space<hbm>> -> memref<1x1x1x8x128xf32, #tpu.memory_space<hbm>>
        %dma_start3A_497 = tpu.memref_squeeze %dma_start3A_496 : memref<1x1x1x8x128xf32, #tpu.memory_space<hbm>> -> memref<8x128xf32, #tpu.memory_space<hbm>>
        %dma_start3A_498 = arith.constant 40 : i32
        %dma_start3A_499 = arith.constant 0 : i32
        %dma_start3A_500 = tpu.memref_slice %arg12[%dma_start3A_498, %dma_start3A_499] : memref<64x128xf32, #tpu.memory_space<vmem>> -> memref<8x128xf32, #tpu.memory_space<vmem>>
        tpu.enqueue_dma source(%dma_start3A_500 : memref<8x128xf32, #tpu.memory_space<vmem>>) target(%dma_start3A_497 : memref<8x128xf32, #tpu.memory_space<hbm>>) target_semaphore(%dma_start3A_493 : memref<!tpu.dma_semaphore, #tpu.memory_space<semaphore_mem>>)
        %dma_start3A_501 = arith.constant 6 : i32
        %dma_start3A_502 = arith.constant 2 : i32
        %dma_start3A_503 = arith.constant 48 : i32
        %dma_start3A_504 = arith.constant 0 : i32
        %dma_start3A_505 = tpu.memref_slice %arg12[%dma_start3A_503, %dma_start3A_504] : memref<64x128xf32, #tpu.memory_space<vmem>> -> memref<8x128xf32, #tpu.memory_space<vmem>>
        %dma_start3A_506 = arith.constant 0 : i32
        %dma_start3A_507 = arith.constant 0 : i32
        %dma_start3A_508 = tpu.memref_slice %arg4[%select_n3A, %dma_start3A_501, %rem3A_392, %dma_start3A_506, %dma_start3A_507] : memref<200x8x32x8x128xf32, #tpu.memory_space<hbm>> -> memref<1x1x1x8x128xf32, #tpu.memory_space<hbm>>
        %dma_start3A_509 = tpu.memref_squeeze %dma_start3A_508 : memref<1x1x1x8x128xf32, #tpu.memory_space<hbm>> -> memref<8x128xf32, #tpu.memory_space<hbm>>
        %dma_start3A_510 = tpu.memref_slice %arg14[%dma_start3A_502] : memref<3x!tpu.dma_semaphore, #tpu.memory_space<semaphore_mem>> -> memref<1x!tpu.dma_semaphore, #tpu.memory_space<semaphore_mem>>
        %dma_start3A_511 = tpu.memref_squeeze %dma_start3A_510 : memref<1x!tpu.dma_semaphore, #tpu.memory_space<semaphore_mem>> -> memref<!tpu.dma_semaphore, #tpu.memory_space<semaphore_mem>>
        %dma_start3A_512 = arith.constant 0 : i32
        %dma_start3A_513 = arith.constant 0 : i32
        %dma_start3A_514 = tpu.memref_slice %arg4[%select_n3A, %dma_start3A_501, %rem3A_392, %dma_start3A_512, %dma_start3A_513] : memref<200x8x32x8x128xf32, #tpu.memory_space<hbm>> -> memref<1x1x1x8x128xf32, #tpu.memory_space<hbm>>
        %dma_start3A_515 = tpu.memref_squeeze %dma_start3A_514 : memref<1x1x1x8x128xf32, #tpu.memory_space<hbm>> -> memref<8x128xf32, #tpu.memory_space<hbm>>
        %dma_start3A_516 = arith.constant 48 : i32
        %dma_start3A_517 = arith.constant 0 : i32
        %dma_start3A_518 = tpu.memref_slice %arg12[%dma_start3A_516, %dma_start3A_517] : memref<64x128xf32, #tpu.memory_space<vmem>> -> memref<8x128xf32, #tpu.memory_space<vmem>>
        tpu.enqueue_dma source(%dma_start3A_518 : memref<8x128xf32, #tpu.memory_space<vmem>>) target(%dma_start3A_515 : memref<8x128xf32, #tpu.memory_space<hbm>>) target_semaphore(%dma_start3A_511 : memref<!tpu.dma_semaphore, #tpu.memory_space<semaphore_mem>>)
        %dma_start3A_519 = arith.constant 7 : i32
        %dma_start3A_520 = arith.constant 2 : i32
        %dma_start3A_521 = arith.constant 56 : i32
        %dma_start3A_522 = arith.constant 0 : i32
        %dma_start3A_523 = tpu.memref_slice %arg12[%dma_start3A_521, %dma_start3A_522] : memref<64x128xf32, #tpu.memory_space<vmem>> -> memref<8x128xf32, #tpu.memory_space<vmem>>
        %dma_start3A_524 = arith.constant 0 : i32
        %dma_start3A_525 = arith.constant 0 : i32
        %dma_start3A_526 = tpu.memref_slice %arg4[%select_n3A, %dma_start3A_519, %rem3A_392, %dma_start3A_524, %dma_start3A_525] : memref<200x8x32x8x128xf32, #tpu.memory_space<hbm>> -> memref<1x1x1x8x128xf32, #tpu.memory_space<hbm>>
        %dma_start3A_527 = tpu.memref_squeeze %dma_start3A_526 : memref<1x1x1x8x128xf32, #tpu.memory_space<hbm>> -> memref<8x128xf32, #tpu.memory_space<hbm>>
        %dma_start3A_528 = tpu.memref_slice %arg14[%dma_start3A_520] : memref<3x!tpu.dma_semaphore, #tpu.memory_space<semaphore_mem>> -> memref<1x!tpu.dma_semaphore, #tpu.memory_space<semaphore_mem>>
        %dma_start3A_529 = tpu.memref_squeeze %dma_start3A_528 : memref<1x!tpu.dma_semaphore, #tpu.memory_space<semaphore_mem>> -> memref<!tpu.dma_semaphore, #tpu.memory_space<semaphore_mem>>
        %dma_start3A_530 = arith.constant 0 : i32
        %dma_start3A_531 = arith.constant 0 : i32
        %dma_start3A_532 = tpu.memref_slice %arg4[%select_n3A, %dma_start3A_519, %rem3A_392, %dma_start3A_530, %dma_start3A_531] : memref<200x8x32x8x128xf32, #tpu.memory_space<hbm>> -> memref<1x1x1x8x128xf32, #tpu.memory_space<hbm>>
        %dma_start3A_533 = tpu.memref_squeeze %dma_start3A_532 : memref<1x1x1x8x128xf32, #tpu.memory_space<hbm>> -> memref<8x128xf32, #tpu.memory_space<hbm>>
        %dma_start3A_534 = arith.constant 56 : i32
        %dma_start3A_535 = arith.constant 0 : i32
        %dma_start3A_536 = tpu.memref_slice %arg12[%dma_start3A_534, %dma_start3A_535] : memref<64x128xf32, #tpu.memory_space<vmem>> -> memref<8x128xf32, #tpu.memory_space<vmem>>
        tpu.enqueue_dma source(%dma_start3A_536 : memref<8x128xf32, #tpu.memory_space<vmem>>) target(%dma_start3A_533 : memref<8x128xf32, #tpu.memory_space<hbm>>) target_semaphore(%dma_start3A_529 : memref<!tpu.dma_semaphore, #tpu.memory_space<semaphore_mem>>)
      } else {
      }
    }
    %scan3A_295 = arith.constant 67 : i32
    %dma_wait3A = arith.constant 1 : i32
    %dma_wait3A_296 = arith.constant 0 : i32
    %dma_wait3A_297 = arith.constant 0 : i32
    %dma_wait3A_298 = tpu.memref_slice %arg3[%dma_wait3A_296, %dma_wait3A_297] : memref<2000000x64xf32, #tpu.memory_space<hbm>> -> memref<128x64xf32, #tpu.memory_space<hbm>>
    %dma_wait3A_299 = tpu.memref_slice %arg14[%dma_wait3A] : memref<3x!tpu.dma_semaphore, #tpu.memory_space<semaphore_mem>> -> memref<1x!tpu.dma_semaphore, #tpu.memory_space<semaphore_mem>>
    %dma_wait3A_300 = tpu.memref_squeeze %dma_wait3A_299 : memref<1x!tpu.dma_semaphore, #tpu.memory_space<semaphore_mem>> -> memref<!tpu.dma_semaphore, #tpu.memory_space<semaphore_mem>>
    %dma_wait3A_301 = arith.constant 0 : i32
    %dma_wait3A_302 = arith.constant 0 : i32
    %dma_wait3A_303 = tpu.memref_slice %arg3[%dma_wait3A_301, %dma_wait3A_302] : memref<2000000x64xf32, #tpu.memory_space<hbm>> -> memref<128x64xf32, #tpu.memory_space<hbm>>
    tpu.wait_dma2 semaphore(%dma_wait3A_300 : memref<!tpu.dma_semaphore, #tpu.memory_space<semaphore_mem>>) src(%arg8 : memref<128x64xf32, #tpu.memory_space<vmem>>) dst(%dma_wait3A_303 : memref<128x64xf32, #tpu.memory_space<hbm>>)
    %dma_wait3A_304 = arith.constant 2 : i32
    %dma_wait3A_305 = arith.constant 0 : i32
    %dma_wait3A_306 = arith.constant 0 : i32
    %dma_wait3A_307 = tpu.memref_slice %arg3[%dma_wait3A_305, %dma_wait3A_306] : memref<2000000x64xf32, #tpu.memory_space<hbm>> -> memref<128x64xf32, #tpu.memory_space<hbm>>
    %dma_wait3A_308 = tpu.memref_slice %arg14[%dma_wait3A_304] : memref<3x!tpu.dma_semaphore, #tpu.memory_space<semaphore_mem>> -> memref<1x!tpu.dma_semaphore, #tpu.memory_space<semaphore_mem>>
    %dma_wait3A_309 = tpu.memref_squeeze %dma_wait3A_308 : memref<1x!tpu.dma_semaphore, #tpu.memory_space<semaphore_mem>> -> memref<!tpu.dma_semaphore, #tpu.memory_space<semaphore_mem>>
    %dma_wait3A_310 = arith.constant 0 : i32
    %dma_wait3A_311 = arith.constant 0 : i32
    %dma_wait3A_312 = tpu.memref_slice %arg3[%dma_wait3A_310, %dma_wait3A_311] : memref<2000000x64xf32, #tpu.memory_space<hbm>> -> memref<128x64xf32, #tpu.memory_space<hbm>>
    tpu.wait_dma2 semaphore(%dma_wait3A_309 : memref<!tpu.dma_semaphore, #tpu.memory_space<semaphore_mem>>) src(%arg9 : memref<128x64xf32, #tpu.memory_space<vmem>>) dst(%dma_wait3A_312 : memref<128x64xf32, #tpu.memory_space<hbm>>)
    %dma_wait3A_313 = arith.constant 0 : i32
    %dma_wait3A_314 = arith.constant 0 : i32
    %dma_wait3A_315 = arith.constant 0 : i32
    %dma_wait3A_316 = tpu.memref_slice %arg3[%dma_wait3A_314, %dma_wait3A_315] : memref<2000000x64xf32, #tpu.memory_space<hbm>> -> memref<128x64xf32, #tpu.memory_space<hbm>>
    %dma_wait3A_317 = tpu.memref_slice %arg14[%dma_wait3A_313] : memref<3x!tpu.dma_semaphore, #tpu.memory_space<semaphore_mem>> -> memref<1x!tpu.dma_semaphore, #tpu.memory_space<semaphore_mem>>
    %dma_wait3A_318 = tpu.memref_squeeze %dma_wait3A_317 : memref<1x!tpu.dma_semaphore, #tpu.memory_space<semaphore_mem>> -> memref<!tpu.dma_semaphore, #tpu.memory_space<semaphore_mem>>
    %dma_wait3A_319 = arith.constant 0 : i32
    %dma_wait3A_320 = arith.constant 0 : i32
    %dma_wait3A_321 = tpu.memref_slice %arg3[%dma_wait3A_319, %dma_wait3A_320] : memref<2000000x64xf32, #tpu.memory_space<hbm>> -> memref<128x64xf32, #tpu.memory_space<hbm>>
    tpu.wait_dma2 semaphore(%dma_wait3A_318 : memref<!tpu.dma_semaphore, #tpu.memory_space<semaphore_mem>>) src(%arg7 : memref<128x64xf32, #tpu.memory_space<vmem>>) dst(%dma_wait3A_321 : memref<128x64xf32, #tpu.memory_space<hbm>>)
    return
  }
}

</mosaic_0001>

<sc_bundles>
// kernel: kernel.3.cloned.1.call-start
scs
__scs_entry_jumppad:
0x0: {  	(pc) =	sbr.rel $0x88, $3  }
0x1: {  	(tag) =	ssettag $0x0;
	lr =	simm.s32 $0x1  }
0x2: {  	[smem:$0x3F9F] =	sst lr;
	_ =	strace $0xD0000000  }
0x3: {  	_ = 	snop  }
0x4: {  	_ = 	snop  }
0x5: {  	_ = 	snop  }
0x6: {  	_ = 	snop  }
0x7: {  	_ = 	snop  }
__scs_overlays_trampoline_lowered:
0x8: {  	[smem:$0x3FAE] =	sst s0  }
0x9: {  	[smem:$0x3FAF] =	sst s1  }
0xa: {  	[smem:$0x3FB0] =	sst s2  }
0xb: {  	[smem:$0x3FB1] =	sst s3  }
0xc: {  	[smem:$0x3FB2] =	sst s4  }
0xd: {  	[smem:$0x3FB3] =	sst s5  }
0xe: {  	[smem:$0x3FB4] =	sst s6  }
0xf: {  	[smem:$0x3FB5] =	sst s7  }
0x10: {  	[smem:$0x3FB6] =	sst s8  }
0x11: {  	[smem:$0x3FB7] =	sst s9;
	s0 =	simm.s32 @!p0 $0x0  }
0x12: {  	s1 =	sld [smem:$0x3F9D];
	s0 =	simm.s32 @p0 $0x1  }
0x13: {  	[smem:$0x3FB8] =	sst s0;
	s0 =	simm.s32 @!p1 $0x0  }
0x14: {  	s2 =	sld [smem:$0x3F9C];
	s0 =	simm.s32 @p1 $0x1  }
0x15: {  	[smem:$0x3FB9] =	sst s0;
	s0 =	simm.s32 @!p2 $0x0  }
0x16: {  	s3 =	sld [smem:$0x3FDB];
	s0 =	simm.s32 @p2 $0x1  }
0x17: {  	s4 =	simm.s32 $0x1BF5;
	[smem:$0x3FBB] =	sst s0  }
0x18: {  	s0 =	sld [smem:$0x3F9E];
	_ =	swait.ge [sflag:s4], $0x0  }
0x19: {  	s7 =	sld [smem:$0x3F9F]  }
0x1a: {  	s8 =	sadd.s32 $0xFFFFE003, lr  }
0x1b: {  	s9 =	sadd.s32 $0xFFFFFEF7, lr;
	s5 =	simm.s32 $0xFFFFFFFF;
	p2 =	slt.u32 s8, $0xFFFFF086  }
0x1c: {  	p1 =	slt.u32 s9, $0xF7A;
	s5 =	simm.s32 @!p2 $0x0  }
0x1d: {  	s5 =	simm.s32 @p1 $0x1;
	p0 =	seq.s32 s7, s2  }
0x1e: {  	s7 =	smul.u32 @!p0 $0xF7A, s2;
	p2 =	seq.s32 @!p0 s5, $0x0  }
0x1f: {  	s9 =	smul.u32 $0xF7A, s1;
	s8 =	simm.s32 @!p0 $0x1BF5;
	p2 =	por !p2, p0  }
0x20: {  	[sflag:s8] =	ssyncset.s32 @!p0 $0xFFFFF086;
	s6 =	sadd.s32 @!p0 s3, s7;
	s7 =	simm.s32 @!p0 $0x108  }
0x21: {  	s3 =	sadd.s32 s3, s9;
	s6 =	sadd.s32 @!p0 $0x88, s6;
	s7 =	simm.s32 @p2 $0x1082  }
0x22: {  	[simem:s7], [sflag:s8] =	dma.local @!p0 [hbm:s6], $0xF7A  }
0x23: {  	s9 =	sor.u32 $0xD0000000, s2;
	s6 =	simm.s32 $0x108;
	_ =	swait.ge @!p0 [sflag:s8], $0x0  }
0x24: {  	s3 =	sadd.s32 $0x88, s3;
	s6 =	simm.s32 @!p1 $0x1082;
	[sflag:s4] =	ssyncset.s32 $0xFFFFF086  }
0x25: {  	[simem:s6], [sflag:s4] =	dma.local [hbm:s3], $0xF7A  }
0x26: {  	[smem:$0x3F9F] =	sst s1;
	(tag) =	ssettag s2;
	_ =	strace s9  }
0x27: {  	s1 =	sld [smem:$0x3FAF]  }
0x28: {  	s2 =	sld [smem:$0x3FB0]  }
0x29: {  	s4 =	sld [smem:$0x3FB2]  }
0x2a: {  	p0 =	seq.s32 s5, $0x0;
	s5 =	sld [smem:$0x3FB3]  }
0x2b: {  	s6 =	sld [smem:$0x3FB4]  }
0x2c: {  	s7 =	sld [smem:$0x3FB5]  }
0x2d: {  	s3 =	simm.s32 $0x108;
	s8 =	sld [smem:$0x3FB6]  }
0x2e: {  	s3 =	simm.s32 @!p0 $0x1082;
	s9 =	sld [smem:$0x3FB7]  }
0x2f: {  	lr =	sadd.s32 s0, s3;
	s0 =	sld [smem:$0x3FAE]  }
0x30: {  	s3 =	sld [smem:$0x3FB1]  }
0x31: {  	[smem:$0x3FBA] =	sst s10  }
0x32: {  	s10 =	sld [smem:$0x3FB8];
	_ =	sdelay $0x3  }
0x33: {  	p0 =	seq.s32 s10, $0x1;
	s10 =	sld [smem:$0x3FBA];
	_ =	sdelay $0x3  }
0x34: {  	[smem:$0x3FBA] =	sst s10  }
0x35: {  	s10 =	sld [smem:$0x3FB9];
	_ =	sdelay $0x3  }
0x36: {  	p1 =	seq.s32 s10, $0x1;
	s10 =	sld [smem:$0x3FBA];
	_ =	sdelay $0x3  }
0x37: {  	[smem:$0x3FBA] =	sst s10  }
0x38: {  	s10 =	sld [smem:$0x3FBB]  }
0x39: {  	_ = 	snop;
	(pc) =	sbr.ind lr, $3  }
0x3a: {  	_ = 	snop  }
0x3b: {  	_ = 	snop  }
0x3c: {  	p2 =	seq.s32 s10, $0x1;
	s10 =	sld [smem:$0x3FBA]  }
0x3d: {  	_ =	shalt  }
0x3e: {  	_ =	shalt  }
0x3f: {  	_ =	shalt  }
0x40: {  	_ =	shalt  }
0x41: {  	_ =	shalt  }
0x42: {  	_ =	shalt  }
0x43: {  	_ =	shalt  }
0x44: {  	_ =	shalt  }
0x45: {  	_ =	shalt  }
0x46: {  	_ =	shalt  }
0x47: {  	_ =	shalt  }
0x48: {  	_ =	shalt  }
0x49: {  	_ =	shalt  }
0x4a: {  	_ =	shalt  }
0x4b: {  	_ =	shalt  }
0x4c: {  	_ =	shalt  }
0x4d: {  	_ =	shalt  }
0x4e: {  	_ =	shalt  }
0x4f: {  	_ =	shalt  }
0x50: {  	_ =	shalt  }
0x51: {  	_ =	shalt  }
0x52: {  	_ =	shalt  }
0x53: {  	_ =	shalt  }
0x54: {  	_ =	shalt  }
0x55: {  	_ =	shalt  }
0x56: {  	_ =	shalt  }
0x57: {  	_ =	shalt  }
0x58: {  	_ =	shalt  }
0x59: {  	_ =	shalt  }
0x5a: {  	_ =	shalt  }
0x5b: {  	_ =	shalt  }
0x5c: {  	_ =	shalt  }
0x5d: {  	_ =	shalt  }
0x5e: {  	_ =	shalt  }
0x5f: {  	_ =	shalt  }
0x60: {  	_ =	shalt  }
0x61: {  	_ =	shalt  }
0x62: {  	_ =	shalt  }
0x63: {  	_ =	shalt  }
0x64: {  	_ =	shalt  }
0x65: {  	_ =	shalt  }
0x66: {  	_ =	shalt  }
0x67: {  	_ =	shalt  }
0x68: {  	_ =	shalt  }
0x69: {  	_ =	shalt  }
0x6a: {  	_ =	shalt  }
0x6b: {  	_ =	shalt  }
0x6c: {  	_ =	shalt  }
0x6d: {  	_ =	shalt  }
0x6e: {  	_ =	shalt  }
0x6f: {  	_ =	shalt  }
0x70: {  	_ =	shalt  }
0x71: {  	_ =	shalt  }
0x72: {  	_ =	shalt  }
0x73: {  	_ =	shalt  }
0x74: {  	_ =	shalt  }
0x75: {  	_ =	shalt  }
0x76: {  	_ =	shalt  }
0x77: {  	_ =	shalt  }
0x78: {  	_ =	shalt  }
0x79: {  	_ =	shalt  }
0x7a: {  	_ =	shalt  }
0x7b: {  	_ =	shalt  }
0x7c: {  	_ =	shalt  }
0x7d: {  	_ =	shalt  }
0x7e: {  	_ =	shalt  }
0x7f: {  	_ =	shalt  }
0x80: {  	_ =	shalt  }
0x81: {  	_ =	shalt  }
0x82: {  	_ =	shalt  }
0x83: {  	_ =	shalt  }
0x84: {  	_ =	shalt  }
0x85: {  	_ =	shalt  }
0x86: {  	_ =	shalt  }
0x87: {  	_ =	shalt  }
.Lfunc_end0:
.L_simem_size_0:
called_computation.1_lowered:
.L_overlay_start_0:
0x88: {  	s2 =	sld [smem:$0x3FD9]  }
0x89: {  	s3 =	sld [smem:$0x3FFE];
	_ =	sdelay $0x1  }
0x8a: {  	s1 =	srdreg.scid  }
0x8b: {  	s0 =	sand.u32 $0x1, s1  }
0x8c: {  	s17 =	sshll.u32 s0, $0xA;
	s2 =	sadd.s32 s3, s2  }
0x8d: {  	s2 =	sadd.s32 s2, s17  }
0x8e: {  	[smem:$0x3FC6] =	sst s2  }
0x8f: {  	_ = 	snop  }
0x90: {  	s2 =	sld [smem:$0x3FD0];
	(tm) =	ssettm $0x1  }
0x91: {  	s18 =	sld [smem:$0x3FFB];
	_ =	sdelay $0x3  }
0x92: {  	_ =	strace s18  }
0x93: {  	s3 =	sld [smem:$0x3FFC];
	_ =	sdelay $0x3  }
0x94: {  	_ =	strace s3  }
0x95: {  	s3 =	sld [smem:$0x3FFD];
	_ =	sdelay $0x3  }
0x96: {  	_ =	strace s3  }
0x97: {  	_ =	strace $0x8FFFFFFF  }
0x98: {  	s19 =	sld [smem:$0x3FDB];
	_ =	sdelay $0x1  }
0x99: {  	s4 =	simm.s32 $_scs_section_size  }
0x9a: {  	s5 =	simm.s32 $_size__tile_overlayer_lowered;
	s6 =	simm.s32 $_tile_overlayer_lowered  }
0x9b: {  	s22 =	simm.s32 $0x1BFF;
	s21 =	sshll.u32 s6, $0x1;
	s3 =	sadd.s32 s4, s19  }
0x9c: {  	s7 =	simm.s32 $0x0;
	s20 =	sshll.u32 s5, $0x1;
	s5 =	sadd.s32 s21, s3  }
0x9d: {  	[timem:s7], [sflag:s22] =	dma.local [hbm:s5], s20  }
0x9e: {  	_ =	swait.ge [sflag:s22], s20  }
0x9f: {  	s4 =	ssub.s32 $0x0, s20;
	[sflag:s22] =	ssyncset.done $0x0  }
0xa0: {  	[sflag:s22] =	ssyncadd.s32 s4;
	_ =	sdelay $0x1  }
0xa1: {  	s23 =	simm.s32 $0x1B8B  }
0xa2: {  	_ =	swait.ge [sflag:s23], $0x1  }
0xa3: {  	[sflag:s23] =	ssyncset.done $0x0  }
0xa4: {  	s25 =	simm.s32 $0x1B8E;
	s24 =	sld [smem:$0x3FFE];
	[sflag:s23] =	ssyncadd.s32 $0xFFFFFFFF  }
0xa5: {  	s26 =	simm.s32 $execute0_lowered;
	[smem:$0x3FD2] =	sst s25  }
0xa6: {  	s5 =	sshll.u32 s26, $0x1;
	_ =	strace $0x80000049;
	[dreg:$0x1] =	wrdreg $0xFFFFFFFF  }
0xa7: {  	s28 =	simm.s32 $_size_execute0_lowered;
	s3 =	sadd.s32 s3, s5;
	[dreg:$0x0] =	wrdreg $0x0  }
0xa8: {  	s5 =	sshll.u32 s28, $0x1;
	[dreg:$0x2] =	wrdreg s3  }
0xa9: {  	[dreg:$0x3] =	wrdreg s5  }
0xaa: {  	[dreg:$0x4] =	wrdreg $0xC0  }
0xab: {  	_ =	task [dreg:s7], $0x5FFFF  }
0xac: {  	[dreg:$0x1] =	wrdreg $0xFFFFFFFF  }
0xad: {  	[dreg:$0x0] =	wrdreg $0x60  }
0xae: {  	[dreg:$0x2] =	wrdreg s24  }
0xaf: {  	[dreg:$0x3] =	wrdreg s2  }
0xb0: {  	[dreg:$0x4] =	wrdreg $0x9  }
0xb1: {  	_ =	task.clear_ibuf [dreg:s7], $0x5FFFF;
	_ =	strace $0x90000049  }
0xb2: {  	s29 =	simm.s32 $0x9;
	_ =	strace $0x8000004B  }
0xb3: {  	_ =	swait.ge [sflag:s29], $0x1  }
0xb4: {  	[sflag:s29] =	ssyncadd.s32 $0xFFFFFFFF  }
0xb5: {  	_ =	strace $0x9000004B  }
0xb6: {  	_ =	sfence  }
0xb7: {  	s30 =	sld [smem:$0x0];
	_ =	sdelay $0x2  }
0xb8: {  	s31 =	sshll.u32 s1, $0xD;
	s1 =	sshrl.u32 s1, $0x2  }
0xb9: {  	s3 =	sand.u32 $0x4000, s31;
	s1 =	sadd.s32 s1, s30  }
0xba: {  	s0 =	sor.u32 s3, s0;
	s1 =	sshll.u32 s1, $0x11  }
0xbb: {  	s0 =	sor.u32 s1, s0  }
0xbc: {  	s0 =	sadd.s32 $0x8F2B, s0  }
0xbd: {  	[sflag:s0] =	ssyncadd.remote.s32 $0x1  }
0xbe: {  	_ =	sfence.sel $0xFFFF  }
0xbf: {  	[dreg:$0x0] =	wrdreg $0xFFFFFFFF;
	(pc) =	sbr.abs _section_cstart, $3  }
0xc0: {  	[dreg:$0x1] =	wrdreg $0xFFFFFFFF  }
0xc1: {  	_ =	task.clear_ibuf [dreg:s7], $0x2FFFF;
	_ =	strace $0x9FFFFFFF  }
0xc2: {  	(tm) =	ssettm $0x7FFFFFFF  }
0xc3: {  	_ =	shalt  }
tec
execute0_lowered:
.L_overlay_start_1:
0x0: {  	(tag) =	ssettag $0x1  }
0x1: {  	v0 =	vimm.s32 $0xFEDCBA9;
	v1 =	vimm.s32 $0x87654321  }
0x2: {  	v5 =	vimm.s32 $0x43210FED;
	v6 =	vimm.s32 $0xCBA98765;
	v0 =	vunpack.c.l.s4.s8 v0  }
0x3: {  	v20 =	vimm.s32 $0xFEDCBA98;
	v1 =	vunpack.c.l.s4.s8 v1;
	v5 =	vunpack.c.l.s4.s8 v5  }
0x4: {  	v22 =	vimm.s32 $0x76543210;
	v7 =	vunpack.c.0.s8.s32 v0;
	v0 =	vimm.s32 $0x10FEDCBA  }
0x5: {  	v8 =	vunpack.c.0.s8.s32 v1;
	v1 =	vimm.s32 $0x98765432;
	v16 =	vunpack.c.0.s8.s32 v5  }
0x6: {  	v5 =	vimm.s32 $0xDCBA9876;
	v0 =	vunpack.c.l.s4.s8 v0;
	v1 =	vunpack.c.l.s4.s8 v1  }
0x7: {  	v20 =	vunpack.c.l.s4.s8 v20;
	v22 =	vunpack.c.l.s4.s8 v22;
	v5 =	vunpack.c.l.s4.s8 v5  }
0x8: {  	v2 =	vcombine.low v8, v7;
	v9 =	vunpack.c.0.s8.s32 v0;
	v10 =	vunpack.c.0.s8.s32 v1  }
0x9: {  	v0 =	vimm.s32 $0x210FEDCB;
	v1 =	vimm.s32 $0xA9876543;
	v19 =	vunpack.c.0.s8.s32 v5  }
0xa: {  	v5 =	vimm.s32 $0xEDCBA987;
	v3 =	vunpack.c.l.s4.s8 v0;
	v4 =	vunpack.c.l.s4.s8 v1  }
0xb: {  	v0 =	vlaneseq.u32;
	v1 =	vand.u32 $0xF, v2;
	v5 =	vunpack.c.l.s4.s8 v5  }
0xc: {  	v2 =	vcombine.low v10, v9;
	v11 =	vunpack.c.0.s8.s32 v3;
	v3 =	vimm.s32 $0x3210FEDC  }
0xd: {  	v12 =	vunpack.c.0.s8.s32 v4;
	v4 =	vimm.s32 $0xBA987654;
	v3 =	vunpack.c.l.s4.s8 v3  }
0xe: {  	v10 =	vcombine.low v9, v10;
	v24 =	vunpack.c.0.s8.s32 v5;
	v4 =	vunpack.c.l.s4.s8 v4  }
0xf: {  	v13 =	vcombine.low v12, v11;
	v11 =	vcombine.low v11, v12;
	v14 =	vunpack.c.0.s8.s32 v3  }
0x10: {  	v3 =	vunpack.c.l.s4.s8 v6;
	v15 =	vunpack.c.0.s8.s32 v4;
	v4 =	vimm.s32 $0x543210FE  }
0x11: {  	v2 =	vand.u32 $0xF, v2;
	v10 =	vand.u32 $0xF, v10;
	v4 =	vunpack.c.l.s4.s8 v4  }
0x12: {  	v11 =	vand.u32 $0xF, v11;
	v17 =	vunpack.c.0.s8.s32 v3;
	v3 =	vand.u32 $0xF, v13  }
0x13: {  	v12 =	vcombine.low v14, v15;
	v18 =	vunpack.c.0.s8.s32 v4;
	v4 =	vimm.s32 $0x6543210F  }
0x14: {  	s0 =	rddreg [dreg:$0x0];
	s1 =	srdreg.scid;
	v6 =	vcombine.low v15, v14;
	v13 =	vcombine.low v17, v16;
	v4 =	vunpack.c.l.s4.s8 v4  }
0x15: {  	s3 =	stileid.u32;
	s2 =	rddreg [dreg:$0x1];
	s20 =	simm.s32 $0x6580;
	v12 =	vand.u32 $0xF, v12;
	v21 =	vcombine.low v19, v18;
	v14 =	vcombine.low v18, v19  }
0x16: {  	s22 =	simm.s32 $0x8580;
	s23 =	simm.s32 $0x1;
	s24 =	simm.s32 $0xC580;
	v18 =	vimm.s32 $0x10765432;
	v19 =	vimm.s32 $0x21076543;
	v23 =	vunpack.c.0.s8.s32 v4  }
0x17: {  	s19 =	simm.s32 $0xE580;
	s29 =	simm.s32 $0x5;
	s30 =	simm.s32 $0x4;
	v4 =	vand.u32 $0xF, v6;
	v5 =	vand.u32 $0xF, v13;
	v13 =	vunpack.c.0.s8.s32 v20  }
0x18: {  	s1 =	sand.u32 $0x1, s1;
	s4 =	sshll.u32 s3, $0x1;
	s3 =	simm.s32 $0x0;
	v18 =	vunpack.c.l.s4.s8 v18;
	v19 =	vunpack.c.l.s4.s8 v19;
	v6 =	vand.u32 $0xF, v21  }
0x19: {  	s7 =	sadd.s32 $0x1000, s2;
	s8 =	sadd.s32 $0x2000, s2;
	s9 =	sadd.s32 $0x3000, s2;
	v21 =	vunpack.c.0.s8.s32 v22;
	v22 =	vcombine.low v7, v8;
	v14 =	vand.u32 $0xF, v14  }
0x1a: {  	s10 =	sadd.s32 $0x4000, s2;
	s11 =	sadd.s32 $0x5000, s2;
	s5 =	sor.u32 s1, s4;
	v20 =	vcombine.low v24, v23;
	v13 =	vand.u32 $0xF, v13;
	v15 =	vcombine.low v23, v24  }
0x1b: {  	s12 =	sadd.s32 $0x6000, s2;
	[smem:$0x7FF] =	sst s3;
	s4 =	smul.u32 $0xC80, s5;
	v23 =	vimm.s32 $0x65432107;
	v18 =	vunpack.c.0.s8.s32 v18;
	v19 =	vunpack.c.0.s8.s32 v19  }
0x1c: {  	s13 =	sadd.s32 $0x7000, s2;
	_ =	strace $0x8000004A;
	s5 =	smul.u32 $0xC8, s5;
	v8 =	vcombine.low v13, v21;
	v9 =	vand.u32 $0xF, v22;
	v13 =	vcombine.low v16, v17  }
0x1d: {  	s31 =	simm.s32 $0x3;
	s16 =	simm.s32 $0x0;
	s1 =	ssub.s32 $0x2, s1;
	v16 =	vimm.s32 $0x7654321;
	v21 =	vimm.s32 $0x43210765;
	v22 =	vimm.s32 $0x54321076  }
.Ltmp0:
0x1e: {  	s25 =	sshrl.u32 s1, $0x1;
	s6 =	sadd.s32 s4, s0;
	v23 =	vunpack.c.l.s4.s8 v23;
	v7 =	vand.u32 $0xF, v20;
	v17 =	vunpack.c.l.s4.s8 v16;
	(pc) =	sbr.rel .LBB2_1-.Ltmp0, $4  }
0x1f: {  	s4 =	sadd.s32 $0xF5BE00, s0;
	s0 =	ssub.s32 s1, s25;
	s28 =	sor.u32 $0x2, s5;
	v15 =	vand.u32 $0xF, v15;
	v16 =	vand.u32 $0x7, v0;
	v20 =	vimm.s32 $0x32107654  }
0x20: {  	s14 =	sor.u32 $0x1, s5;
	s26 =	sadd.s32 $0xF42E00, s6;
	[dreg:$0x4] =	wrdreg s28;
	v21 =	vunpack.c.l.s4.s8 v21;
	v22 =	vunpack.c.l.s4.s8 v22;
	v20 =	vunpack.c.l.s4.s8 v20  }
0x21: {  	s1 =	simm.s32 $0xA580;
	s0 =	smax.u32 s0, $0x1;
	[dreg:$0x3] =	wrdreg s26;
	v13 =	vand.u32 $0xF, v13;
	v23 =	vunpack.c.0.s8.s32 v23;
	v17 =	vunpack.c.0.s8.s32 v17  }
0x22: {  	s6 =	simm.s32 $0x10580;
	[dreg:$0x5] =	wrdreg s0;
	s0 =	simm.s32 $0x2;
	v21 =	vunpack.c.0.s8.s32 v21;
	v22 =	vunpack.c.0.s8.s32 v22;
	v20 =	vunpack.c.0.s8.s32 v20  }
.LBB2_10:
0x23: {  	_ =	swait.ge [sflag:s29], $0x2000  }
0x24: {  	[sflag:s29] =	ssyncset.done $0x0  }
0x25: {  	s15 =	simm.s32 $0x6;
	[sflag:s29] =	ssyncadd.s32 $0xFFFFE000  }
0x26: {  	_ =	swait.ge [sflag:s15], $0x2000  }
0x27: {  	[sflag:s15] =	ssyncset.done $0x0  }
0x28: {  	[sflag:s15] =	ssyncadd.s32 $0xFFFFE000  }
0x29: {  	_ =	swait.ge [sflag:s30], $0x2000  }
0x2a: {  	s16 =	rddreg [dreg:$0x6]  }
0x2b: {  	s28 =	rddreg [dreg:$0x5];
	s16 =	sadd.s32 $0x1, s16  }
0x2c: {  	p0 =	sne.s32 s16, s28  }
.Ltmp1:
0x2d: {  	_ = 	snop;
	(pc) =	sbr.rel @!p0 .LBB2_11-.Ltmp1, $3  }
0x2e: {  	_ =	sdelay $0x1  }
0x2f: {  	[sflag:s30] =	ssyncset.done $0x0  }
0x30: {  	[sflag:s30] =	ssyncadd.s32 $0xFFFFE000  }
.LBB2_1:
0x31: {  	[dreg:$0x6] =	wrdreg s16  }
0x32: {  	s15 =	rddreg [dreg:$0x3];
	s21 =	simm.s32 $0x7  }
0x33: {  	[tilespmem:s3], [sflag:$0x7] =	stream.linear.gather [hbm4b:s15+s3], $0x6400, $0x38;
	[tilespmem:$0x12580] =	vst v63  }
0x34: {  	_ =	swait.ge [sflag:s21], $0x6400  }
0x35: {  	[sflag:s21] =	ssyncset.done $0x0  }
0x36: {  	[sflag:s21] =	ssyncadd.s32 $0xFFFF9C00  }
0x37: {  	v24 =	vld [tilespmem:$0x0]  }
0x38: {  	v25 =	vld [tilespmem:$0x10]  }
0x39: {  	v26 =	vld [tilespmem:$0x20]  }
0x3a: {  	v27 =	vld [tilespmem:$0x30]  }
0x3b: {  	v28 =	vld [tilespmem:$0x40]  }
0x3c: {  	v29 =	vld [tilespmem:$0x50];
	v24 =	vshll.u32 v24, $0x1  }
0x3d: {  	v41 =	vld [tilespmem:$0x60];
	v40 =	vshll.u32 v25, $0x1;
	[tilespmem:$0x6400] =	vst v24  }
0x3e: {  	v43 =	vld [tilespmem:$0x70];
	v42 =	vshll.u32 v26, $0x1;
	[tilespmem:$0x6410] =	vst v40  }
0x3f: {  	v44 =	vshll.u32 v27, $0x1;
	[tilespmem:$0x6420] =	vst v42  }
0x40: {  	v45 =	vshll.u32 v28, $0x1;
	[tilespmem:$0x6430] =	vst v44  }
0x41: {  	v46 =	vshll.u32 v29, $0x1;
	[tilespmem:$0x6440] =	vst v45  }
0x42: {  	v47 =	vshll.u32 v41, $0x1;
	[tilespmem:$0x6450] =	vst v46  }
0x43: {  	v48 =	vshll.u32 v43, $0x1;
	[tilespmem:$0x6460] =	vst v47  }
0x44: {  	s25 =	simm.s32 $0x80;
	s26 =	simm.s32 $0x6400;
	[tilespmem:$0x6470] =	vst v48  }
0x45: {  	[tilespmem:s20], [sflag:$0x1] =	stream.indirect.gather [hbm4b:s4+s25], $0x40, s26, s25, $0xb8;
	[tilespmem:$0x12580] =	vst v63  }
0x46: {  	v49 =	vld [tilespmem:$0x80]  }
0x47: {  	v50 =	vld [tilespmem:$0x90]  }
0x48: {  	v51 =	vld [tilespmem:$0xA0]  }
0x49: {  	v52 =	vld [tilespmem:$0xB0]  }
0x4a: {  	v53 =	vld [tilespmem:$0xC0]  }
0x4b: {  	v54 =	vld [tilespmem:$0xD0];
	v24 =	vshll.u32 v49, $0x1  }
0x4c: {  	v56 =	vld [tilespmem:$0xE0];
	v55 =	vshll.u32 v50, $0x1;
	[tilespmem:$0x6480] =	vst v24  }
0x4d: {  	v58 =	vld [tilespmem:$0xF0];
	v57 =	vshll.u32 v51, $0x1;
	[tilespmem:$0x6490] =	vst v55  }
0x4e: {  	v59 =	vshll.u32 v52, $0x1;
	[tilespmem:$0x64A0] =	vst v57  }
0x4f: {  	v60 =	vshll.u32 v53, $0x1;
	[tilespmem:$0x64B0] =	vst v59  }
0x50: {  	v61 =	vshll.u32 v54, $0x1;
	[tilespmem:$0x64C0] =	vst v60  }
0x51: {  	v62 =	vshll.u32 v56, $0x1;
	[tilespmem:$0x64D0] =	vst v61  }
0x52: {  	v63 =	vshll.u32 v58, $0x1;
	[tilespmem:$0x64E0] =	vst v62  }
0x53: {  	s28 =	simm.s32 $0x6480;
	s16 =	simm.s32 $0x0;
	[tilespmem:$0x64F0] =	vst v63  }
0x54: {  	[tilespmem:s22], [sflag:$0x2] =	stream.indirect.gather [hbm4b:s4+s25], $0x40, s28, s25, $0xb8;
	[tilespmem:$0x12580] =	vst v63  }
.LBB2_2:
0x55: {  	p0 =	seq.s32 s16, $0x42  }
0x56: {  	_ =	swait.ge [sflag:s23], $0x2000;
	s17 =	smul.u32 @!p0 $0x600, s16  }
0x57: {  	[sflag:s23] =	ssyncset.done $0x0  }
0x58: {  	[sflag:s23] =	ssyncadd.s32 $0xFFFFE000;
	s21 =	sshra.s32 @!p0 s17, $0x2  }
0x59: {  	v24 =	vld @!p0 [tilespmem:s21+$0x100];
	_ =	sdelay $0x4  }
0x5a: {  	v24 =	vshll.u32 @!p0 v24, $0x1  }
0x5b: {  	[tilespmem:$0x6500] =	vst @!p0 v24  }
0x5c: {  	v24 =	vld @!p0 [tilespmem:s21+$0x110];
	_ =	sdelay $0x4  }
0x5d: {  	v24 =	vshll.u32 @!p0 v24, $0x1  }
0x5e: {  	[tilespmem:$0x6510] =	vst @!p0 v24  }
0x5f: {  	v24 =	vld @!p0 [tilespmem:s21+$0x120];
	_ =	sdelay $0x4  }
0x60: {  	v24 =	vshll.u32 @!p0 v24, $0x1  }
0x61: {  	[tilespmem:$0x6520] =	vst @!p0 v24  }
0x62: {  	v24 =	vld @!p0 [tilespmem:s21+$0x130];
	_ =	sdelay $0x4  }
0x63: {  	v24 =	vshll.u32 @!p0 v24, $0x1  }
0x64: {  	[tilespmem:$0x6530] =	vst @!p0 v24  }
0x65: {  	v24 =	vld @!p0 [tilespmem:s21+$0x140];
	_ =	sdelay $0x4  }
0x66: {  	v24 =	vshll.u32 @!p0 v24, $0x1  }
0x67: {  	[tilespmem:$0x6540] =	vst @!p0 v24  }
0x68: {  	v24 =	vld @!p0 [tilespmem:s21+$0x150];
	_ =	sdelay $0x4  }
0x69: {  	v24 =	vshll.u32 @!p0 v24, $0x1  }
0x6a: {  	[tilespmem:$0x6550] =	vst @!p0 v24  }
0x6b: {  	v24 =	vld @!p0 [tilespmem:s21+$0x160];
	_ =	sdelay $0x4  }
0x6c: {  	v24 =	vshll.u32 @!p0 v24, $0x1  }
0x6d: {  	[tilespmem:$0x6560] =	vst @!p0 v24  }
0x6e: {  	v24 =	vld @!p0 [tilespmem:s21+$0x170];
	_ =	sdelay $0x4  }
0x6f: {  	s26 =	simm.s32 $0x0;
	s18 =	simm.s32 @!p0 $0x6500;
	v24 =	vshll.u32 @!p0 v24, $0x1  }
0x70: {  	s25 =	simm.s32 @!p0 $0xA580;
	s28 =	sand.u32 $0x70, s26;
	s17 =	simm.s32 @!p0 $0x80;
	[tilespmem:$0x6570] =	vst @!p0 v24  }
0x71: {  	[tilespmem:s25], [sflag:$0x3] =	stream.indirect.gather @!p0 [hbm4b:s4+s17], $0x40, s18, s17, $0xb8;
	[tilespmem:$0x12580] =	vst v63  }
0x72: {  	v24 =	vor.u32 s28, v0;
	s17 =	sand.u32 $0x30, s26  }
0x73: {  	v28 =	vshll.u32 v24, $0x6;
	v57 =	vand.u32 $0x78, v24;
	v25 =	vor.u32 s17, v0  }
0x74: {  	v26 =	vor.u32 s17, v9;
	v27 =	vor.u32 s17, v1;
	v31 =	vor.u32 v16, v28  }
0x75: {  	v32 =	vor.u32 v17, v28;
	v33 =	vor.u32 s17, v2;
	v34 =	vor.u32 s17, v3  }
0x76: {  	v36 =	vor.u32 s17, v15;
	v38 =	vor.u32 v19, v28;
	v40 =	vor.u32 s17, v5  }
0x77: {  	v42 =	vor.u32 s17, v13;
	v43 =	vor.u32 v21, v28;
	v44 =	vor.u32 s17, v8  }
0x78: {  	v45 =	vor.u32 v20, v28;
	v47 =	vor.u32 v18, v28;
	v49 =	vor.u32 s17, v4  }
0x79: {  	v50 =	vor.u32 s17, v6;
	v53 =	vor.u32 s17, v7;
	v54 =	vor.u32 s17, v14  }
0x7a: {  	v56 =	vor.u32 v23, v28;
	v24 =	vor.u32 s17, v10;
	v28 =	vor.u32 v22, v28  }
0x7b: {  	v58 =	vor.u32 s17, v12;
	v29 =	vshll.u32 v26, $0x7;
	v30 =	vand.u32 $0x38, v25  }
0x7c: {  	v26 =	vand.u32 $0x38, v26;
	v25 =	vshll.u32 v25, $0x7;
	v35 =	vshll.u32 v27, $0x7  }
0x7d: {  	v37 =	vand.u32 $0x38, v34;
	v27 =	vand.u32 $0x38, v27;
	v39 =	vshll.u32 v36, $0x7  }
0x7e: {  	v41 =	vand.u32 $0x38, v33;
	v36 =	vand.u32 $0x38, v36;
	v46 =	vand.u32 $0x38, v42  }
0x7f: {  	v48 =	vshll.u32 v44, $0x7;
	v34 =	vshll.u32 v34, $0x7;
	v51 =	vand.u32 $0x38, v49  }
0x80: {  	v42 =	vshll.u32 v42, $0x7;
	v52 =	vand.u32 $0x38, v40;
	v33 =	vshll.u32 v33, $0x7  }
0x81: {  	v49 =	vshll.u32 v49, $0x7;
	v55 =	vand.u32 $0x38, v53;
	v60 =	vand.u32 $0x38, v50  }
0x82: {  	p1 =	seq.s32 @!p0 s16, $0x0;
	v61 =	vand.u32 $0x38, v54;
	v50 =	vshll.u32 v50, $0x7;
	v37 =	vor.u32 v37, v38  }
0x83: {  	p1 =	por p0, !p1;
	v53 =	vshll.u32 v53, $0x7;
	v30 =	vor.u32 v30, v31;
	v41 =	vor.u32 v41, v47  }
0x84: {  	_ =	swait.ge @p1 [sflag:s30], $0x2000;
	v26 =	vor.u32 v26, v32;
	v46 =	vor.u32 v46, v43;
	v27 =	vor.u32 v27, v32  }
0x85: {  	[sflag:s30] =	ssyncset.done @p1 $0x0;
	v51 =	vor.u32 v51, v45;
	v48 =	vor.u32 v57, v48;
	v32 =	vor.u32 v52, v43  }
0x86: {  	[sflag:s30] =	ssyncadd.s32 @p1 $0xFFFFE000;
	v43 =	vshll.u32 v58, $0x7;
	v52 =	vand.u32 $0x38, v24;
	v61 =	vor.u32 v61, v28  }
0x87: {  	v35 =	vor.u32 v57, v35;
	v33 =	vor.u32 v57, v33;
	v34 =	vor.u32 v57, v34;
	v37 =	vld.idx.msk [tilespmem:v37+s20+$0x0], $0xffff  }
0x88: {  	v28 =	vor.u32 v60, v28;
	v25 =	vor.u32 v57, v25;
	v60 =	vor.u32 v55, v56;
	v41 =	vld.idx.msk [tilespmem:v41+s20+$0x0], $0xffff  }
0x89: {  	v36 =	vor.u32 v36, v56;
	v24 =	vshll.u32 v24, $0x7;
	v29 =	vor.u32 v57, v29;
	v27 =	vld.idx.msk [tilespmem:v27+s20+$0x0], $0xffff  }
0x8a: {  	v47 =	vor.u32 v52, v47;
	v55 =	vor.u32 v57, v24;
	v24 =	vor.u32 v57, v43;
	v51 =	vld.idx.msk [tilespmem:v51+s20+$0x0], $0xffff  }
0x8b: {  	v24 =	vor.u32 v16, v24;
	v63 =	vld.idx.msk [tilespmem:v30+s20+$0x0], $0xffff;
	v30 =	vand.u32 $0x38, v44;
	v44 =	vor.u32 v57, v49  }
0x8c: {  	v52 =	vld.idx.msk [tilespmem:v61+s20+$0x0], $0xffff;
	v49 =	vor.u32 v16, v35;
	v61 =	vor.u32 v16, v34;
	v30 =	vor.u32 v30, v31  }
0x8d: {  	v43 =	vld.idx.msk [tilespmem:v60+s20+$0x0], $0xffff;
	v31 =	vor.u32 v57, v42;
	v59 =	vmul.f32 $8.000000000e+00, v37;
	v37 =	vshll.u32 v40, $0x7  }
0x8e: {  	v26 =	vld.idx.msk [tilespmem:v26+s20+$0x0], $0xffff;
	v40 =	vor.u32 s17, v11;
	v41 =	vmul.f32 $8.000000000e+00, v41;
	v27 =	vmul.f32 $8.000000000e+00, v27  }
0x8f: {  	v32 =	vld.idx.msk [tilespmem:v32+s20+$0x0], $0xffff;
	v51 =	vmul.f32 $8.000000000e+00, v51;
	v62 =	vand.u32 $0x38, v40;
	v40 =	vshll.u32 v40, $0x7  }
0x90: {  	v56 =	vld.idx.msk [tilespmem:v28+s20+$0x0], $0xffff;
	v35 =	vor.u32 v57, v37;
	v38 =	vor.u32 v62, v38;
	v62 =	vand.u32 $0x38, v58  }
0x91: {  	v37 =	vor.u32 v16, v33;
	v28 =	vor.u32 v62, v45;
	v45 =	vld.idx.msk [tilespmem:v46+s20+$0x0], $0xffff;
	v46 =	vor.u32 v16, v25  }
0x92: {  	v60 =	vld.idx.msk [tilespmem:v30+s20+$0x0], $0xffff;
	v40 =	vor.u32 v57, v40;
	v34 =	vor.u32 v16, v35;
	v35 =	vmul.f32 $8.000000000e+00, v43  }
0x93: {  	v47 =	vld.idx.msk [tilespmem:v47+s20+$0x0], $0xffff;
	v43 =	vor.u32 v16, v48;
	v25 =	vmul.f32 $8.000000000e+00, v26;
	v26 =	vmul.f32 $8.000000000e+00, v63  }
0x94: {  	v58 =	vld.idx.msk [tilespmem:v36+s20+$0x0], $0xffff;
	v62 =	vor.u32 v16, v44;
	v63 =	vshll.u32 v54, $0x7;
	v54 =	vor.u32 v57, v53  }
0x95: {  	v44 =	vmul.f32 $8.000000000e+00, v56;
	v40 =	vor.u32 v16, v40;
	v63 =	vor.u32 v57, v63;
	v36 =	vld.idx.msk [tilespmem:v38+s20+$0x0], $0xffff  }
0x96: {  	v38 =	vor.u32 v16, v55;
	v30 =	vld.idx.msk [tilespmem:v28+s20+$0x0], $0xffff;
	v28 =	vor.u32 v57, v50;
	[tilespmem:v46+s24+$0x0] =	vst.idx.msk $0xffff, v26  }
0x97: {  	v42 =	vmul.f32 $8.000000000e+00, v60;
	v50 =	vor.u32 v57, v39;
	v26 =	vor.u32 v16, v63;
	[tilespmem:v49+s24+$0x0] =	vst.idx.msk $0xffff, v27  }
0x98: {  	v39 =	vor.u32 v16, v54;
	v33 =	vor.u32 v16, v28;
	v28 =	vmul.f32 $8.000000000e+00, v45;
	[tilespmem:v37+s24+$0x0] =	vst.idx.msk $0xffff, v41  }
0x99: {  	v45 =	vmul.f32 $8.000000000e+00, v32;
	v27 =	vor.u32 v16, v50;
	v32 =	vmul.f32 $8.000000000e+00, v58;
	[tilespmem:v61+s24+$0x0] =	vst.idx.msk $0xffff, v59  }
0x9a: {  	s18 =	simm.s32 $0x4;
	s25 =	simm.s32 $0x10;
	s17 =	smul.u32 $0x3, s16;
	v37 =	vor.u32 v16, v29;
	v29 =	vmul.f32 $8.000000000e+00, v52;
	v41 =	vmul.f32 $8.000000000e+00, v47;
	[tilespmem:v62+s24+$0x0] =	vst.idx.msk $0xffff, v51  }
.LBB2_3:
0x9b: {  	s28 =	smov.u32 s18  }
0x9c: {  	s15 =	sand.u32 $0x70, s18;
	s26 =	sand.u32 $0x30, s25;
	[tilespmem:v34+s24+$0x0] =	vst.idx.msk $0xffff, v45;
	v34 =	vmul.f32 $8.000000000e+00, v36;
	v30 =	vmul.f32 $8.000000000e+00, v30;
	v31 =	vor.u32 v16, v31;
	s28 =	sadd.s32 $0x4, s18  }
0x9d: {  	p2 =	sne.s32 s18, $0x7C;
	v36 =	vor.u32 s15, v0;
	v45 =	vor.u32 s26, v0;
	v46 =	vor.u32 s26, v9;
	[tilespmem:v33+s24+$0x0] =	vst.idx.msk $0xffff, v44  }
0x9e: {  	v33 =	vor.u32 s26, v1;
	v44 =	vshll.u32 v36, $0x6;
	v47 =	vshll.u32 v46, $0x7;
	[tilespmem:v39+s24+$0x0] =	vst.idx.msk $0xffff, v35  }
0x9f: {  	v46 =	vand.u32 $0x38, v46;
	v35 =	vand.u32 $0x38, v45;
	v39 =	vor.u32 v16, v44;
	[tilespmem:v43+s24+$0x0] =	vst.idx.msk $0xffff, v42  }
0xa0: {  	v35 =	vor.u32 v35, v39;
	v42 =	vor.u32 v17, v44;
	v43 =	vshll.u32 v45, $0x7;
	[tilespmem:v37+s24+$0x0] =	vst.idx.msk $0xffff, v25  }
0xa1: {  	v45 =	vshll.u32 v33, $0x7;
	v25 =	vor.u32 s26, v2;
	v37 =	vor.u32 s26, v3;
	[tilespmem:v38+s24+$0x0] =	vst.idx.msk $0xffff, v41  }
0xa2: {  	v48 =	vor.u32 v19, v44;
	v38 =	vor.u32 s26, v15;
	v41 =	vand.u32 $0x38, v37;
	[tilespmem:v40+s24+$0x0] =	vst.idx.msk $0xffff, v34  }
0xa3: {  	v33 =	vand.u32 $0x38, v33;
	v34 =	vor.u32 v41, v48;
	v40 =	vshll.u32 v38, $0x7;
	[tilespmem:v24+s24+$0x0] =	vst.idx.msk $0xffff, v30  }
0xa4: {  	v41 =	vor.u32 v46, v42;
	v24 =	vor.u32 s26, v5;
	v30 =	vand.u32 $0x38, v25;
	[tilespmem:v31+s24+$0x0] =	vst.idx.msk $0xffff, v28  }
0xa5: {  	v38 =	vand.u32 $0x38, v38;
	v28 =	vor.u32 s26, v13;
	v31 =	vor.u32 v21, v44;
	[tilespmem:v26+s24+$0x0] =	vst.idx.msk $0xffff, v29  }
0xa6: {  	v26 =	vor.u32 s26, v8;
	v29 =	vor.u32 v20, v44;
	v46 =	vand.u32 $0x38, v28;
	[tilespmem:v27+s24+$0x0] =	vst.idx.msk $0xffff, v32  }
0xa7: {  	v27 =	vor.u32 v18, v44;
	v32 =	vor.u32 v46, v31;
	v46 =	vshll.u32 v26, $0x7  }
0xa8: {  	v49 =	vor.u32 s26, v4;
	v50 =	vor.u32 s26, v6;
	v37 =	vshll.u32 v37, $0x7;
	v34 =	vld.idx.msk [tilespmem:v34+s20+$0x0], $0xffff  }
0xa9: {  	v51 =	vand.u32 $0x38, v49;
	v28 =	vshll.u32 v28, $0x7;
	v30 =	vor.u32 v30, v27  }
0xaa: {  	v25 =	vshll.u32 v25, $0x7;
	v52 =	vand.u32 $0x38, v24;
	v51 =	vor.u32 v51, v29  }
0xab: {  	v53 =	vor.u32 s26, v7;
	v54 =	vor.u32 s26, v14;
	v49 =	vshll.u32 v49, $0x7  }
0xac: {  	v55 =	vand.u32 $0x38, v53;
	v57 =	vand.u32 $0x78, v36;
	v56 =	vor.u32 v23, v44  }
0xad: {  	v36 =	vor.u32 s26, v10;
	v44 =	vor.u32 v22, v44;
	v46 =	vor.u32 v57, v46  }
0xae: {  	v58 =	vor.u32 s26, v12;
	v24 =	vshll.u32 v24, $0x7;
	v59 =	vmul.f32 $8.000000000e+00, v34  }
0xaf: {  	v60 =	vand.u32 $0x38, v50;
	v61 =	vand.u32 $0x38, v54;
	v34 =	vor.u32 s26, v11;
	v30 =	vld.idx.msk [tilespmem:v30+s20+$0x0], $0xffff  }
0xb0: {  	v33 =	vor.u32 v33, v42;
	v31 =	vor.u32 v52, v31;
	v42 =	vld.idx.msk [tilespmem:v51+s20+$0x0], $0xffff;
	v51 =	vshll.u32 v58, $0x7  }
0xb1: {  	v52 =	vand.u32 $0x38, v36;
	v61 =	vor.u32 v61, v44;
	v62 =	vand.u32 $0x38, v34  }
0xb2: {  	v45 =	vor.u32 v57, v45;
	v37 =	vor.u32 v57, v37;
	v25 =	vor.u32 v57, v25  }
0xb3: {  	v26 =	vand.u32 $0x38, v26;
	v44 =	vor.u32 v60, v44;
	v34 =	vshll.u32 v34, $0x7;
	v35 =	vld.idx.msk [tilespmem:v35+s20+$0x0], $0xffff  }
0xb4: {  	v49 =	vor.u32 v57, v49;
	v43 =	vor.u32 v57, v43;
	v60 =	vor.u32 v57, v34;
	v41 =	vld.idx.msk [tilespmem:v41+s20+$0x0], $0xffff  }
0xb5: {  	v50 =	vshll.u32 v50, $0x7;
	v34 =	vor.u32 v55, v56;
	v55 =	vmul.f32 $8.000000000e+00, v30;
	v33 =	vld.idx.msk [tilespmem:v33+s20+$0x0], $0xffff  }
0xb6: {  	v48 =	vor.u32 v62, v48;
	v30 =	vand.u32 $0x38, v58;
	v63 =	vld.idx.msk [tilespmem:v31+s20+$0x0], $0xffff;
	v31 =	vor.u32 v38, v56  }
0xb7: {  	v36 =	vshll.u32 v36, $0x7;
	v26 =	vor.u32 v26, v39;
	v27 =	vor.u32 v52, v27;
	v38 =	vld.idx.msk [tilespmem:v61+s20+$0x0], $0xffff  }
0xb8: {  	v47 =	vor.u32 v57, v47;
	v52 =	vor.u32 v57, v36;
	v29 =	vor.u32 v30, v29;
	v44 =	vld.idx.msk [tilespmem:v44+s20+$0x0], $0xffff  }
0xb9: {  	v39 =	vor.u32 v16, v43;
	v43 =	vshll.u32 v53, $0x7;
	v30 =	vor.u32 v57, v51;
	v32 =	vld.idx.msk [tilespmem:v32+s20+$0x0], $0xffff  }
0xba: {  	v45 =	vor.u32 v16, v45;
	v51 =	vld.idx.msk [tilespmem:v34+s20+$0x0], $0xffff;
	v34 =	vor.u32 v57, v24;
	v24 =	vor.u32 v16, v30  }
0xbb: {  	v58 =	vor.u32 v16, v25;
	v25 =	vmul.f32 $8.000000000e+00, v41;
	v56 =	vmul.f32 $8.000000000e+00, v33;
	v53 =	vld.idx.msk [tilespmem:v31+s20+$0x0], $0xffff  }
0xbc: {  	v62 =	vmul.f32 $8.000000000e+00, v42;
	v61 =	vor.u32 v16, v37;
	v31 =	vor.u32 v57, v28;
	v41 =	vld.idx.msk [tilespmem:v26+s20+$0x0], $0xffff  }
0xbd: {  	v49 =	vor.u32 v16, v49;
	v28 =	vor.u32 v57, v50;
	v26 =	vmul.f32 $8.000000000e+00, v35;
	v30 =	vld.idx.msk [tilespmem:v29+s20+$0x0], $0xffff  }
0xbe: {  	v34 =	vor.u32 v16, v34;
	v29 =	vor.u32 v57, v40;
	v50 =	vld.idx.msk [tilespmem:v27+s20+$0x0], $0xffff;
	v27 =	vshll.u32 v54, $0x7  }
0xbf: {  	v37 =	vor.u32 v57, v43;
	v33 =	vor.u32 v16, v28;
	v36 =	vld.idx.msk [tilespmem:v48+s20+$0x0], $0xffff;
	v27 =	vor.u32 v57, v27  }
.Ltmp2:
0xc0: {  	v28 =	vmul.f32 $8.000000000e+00, v32;
	v35 =	vmul.f32 $8.000000000e+00, v51;
	[tilespmem:v39+s24+$0x0] =	vst.idx.msk $0xffff, v26;
	v26 =	vor.u32 v16, v27;
	(pc) =	sbr.rel @p2 .LBB2_3-.Ltmp2, $4  }
0xc1: {  	v39 =	vor.u32 v16, v37;
	v27 =	vor.u32 v16, v29;
	[tilespmem:v45+s24+$0x0] =	vst.idx.msk $0xffff, v56;
	v45 =	vmul.f32 $8.000000000e+00, v63  }
0xc2: {  	v44 =	vmul.f32 $8.000000000e+00, v44;
	v37 =	vor.u32 v16, v47;
	v29 =	vmul.f32 $8.000000000e+00, v38;
	[tilespmem:v58+s24+$0x0] =	vst.idx.msk $0xffff, v55  }
0xc3: {  	v43 =	vor.u32 v16, v46;
	v38 =	vor.u32 v16, v52;
	v42 =	vmul.f32 $8.000000000e+00, v41;
	[tilespmem:v61+s24+$0x0] =	vst.idx.msk $0xffff, v59  }
0xc4: {  	s25 =	sadd.s32 $0x10, s25;
	s18 =	smov.u32 s28;
	v40 =	vor.u32 v16, v60;
	v32 =	vmul.f32 $8.000000000e+00, v53;
	v41 =	vmul.f32 $8.000000000e+00, v50;
	[tilespmem:v49+s24+$0x0] =	vst.idx.msk $0xffff, v62  }
0xc5: {  	_ =	sdelay $0x3  }
0xc6: {  	[tilespmem:v34+s24+$0x0] =	vst.idx.msk $0xffff, v45  }
0xc7: {  	[tilespmem:v33+s24+$0x0] =	vst.idx.msk $0xffff, v44  }
0xc8: {  	[tilespmem:v39+s24+$0x0] =	vst.idx.msk $0xffff, v35  }
0xc9: {  	v31 =	vor.u32 v16, v31;
	[tilespmem:v43+s24+$0x0] =	vst.idx.msk $0xffff, v42  }
0xca: {  	v56 =	vmul.f32 $8.000000000e+00, v36;
	[tilespmem:v37+s24+$0x0] =	vst.idx.msk $0xffff, v25  }
0xcb: {  	v25 =	vmul.f32 $8.000000000e+00, v30;
	[tilespmem:v38+s24+$0x0] =	vst.idx.msk $0xffff, v41  }
0xcc: {  	s15 =	sadd.s32 s5, s17;
	[tilespmem:v40+s24+$0x0] =	vst.idx.msk $0xffff, v56  }
0xcd: {  	s18 =	sshll.u32 s15, $0xA;
	s15 =	sshll.u32 s15, $0x7;
	[tilespmem:v24+s24+$0x0] =	vst.idx.msk $0xffff, v25  }
0xce: {  	s18 =	sand.u32 $0xFFF8000, s18;
	s15 =	sand.u32 $0xF80, s15;
	[tilespmem:v31+s24+$0x0] =	vst.idx.msk $0xffff, v28  }
0xcf: {  	s15 =	sor.u32 s15, s18;
	[tilespmem:v26+s24+$0x0] =	vst.idx.msk $0xffff, v29  }
0xd0: {  	s18 =	sadd.s32 s2, s15;
	[tilespmem:v27+s24+$0x0] =	vst.idx.msk $0xffff, v32  }
0xd1: {  	[hbm4b:s18+s3] =	stream.linear.scatter [tilespmem:s24], [sflag:$0x4], $0x400, $0x38;
	[tilespmem:$0x12580] =	vst v63  }
0xd2: {  	s25 =	simm.s32 $0xC980;
	s28 =	sadd.s32 s15, s7  }
0xd3: {  	[hbm4b:s28+s3] =	stream.linear.scatter [tilespmem:s25], [sflag:$0x4], $0x400, $0x38;
	[tilespmem:$0x12580] =	vst v63  }
0xd4: {  	s26 =	sadd.s32 s15, s8;
	s28 =	simm.s32 $0xCD80  }
0xd5: {  	[hbm4b:s26+s3] =	stream.linear.scatter [tilespmem:s28], [sflag:$0x4], $0x400, $0x38;
	[tilespmem:$0x12580] =	vst v63  }
0xd6: {  	s26 =	sadd.s32 s15, s9;
	s28 =	simm.s32 $0xD180  }
0xd7: {  	[hbm4b:s26+s3] =	stream.linear.scatter [tilespmem:s28], [sflag:$0x4], $0x400, $0x38;
	[tilespmem:$0x12580] =	vst v63  }
0xd8: {  	s26 =	sadd.s32 s15, s10;
	s28 =	simm.s32 $0xD580  }
0xd9: {  	[hbm4b:s26+s3] =	stream.linear.scatter [tilespmem:s28], [sflag:$0x4], $0x400, $0x38;
	[tilespmem:$0x12580] =	vst v63  }
0xda: {  	s26 =	sadd.s32 s15, s11;
	s28 =	simm.s32 $0xD980  }
0xdb: {  	[hbm4b:s26+s3] =	stream.linear.scatter [tilespmem:s28], [sflag:$0x4], $0x400, $0x38;
	[tilespmem:$0x12580] =	vst v63  }
0xdc: {  	s26 =	sadd.s32 s15, s12;
	s28 =	simm.s32 $0xDD80  }
0xdd: {  	[hbm4b:s26+s3] =	stream.linear.scatter [tilespmem:s28], [sflag:$0x4], $0x400, $0x38;
	[tilespmem:$0x12580] =	vst v63  }
0xde: {  	s25 =	simm.s32 $0xE180;
	s15 =	sadd.s32 s15, s13  }
0xdf: {  	[hbm4b:s15+s3] =	stream.linear.scatter [tilespmem:s25], [sflag:$0x4], $0x400, $0x38;
	[tilespmem:$0x12580] =	vst v63  }
0xe0: {  	_ =	swait.ge [sflag:s0], $0x2000  }
0xe1: {  	[sflag:s0] =	ssyncset.done $0x0  }
0xe2: {  	[sflag:s0] =	ssyncadd.s32 $0xFFFFE000  }
0xe3: {  	v24 =	vld @!p0 [tilespmem:s21+$0x180];
	_ =	sdelay $0x4  }
0xe4: {  	v24 =	vshll.u32 @!p0 v24, $0x1  }
0xe5: {  	[tilespmem:$0x6400] =	vst @!p0 v24  }
0xe6: {  	v24 =	vld @!p0 [tilespmem:s21+$0x190];
	_ =	sdelay $0x4  }
0xe7: {  	v24 =	vshll.u32 @!p0 v24, $0x1  }
0xe8: {  	[tilespmem:$0x6410] =	vst @!p0 v24  }
0xe9: {  	v24 =	vld @!p0 [tilespmem:s21+$0x1A0];
	_ =	sdelay $0x4  }
0xea: {  	v24 =	vshll.u32 @!p0 v24, $0x1  }
0xeb: {  	[tilespmem:$0x6420] =	vst @!p0 v24  }
0xec: {  	v24 =	vld @!p0 [tilespmem:s21+$0x1B0];
	_ =	sdelay $0x4  }
0xed: {  	v24 =	vshll.u32 @!p0 v24, $0x1  }
0xee: {  	[tilespmem:$0x6430] =	vst @!p0 v24  }
0xef: {  	v24 =	vld @!p0 [tilespmem:s21+$0x1C0];
	_ =	sdelay $0x4  }
0xf0: {  	v24 =	vshll.u32 @!p0 v24, $0x1  }
0xf1: {  	[tilespmem:$0x6440] =	vst @!p0 v24  }
0xf2: {  	v24 =	vld @!p0 [tilespmem:s21+$0x1D0];
	_ =	sdelay $0x4  }
0xf3: {  	v24 =	vshll.u32 @!p0 v24, $0x1  }
0xf4: {  	[tilespmem:$0x6450] =	vst @!p0 v24  }
0xf5: {  	v24 =	vld @!p0 [tilespmem:s21+$0x1E0];
	_ =	sdelay $0x4  }
0xf6: {  	v24 =	vshll.u32 @!p0 v24, $0x1  }
0xf7: {  	[tilespmem:$0x6460] =	vst @!p0 v24  }
0xf8: {  	v24 =	vld @!p0 [tilespmem:s21+$0x1F0];
	_ =	sdelay $0x4  }
0xf9: {  	s18 =	simm.s32 @!p0 $0x6400;
	s26 =	simm.s32 $0x0;
	v24 =	vshll.u32 @!p0 v24, $0x1  }
0xfa: {  	s28 =	sand.u32 $0x70, s26;
	s15 =	simm.s32 @!p0 $0x80;
	s21 =	simm.s32 @!p0 $0x6580;
	[tilespmem:$0x6470] =	vst @!p0 v24  }
0xfb: {  	[tilespmem:s21], [sflag:$0x1] =	stream.indirect.gather @!p0 [hbm4b:s4+s15], $0x40, s18, s15, $0xb8;
	[tilespmem:$0x12580] =	vst v63  }
0xfc: {  	v24 =	vor.u32 s28, v0;
	s15 =	sand.u32 $0x30, s26  }
0xfd: {  	v28 =	vshll.u32 v24, $0x6;
	v25 =	vor.u32 s15, v0  }
0xfe: {  	v26 =	vor.u32 s15, v9;
	v27 =	vor.u32 s15, v1;
	v31 =	vor.u32 v16, v28  }
0xff: {  	v32 =	vor.u32 v17, v28;
	v57 =	vor.u32 s15, v2;
	v60 =	vor.u32 s15, v3  }
0x100: {  	v61 =	vor.u32 s15, v15;
	v38 =	vor.u32 v19, v28;
	v63 =	vor.u32 s15, v5  }
0x101: {  	v59 =	vor.u32 s15, v13;
	v43 =	vor.u32 v21, v28;
	v44 =	vor.u32 s15, v8  }
0x102: {  	v45 =	vor.u32 v20, v28;
	v47 =	vor.u32 v18, v28;
	v49 =	vor.u32 s15, v4  }
0x103: {  	v50 =	vor.u32 s15, v6;
	v53 =	vor.u32 s15, v7;
	v54 =	vor.u32 s15, v14  }
0x104: {  	v56 =	vor.u32 v23, v28;
	v28 =	vor.u32 v22, v28;
	v40 =	vor.u32 s15, v11  }
0x105: {  	v29 =	vshll.u32 v26, $0x7;
	v30 =	vand.u32 $0x38, v25;
	v26 =	vand.u32 $0x38, v26  }
0x106: {  	v25 =	vshll.u32 v25, $0x7;
	v35 =	vshll.u32 v27, $0x7;
	v62 =	vand.u32 $0x38, v60  }
0x107: {  	v27 =	vand.u32 $0x38, v27;
	v39 =	vshll.u32 v61, $0x7;
	v58 =	vand.u32 $0x38, v57  }
0x108: {  	v36 =	vand.u32 $0x38, v61;
	v46 =	vand.u32 $0x38, v59;
	v48 =	vshll.u32 v44, $0x7  }
0x109: {  	v34 =	vshll.u32 v60, $0x7;
	v51 =	vand.u32 $0x38, v49;
	v42 =	vshll.u32 v59, $0x7  }
0x10a: {  	v52 =	vand.u32 $0x38, v63;
	v33 =	vshll.u32 v57, $0x7;
	v49 =	vshll.u32 v49, $0x7  }
0x10b: {  	v55 =	vand.u32 $0x38, v53;
	v57 =	vand.u32 $0x78, v24;
	v37 =	vor.u32 v62, v38  }
0x10c: {  	v24 =	vor.u32 s15, v10;
	v60 =	vand.u32 $0x38, v50;
	v41 =	vor.u32 v58, v47  }
0x10d: {  	_ =	swait.ge @p1 [sflag:s29], $0x2000;
	v61 =	vand.u32 $0x38, v54;
	v50 =	vshll.u32 v50, $0x7;
	v26 =	vor.u32 v26, v32  }
0x10e: {  	[sflag:s29] =	ssyncset.done @p1 $0x0;
	v53 =	vshll.u32 v53, $0x7;
	v30 =	vor.u32 v30, v31;
	v27 =	vor.u32 v27, v32  }
0x10f: {  	[sflag:s29] =	ssyncadd.s32 @p1 $0xFFFFE000;
	v46 =	vor.u32 v46, v43;
	v51 =	vor.u32 v51, v45;
	v61 =	vor.u32 v61, v28  }
0x110: {  	v48 =	vor.u32 v57, v48;
	v58 =	vor.u32 s15, v12;
	v28 =	vor.u32 v60, v28;
	v37 =	vld.idx.msk [tilespmem:v37+s22+$0x0], $0xffff  }
0x111: {  	v32 =	vor.u32 v52, v43;
	v52 =	vand.u32 $0x38, v24;
	v62 =	vand.u32 $0x38, v40;
	v41 =	vld.idx.msk [tilespmem:v41+s22+$0x0], $0xffff  }
0x112: {  	v35 =	vor.u32 v57, v35;
	v33 =	vor.u32 v57, v33;
	v60 =	vor.u32 v55, v56;
	v26 =	vld.idx.msk [tilespmem:v26+s22+$0x0], $0xffff  }
0x113: {  	v34 =	vor.u32 v57, v34;
	v40 =	vshll.u32 v40, $0x7;
	v25 =	vor.u32 v57, v25;
	v27 =	vld.idx.msk [tilespmem:v27+s22+$0x0], $0xffff  }
0x114: {  	v36 =	vor.u32 v36, v56;
	v24 =	vshll.u32 v24, $0x7;
	v47 =	vor.u32 v52, v47;
	v52 =	vld.idx.msk [tilespmem:v61+s22+$0x0], $0xffff  }
0x115: {  	v29 =	vor.u32 v57, v29;
	v38 =	vor.u32 v62, v38;
	v62 =	vand.u32 $0x38, v58;
	v56 =	vld.idx.msk [tilespmem:v28+s22+$0x0], $0xffff  }
0x116: {  	v43 =	vshll.u32 v58, $0x7;
	v40 =	vor.u32 v57, v40;
	v28 =	vor.u32 v62, v45;
	v45 =	vld.idx.msk [tilespmem:v46+s22+$0x0], $0xffff  }
0x117: {  	v55 =	vor.u32 v57, v24;
	v24 =	vor.u32 v57, v43;
	v40 =	vor.u32 v16, v40;
	v43 =	vld.idx.msk [tilespmem:v60+s22+$0x0], $0xffff  }
0x118: {  	v59 =	vmul.f32 $8.000000000e+00, v37;
	v37 =	vshll.u32 v63, $0x7;
	v63 =	vld.idx.msk [tilespmem:v30+s22+$0x0], $0xffff;
	v30 =	vand.u32 $0x38, v44  }
0x119: {  	v24 =	vor.u32 v16, v24;
	v46 =	vor.u32 v16, v25;
	v58 =	vld.idx.msk [tilespmem:v36+s22+$0x0], $0xffff;
	v30 =	vor.u32 v30, v31  }
0x11a: {  	v61 =	vor.u32 v16, v34;
	v36 =	vld.idx.msk [tilespmem:v38+s22+$0x0], $0xffff;
	v38 =	vor.u32 v16, v55;
	v44 =	vor.u32 v57, v49  }
0x11b: {  	v51 =	vld.idx.msk [tilespmem:v51+s22+$0x0], $0xffff;
	v41 =	vmul.f32 $8.000000000e+00, v41;
	v49 =	vor.u32 v16, v35;
	v27 =	vmul.f32 $8.000000000e+00, v27  }
0x11c: {  	v32 =	vld.idx.msk [tilespmem:v32+s22+$0x0], $0xffff;
	v25 =	vmul.f32 $8.000000000e+00, v26;
	v35 =	vor.u32 v57, v37;
	v37 =	vor.u32 v16, v33  }
0x11d: {  	v47 =	vld.idx.msk [tilespmem:v47+s22+$0x0], $0xffff;
	v31 =	vor.u32 v57, v42;
	v62 =	vor.u32 v16, v44;
	v34 =	vor.u32 v16, v35  }
0x11e: {  	v35 =	vmul.f32 $8.000000000e+00, v43;
	v43 =	vor.u32 v16, v48;
	v26 =	vmul.f32 $8.000000000e+00, v63;
	v60 =	vld.idx.msk [tilespmem:v30+s22+$0x0], $0xffff  }
0x11f: {  	v63 =	vshll.u32 v54, $0x7;
	v54 =	vor.u32 v57, v53;
	v30 =	vld.idx.msk [tilespmem:v28+s22+$0x0], $0xffff;
	v28 =	vor.u32 v57, v50  }
0x120: {  	v51 =	vmul.f32 $8.000000000e+00, v51;
	v50 =	vor.u32 v57, v39;
	v63 =	vor.u32 v57, v63;
	[tilespmem:v46+s19+$0x0] =	vst.idx.msk $0xffff, v26  }
0x121: {  	v44 =	vmul.f32 $8.000000000e+00, v56;
	v39 =	vor.u32 v16, v54;
	v33 =	vor.u32 v16, v28;
	[tilespmem:v49+s19+$0x0] =	vst.idx.msk $0xffff, v27  }
0x122: {  	v28 =	vmul.f32 $8.000000000e+00, v45;
	v26 =	vor.u32 v16, v63;
	v45 =	vmul.f32 $8.000000000e+00, v32;
	[tilespmem:v37+s19+$0x0] =	vst.idx.msk $0xffff, v41  }
0x123: {  	v32 =	vmul.f32 $8.000000000e+00, v58;
	v37 =	vor.u32 v16, v29;
	v29 =	vmul.f32 $8.000000000e+00, v52;
	[tilespmem:v61+s19+$0x0] =	vst.idx.msk $0xffff, v59  }
0x124: {  	s26 =	simm.s32 $0x4;
	s21 =	simm.s32 $0x10;
	v27 =	vor.u32 v16, v50;
	v41 =	vmul.f32 $8.000000000e+00, v47;
	v42 =	vmul.f32 $8.000000000e+00, v60;
	[tilespmem:v62+s19+$0x0] =	vst.idx.msk $0xffff, v51  }
.LBB2_5:
0x125: {  	s18 =	smov.u32 s26  }
0x126: {  	s15 =	sand.u32 $0x70, s26;
	s25 =	sand.u32 $0x30, s21;
	[tilespmem:v34+s19+$0x0] =	vst.idx.msk $0xffff, v45;
	v34 =	vmul.f32 $8.000000000e+00, v36;
	v30 =	vmul.f32 $8.000000000e+00, v30;
	v31 =	vor.u32 v16, v31;
	s18 =	sadd.s32 $0x4, s26  }
0x127: {  	p1 =	sne.s32 s26, $0x7C;
	v36 =	vor.u32 s15, v0;
	v45 =	vor.u32 s25, v0;
	v46 =	vor.u32 s25, v9;
	[tilespmem:v33+s19+$0x0] =	vst.idx.msk $0xffff, v44  }
0x128: {  	v33 =	vor.u32 s25, v1;
	v44 =	vshll.u32 v36, $0x6;
	v47 =	vshll.u32 v46, $0x7;
	[tilespmem:v39+s19+$0x0] =	vst.idx.msk $0xffff, v35  }
0x129: {  	v46 =	vand.u32 $0x38, v46;
	v35 =	vand.u32 $0x38, v45;
	v39 =	vor.u32 v16, v44;
	[tilespmem:v43+s19+$0x0] =	vst.idx.msk $0xffff, v42  }
0x12a: {  	v35 =	vor.u32 v35, v39;
	v42 =	vor.u32 v17, v44;
	v43 =	vshll.u32 v45, $0x7;
	[tilespmem:v37+s19+$0x0] =	vst.idx.msk $0xffff, v25  }
0x12b: {  	v45 =	vshll.u32 v33, $0x7;
	v25 =	vor.u32 s25, v2;
	v37 =	vor.u32 s25, v3;
	[tilespmem:v38+s19+$0x0] =	vst.idx.msk $0xffff, v41  }
0x12c: {  	v48 =	vor.u32 v19, v44;
	v38 =	vor.u32 s25, v15;
	v41 =	vand.u32 $0x38, v37;
	[tilespmem:v40+s19+$0x0] =	vst.idx.msk $0xffff, v34  }
0x12d: {  	v33 =	vand.u32 $0x38, v33;
	v34 =	vor.u32 v41, v48;
	v40 =	vshll.u32 v38, $0x7;
	[tilespmem:v24+s19+$0x0] =	vst.idx.msk $0xffff, v30  }
0x12e: {  	v41 =	vor.u32 v46, v42;
	v24 =	vor.u32 s25, v5;
	v30 =	vand.u32 $0x38, v25;
	[tilespmem:v31+s19+$0x0] =	vst.idx.msk $0xffff, v28  }
0x12f: {  	v38 =	vand.u32 $0x38, v38;
	v28 =	vor.u32 s25, v13;
	v31 =	vor.u32 v21, v44;
	[tilespmem:v26+s19+$0x0] =	vst.idx.msk $0xffff, v29  }
0x130: {  	v26 =	vor.u32 s25, v8;
	v29 =	vor.u32 v20, v44;
	v46 =	vand.u32 $0x38, v28;
	[tilespmem:v27+s19+$0x0] =	vst.idx.msk $0xffff, v32  }
0x131: {  	v27 =	vor.u32 v18, v44;
	v32 =	vor.u32 v46, v31;
	v46 =	vshll.u32 v26, $0x7  }
0x132: {  	v49 =	vor.u32 s25, v4;
	v50 =	vor.u32 s25, v6;
	v37 =	vshll.u32 v37, $0x7;
	v34 =	vld.idx.msk [tilespmem:v34+s22+$0x0], $0xffff  }
0x133: {  	v51 =	vand.u32 $0x38, v49;
	v28 =	vshll.u32 v28, $0x7;
	v30 =	vor.u32 v30, v27  }
0x134: {  	v25 =	vshll.u32 v25, $0x7;
	v52 =	vand.u32 $0x38, v24;
	v51 =	vor.u32 v51, v29  }
0x135: {  	v53 =	vor.u32 s25, v7;
	v54 =	vor.u32 s25, v14;
	v49 =	vshll.u32 v49, $0x7  }
0x136: {  	v55 =	vand.u32 $0x38, v53;
	v57 =	vand.u32 $0x78, v36;
	v56 =	vor.u32 v23, v44  }
0x137: {  	v36 =	vor.u32 s25, v10;
	v44 =	vor.u32 v22, v44;
	v46 =	vor.u32 v57, v46  }
0x138: {  	v58 =	vor.u32 s25, v12;
	v24 =	vshll.u32 v24, $0x7;
	v59 =	vmul.f32 $8.000000000e+00, v34  }
0x139: {  	v60 =	vand.u32 $0x38, v50;
	v61 =	vand.u32 $0x38, v54;
	v34 =	vor.u32 s25, v11;
	v30 =	vld.idx.msk [tilespmem:v30+s22+$0x0], $0xffff  }
0x13a: {  	v33 =	vor.u32 v33, v42;
	v31 =	vor.u32 v52, v31;
	v42 =	vld.idx.msk [tilespmem:v51+s22+$0x0], $0xffff;
	v51 =	vshll.u32 v58, $0x7  }
0x13b: {  	v52 =	vand.u32 $0x38, v36;
	v61 =	vor.u32 v61, v44;
	v62 =	vand.u32 $0x38, v34  }
0x13c: {  	v45 =	vor.u32 v57, v45;
	v37 =	vor.u32 v57, v37;
	v25 =	vor.u32 v57, v25  }
0x13d: {  	v26 =	vand.u32 $0x38, v26;
	v44 =	vor.u32 v60, v44;
	v34 =	vshll.u32 v34, $0x7;
	v35 =	vld.idx.msk [tilespmem:v35+s22+$0x0], $0xffff  }
0x13e: {  	v49 =	vor.u32 v57, v49;
	v43 =	vor.u32 v57, v43;
	v60 =	vor.u32 v57, v34;
	v41 =	vld.idx.msk [tilespmem:v41+s22+$0x0], $0xffff  }
0x13f: {  	v50 =	vshll.u32 v50, $0x7;
	v34 =	vor.u32 v55, v56;
	v55 =	vmul.f32 $8.000000000e+00, v30;
	v33 =	vld.idx.msk [tilespmem:v33+s22+$0x0], $0xffff  }
0x140: {  	v48 =	vor.u32 v62, v48;
	v30 =	vand.u32 $0x38, v58;
	v63 =	vld.idx.msk [tilespmem:v31+s22+$0x0], $0xffff;
	v31 =	vor.u32 v38, v56  }
0x141: {  	v36 =	vshll.u32 v36, $0x7;
	v26 =	vor.u32 v26, v39;
	v27 =	vor.u32 v52, v27;
	v38 =	vld.idx.msk [tilespmem:v61+s22+$0x0], $0xffff  }
0x142: {  	v47 =	vor.u32 v57, v47;
	v52 =	vor.u32 v57, v36;
	v29 =	vor.u32 v30, v29;
	v44 =	vld.idx.msk [tilespmem:v44+s22+$0x0], $0xffff  }
0x143: {  	v39 =	vor.u32 v16, v43;
	v43 =	vshll.u32 v53, $0x7;
	v30 =	vor.u32 v57, v51;
	v32 =	vld.idx.msk [tilespmem:v32+s22+$0x0], $0xffff  }
0x144: {  	v45 =	vor.u32 v16, v45;
	v51 =	vld.idx.msk [tilespmem:v34+s22+$0x0], $0xffff;
	v34 =	vor.u32 v57, v24;
	v24 =	vor.u32 v16, v30  }
0x145: {  	v58 =	vor.u32 v16, v25;
	v25 =	vmul.f32 $8.000000000e+00, v41;
	v56 =	vmul.f32 $8.000000000e+00, v33;
	v53 =	vld.idx.msk [tilespmem:v31+s22+$0x0], $0xffff  }
0x146: {  	v62 =	vmul.f32 $8.000000000e+00, v42;
	v61 =	vor.u32 v16, v37;
	v31 =	vor.u32 v57, v28;
	v41 =	vld.idx.msk [tilespmem:v26+s22+$0x0], $0xffff  }
0x147: {  	v49 =	vor.u32 v16, v49;
	v28 =	vor.u32 v57, v50;
	v26 =	vmul.f32 $8.000000000e+00, v35;
	v30 =	vld.idx.msk [tilespmem:v29+s22+$0x0], $0xffff  }
0x148: {  	v34 =	vor.u32 v16, v34;
	v29 =	vor.u32 v57, v40;
	v50 =	vld.idx.msk [tilespmem:v27+s22+$0x0], $0xffff;
	v27 =	vshll.u32 v54, $0x7  }
0x149: {  	v37 =	vor.u32 v57, v43;
	v33 =	vor.u32 v16, v28;
	v36 =	vld.idx.msk [tilespmem:v48+s22+$0x0], $0xffff;
	v27 =	vor.u32 v57, v27  }
.Ltmp3:
0x14a: {  	v28 =	vmul.f32 $8.000000000e+00, v32;
	v35 =	vmul.f32 $8.000000000e+00, v51;
	[tilespmem:v39+s19+$0x0] =	vst.idx.msk $0xffff, v26;
	v26 =	vor.u32 v16, v27;
	(pc) =	sbr.rel @p1 .LBB2_5-.Ltmp3, $4  }
0x14b: {  	v39 =	vor.u32 v16, v37;
	v27 =	vor.u32 v16, v29;
	[tilespmem:v45+s19+$0x0] =	vst.idx.msk $0xffff, v56;
	v45 =	vmul.f32 $8.000000000e+00, v63  }
0x14c: {  	v44 =	vmul.f32 $8.000000000e+00, v44;
	v37 =	vor.u32 v16, v47;
	v29 =	vmul.f32 $8.000000000e+00, v38;
	[tilespmem:v58+s19+$0x0] =	vst.idx.msk $0xffff, v55  }
0x14d: {  	v43 =	vor.u32 v16, v46;
	v38 =	vor.u32 v16, v52;
	v42 =	vmul.f32 $8.000000000e+00, v41;
	[tilespmem:v61+s19+$0x0] =	vst.idx.msk $0xffff, v59  }
0x14e: {  	s21 =	sadd.s32 $0x10, s21;
	s26 =	smov.u32 s18;
	v40 =	vor.u32 v16, v60;
	v32 =	vmul.f32 $8.000000000e+00, v53;
	v41 =	vmul.f32 $8.000000000e+00, v50;
	[tilespmem:v49+s19+$0x0] =	vst.idx.msk $0xffff, v62  }
0x14f: {  	_ =	sdelay $0x3  }
0x150: {  	[tilespmem:v34+s19+$0x0] =	vst.idx.msk $0xffff, v45  }
0x151: {  	[tilespmem:v33+s19+$0x0] =	vst.idx.msk $0xffff, v44  }
0x152: {  	[tilespmem:v39+s19+$0x0] =	vst.idx.msk $0xffff, v35  }
0x153: {  	v31 =	vor.u32 v16, v31;
	[tilespmem:v43+s19+$0x0] =	vst.idx.msk $0xffff, v42  }
0x154: {  	v62 =	vmul.f32 $8.000000000e+00, v36;
	[tilespmem:v37+s19+$0x0] =	vst.idx.msk $0xffff, v25  }
0x155: {  	v63 =	vmul.f32 $8.000000000e+00, v30;
	[tilespmem:v38+s19+$0x0] =	vst.idx.msk $0xffff, v41  }
0x156: {  	s15 =	sadd.s32 s17, s14;
	[tilespmem:v40+s19+$0x0] =	vst.idx.msk $0xffff, v62  }
0x157: {  	s18 =	sshll.u32 s15, $0xA;
	s15 =	sshll.u32 s15, $0x7;
	[tilespmem:v24+s19+$0x0] =	vst.idx.msk $0xffff, v63  }
0x158: {  	s18 =	sand.u32 $0xFFF8000, s18;
	s15 =	sand.u32 $0xF80, s15;
	[tilespmem:v31+s19+$0x0] =	vst.idx.msk $0xffff, v28  }
0x159: {  	s15 =	sor.u32 s15, s18;
	[tilespmem:v26+s19+$0x0] =	vst.idx.msk $0xffff, v29  }
0x15a: {  	s18 =	sadd.s32 s2, s15;
	[tilespmem:v27+s19+$0x0] =	vst.idx.msk $0xffff, v32  }
0x15b: {  	[hbm4b:s18+s3] =	stream.linear.scatter [tilespmem:s19], [sflag:$0x5], $0x400, $0x38;
	[tilespmem:$0x12580] =	vst v63  }
0x15c: {  	s21 =	simm.s32 $0xE980;
	s28 =	sadd.s32 s15, s7  }
0x15d: {  	[hbm4b:s28+s3] =	stream.linear.scatter [tilespmem:s21], [sflag:$0x5], $0x400, $0x38;
	[tilespmem:$0x12580] =	vst v63  }
0x15e: {  	s25 =	simm.s32 $0xED80;
	s21 =	sadd.s32 s15, s8  }
0x15f: {  	[hbm4b:s21+s3] =	stream.linear.scatter [tilespmem:s25], [sflag:$0x5], $0x400, $0x38;
	[tilespmem:$0x12580] =	vst v63  }
0x160: {  	s26 =	sadd.s32 s15, s9;
	s28 =	simm.s32 $0xF180  }
0x161: {  	[hbm4b:s26+s3] =	stream.linear.scatter [tilespmem:s28], [sflag:$0x5], $0x400, $0x38;
	[tilespmem:$0x12580] =	vst v63  }
0x162: {  	s21 =	sadd.s32 s15, s10;
	s25 =	simm.s32 $0xF580  }
0x163: {  	[hbm4b:s21+s3] =	stream.linear.scatter [tilespmem:s25], [sflag:$0x5], $0x400, $0x38;
	[tilespmem:$0x12580] =	vst v63  }
0x164: {  	s26 =	sadd.s32 s15, s11;
	s28 =	simm.s32 $0xF980  }
0x165: {  	[hbm4b:s26+s3] =	stream.linear.scatter [tilespmem:s28], [sflag:$0x5], $0x400, $0x38;
	[tilespmem:$0x12580] =	vst v63  }
.Ltmp4:
0x166: {  	_ = 	snop;
	(pc) =	sbr.rel @p0 .LBB2_10-.Ltmp4, $4  }
0x167: {  	s25 =	sadd.s32 s15, s12;
	s26 =	simm.s32 $0xFD80  }
0x168: {  	[hbm4b:s25+s3] =	stream.linear.scatter [tilespmem:s26], [sflag:$0x5], $0x400, $0x38;
	[tilespmem:$0x12580] =	vst v63  }
0x169: {  	s15 =	sadd.s32 s15, s13;
	s28 =	simm.s32 $0x10180  }
0x16a: {  	[hbm4b:s15+s3] =	stream.linear.scatter [tilespmem:s28], [sflag:$0x5], $0x400, $0x38;
	[tilespmem:$0x12580] =	vst v63  }
0x16b: {  	_ =	swait.ge [sflag:s31], $0x2000;
	s15 =	smul.u32 $0x600, s16  }
0x16c: {  	[sflag:s31] =	ssyncset.done $0x0  }
0x16d: {  	[sflag:s31] =	ssyncadd.s32 $0xFFFFE000;
	s15 =	sshra.s32 s15, $0x2  }
0x16e: {  	v24 =	vld [tilespmem:s15+$0x200];
	_ =	sdelay $0x4  }
0x16f: {  	v24 =	vshll.u32 v24, $0x1  }
0x170: {  	[tilespmem:$0x6480] =	vst v24  }
0x171: {  	v24 =	vld [tilespmem:s15+$0x210];
	_ =	sdelay $0x4  }
0x172: {  	v24 =	vshll.u32 v24, $0x1  }
0x173: {  	[tilespmem:$0x6490] =	vst v24  }
0x174: {  	v24 =	vld [tilespmem:s15+$0x220];
	_ =	sdelay $0x4  }
0x175: {  	v24 =	vshll.u32 v24, $0x1  }
0x176: {  	[tilespmem:$0x64A0] =	vst v24  }
0x177: {  	v24 =	vld [tilespmem:s15+$0x230];
	_ =	sdelay $0x4  }
0x178: {  	v24 =	vshll.u32 v24, $0x1  }
0x179: {  	[tilespmem:$0x64B0] =	vst v24  }
0x17a: {  	v24 =	vld [tilespmem:s15+$0x240];
	_ =	sdelay $0x4  }
0x17b: {  	v24 =	vshll.u32 v24, $0x1  }
0x17c: {  	[tilespmem:$0x64C0] =	vst v24  }
0x17d: {  	v24 =	vld [tilespmem:s15+$0x250];
	_ =	sdelay $0x3  }
0x17e: {  	s25 =	simm.s32 $0x0  }
0x17f: {  	s21 =	sand.u32 $0x70, s25;
	s18 =	sand.u32 $0x30, s25;
	v24 =	vshll.u32 v24, $0x1  }
0x180: {  	v25 =	vor.u32 s21, v0;
	v26 =	vor.u32 s18, v0;
	[tilespmem:$0x64D0] =	vst v24  }
0x181: {  	v27 =	vor.u32 s18, v9;
	v28 =	vor.u32 s18, v1;
	v34 =	vor.u32 s18, v2;
	v24 =	vld [tilespmem:s15+$0x260]  }
0x182: {  	v35 =	vor.u32 s18, v3;
	v40 =	vor.u32 s18, v5;
	v42 =	vor.u32 s18, v13  }
0x183: {  	v44 =	vor.u32 s18, v8;
	v49 =	vor.u32 s18, v4;
	v50 =	vor.u32 s18, v6  }
0x184: {  	v53 =	vor.u32 s18, v7;
	v54 =	vor.u32 s18, v14;
	v58 =	vor.u32 s18, v12  }
0x185: {  	v29 =	vshll.u32 v25, $0x6;
	v30 =	vshll.u32 v27, $0x7;
	v31 =	vand.u32 $0x38, v26  }
0x186: {  	v27 =	vand.u32 $0x38, v27;
	v26 =	vshll.u32 v26, $0x7;
	v24 =	vshll.u32 v24, $0x1  }
0x187: {  	v36 =	vshll.u32 v28, $0x7;
	v37 =	vand.u32 $0x38, v35;
	v28 =	vand.u32 $0x38, v28;
	[tilespmem:$0x64E0] =	vst v24  }
0x188: {  	v41 =	vand.u32 $0x38, v34;
	v46 =	vand.u32 $0x38, v42;
	v48 =	vshll.u32 v44, $0x7;
	v24 =	vld [tilespmem:s15+$0x270]  }
0x189: {  	v35 =	vshll.u32 v35, $0x7;
	v51 =	vand.u32 $0x38, v49;
	v42 =	vshll.u32 v42, $0x7  }
0x18a: {  	v52 =	vand.u32 $0x38, v40;
	v34 =	vshll.u32 v34, $0x7;
	v49 =	vshll.u32 v49, $0x7  }
0x18b: {  	v55 =	vand.u32 $0x38, v53;
	v57 =	vand.u32 $0x78, v25;
	v25 =	vor.u32 s18, v10  }
0x18c: {  	v60 =	vand.u32 $0x38, v50;
	v61 =	vand.u32 $0x38, v54;
	v50 =	vshll.u32 v50, $0x7  }
0x18d: {  	p0 =	seq.s32 s16, $0x0;
	v32 =	vor.u32 v16, v29;
	v38 =	vor.u32 v19, v29;
	v24 =	vshll.u32 v24, $0x1  }
0x18e: {  	s26 =	simm.s32 $0x80;
	s28 =	simm.s32 $0x6480;
	v33 =	vor.u32 v17, v29;
	v47 =	vor.u32 v18, v29;
	v37 =	vor.u32 v37, v38;
	s15 =	simm.s32 @!p0 $0x6;
	[tilespmem:$0x64F0] =	vst v24  }
0x18f: {  	v43 =	vor.u32 v21, v29;
	v45 =	vor.u32 v20, v29;
	v41 =	vor.u32 v41, v47;
	[tilespmem:s22], [sflag:$0x2] =	stream.indirect.gather [hbm4b:s4+s26], $0x40, s28, s26, $0xb8;
	[tilespmem:$0x12580] =	vst v63  }
0x190: {  	v56 =	vor.u32 v23, v29;
	v29 =	vor.u32 v22, v29;
	v51 =	vor.u32 v51, v45;
	_ =	swait.ge @!p0 [sflag:s15], $0x2000  }
0x191: {  	v48 =	vor.u32 v57, v48;
	v36 =	vor.u32 v57, v36;
	v27 =	vor.u32 v27, v33;
	[sflag:s15] =	ssyncset.done @!p0 $0x0  }
0x192: {  	v34 =	vor.u32 v57, v34;
	v35 =	vor.u32 v57, v35;
	v31 =	vor.u32 v31, v32;
	[sflag:s15] =	ssyncadd.s32 @!p0 $0xFFFFE000  }
0x193: {  	v26 =	vor.u32 v57, v26;
	v46 =	vor.u32 v46, v43;
	v28 =	vor.u32 v28, v33;
	v37 =	vld.idx.msk [tilespmem:v37+s1+$0x0], $0xffff  }
0x194: {  	v33 =	vor.u32 v52, v43;
	v43 =	vshll.u32 v58, $0x7;
	v52 =	vand.u32 $0x38, v25;
	v41 =	vld.idx.msk [tilespmem:v41+s1+$0x0], $0xffff  }
0x195: {  	v61 =	vor.u32 v61, v29;
	v29 =	vor.u32 v60, v29;
	v24 =	vor.u32 s18, v15;
	v51 =	vld.idx.msk [tilespmem:v51+s1+$0x0], $0xffff  }
0x196: {  	v60 =	vor.u32 v55, v56;
	v39 =	vshll.u32 v24, $0x7;
	v24 =	vand.u32 $0x38, v24;
	v27 =	vld.idx.msk [tilespmem:v27+s1+$0x0], $0xffff  }
0x197: {  	v26 =	vor.u32 v16, v26;
	v56 =	vor.u32 v24, v56;
	v24 =	vshll.u32 v25, $0x7;
	v63 =	vld.idx.msk [tilespmem:v31+s1+$0x0], $0xffff  }
0x198: {  	v31 =	vand.u32 $0x38, v44;
	v44 =	vor.u32 v57, v49;
	v49 =	vor.u32 v16, v36  }
0x199: {  	v28 =	vld.idx.msk [tilespmem:v28+s1+$0x0], $0xffff;
	v31 =	vor.u32 v31, v32;
	v32 =	vor.u32 v52, v47;
	v52 =	vor.u32 v57, v30  }
0x19a: {  	v47 =	vld.idx.msk [tilespmem:v61+s1+$0x0], $0xffff;
	v61 =	vor.u32 v16, v35;
	v59 =	vmul.f32 $8.000000000e+00, v37;
	v37 =	vshll.u32 v40, $0x7  }
0x19b: {  	v40 =	vor.u32 s18, v11;
	v41 =	vmul.f32 $8.000000000e+00, v41;
	v25 =	vmul.f32 $8.000000000e+00, v27  }
0x19c: {  	v55 =	vld.idx.msk [tilespmem:v33+s1+$0x0], $0xffff;
	v51 =	vmul.f32 $8.000000000e+00, v51;
	v27 =	vmul.f32 $8.000000000e+00, v63;
	v62 =	vand.u32 $0x38, v40  }
0x19d: {  	v29 =	vld.idx.msk [tilespmem:v29+s1+$0x0], $0xffff;
	v40 =	vshll.u32 v40, $0x7;
	v36 =	vor.u32 v57, v37;
	v33 =	vor.u32 v62, v38  }
0x19e: {  	v62 =	vand.u32 $0x38, v58;
	v58 =	vor.u32 v57, v24;
	v24 =	vor.u32 v57, v43;
	v43 =	vld.idx.msk [tilespmem:v60+s1+$0x0], $0xffff  }
0x19f: {  	v37 =	vmul.f32 $8.000000000e+00, v28;
	v28 =	vor.u32 v57, v50;
	v60 =	vld.idx.msk [tilespmem:v31+s1+$0x0], $0xffff;
	v38 =	vor.u32 v62, v45  }
0x1a0: {  	v50 =	vor.u32 v57, v39;
	v40 =	vor.u32 v57, v40;
	v31 =	vor.u32 v57, v42;
	v45 =	vld.idx.msk [tilespmem:v46+s1+$0x0], $0xffff  }
0x1a1: {  	v46 =	vshll.u32 v53, $0x7;
	v24 =	vor.u32 v16, v24;
	v53 =	vld.idx.msk [tilespmem:v56+s1+$0x0], $0xffff;
	v56 =	vor.u32 v16, v34  }
0x1a2: {  	v32 =	vld.idx.msk [tilespmem:v32+s1+$0x0], $0xffff;
	v62 =	vor.u32 v16, v44;
	v34 =	vor.u32 v16, v36;
	v44 =	vshll.u32 v54, $0x7  }
0x1a3: {  	v40 =	vor.u32 v16, v40;
	v54 =	vor.u32 v57, v46;
	v63 =	vor.u32 v57, v44;
	v36 =	vld.idx.msk [tilespmem:v33+s1+$0x0], $0xffff  }
0x1a4: {  	v44 =	vmul.f32 $8.000000000e+00, v29;
	v29 =	vmul.f32 $8.000000000e+00, v47;
	v39 =	vor.u32 v16, v54;
	v30 =	vld.idx.msk [tilespmem:v38+s1+$0x0], $0xffff;
	[tilespmem:v26+s6+$0x0] =	vst.idx.msk $0xffff, v27  }
0x1a5: {  	v33 =	vor.u32 v16, v28;
	v35 =	vmul.f32 $8.000000000e+00, v43;
	v42 =	vmul.f32 $8.000000000e+00, v60;
	[tilespmem:v49+s6+$0x0] =	vst.idx.msk $0xffff, v37  }
0x1a6: {  	v43 =	vor.u32 v16, v48;
	v28 =	vmul.f32 $8.000000000e+00, v45;
	v26 =	vor.u32 v16, v63;
	[tilespmem:v56+s6+$0x0] =	vst.idx.msk $0xffff, v41  }
0x1a7: {  	v45 =	vmul.f32 $8.000000000e+00, v55;
	v27 =	vor.u32 v16, v50;
	v38 =	vor.u32 v16, v58;
	[tilespmem:v61+s6+$0x0] =	vst.idx.msk $0xffff, v59  }
0x1a8: {  	s21 =	simm.s32 $0x10;
	s26 =	simm.s32 $0x4;
	v37 =	vor.u32 v16, v52;
	v41 =	vmul.f32 $8.000000000e+00, v32;
	v32 =	vmul.f32 $8.000000000e+00, v53;
	[tilespmem:v62+s6+$0x0] =	vst.idx.msk $0xffff, v51  }
.LBB2_8:
0x1a9: {  	s18 =	smov.u32 s26  }
0x1aa: {  	s15 =	sand.u32 $0x70, s26;
	s25 =	sand.u32 $0x30, s21;
	[tilespmem:v34+s6+$0x0] =	vst.idx.msk $0xffff, v45;
	v34 =	vmul.f32 $8.000000000e+00, v36;
	v30 =	vmul.f32 $8.000000000e+00, v30;
	v31 =	vor.u32 v16, v31;
	s18 =	sadd.s32 $0x4, s26  }
0x1ab: {  	p0 =	sne.s32 s26, $0x7C;
	v36 =	vor.u32 s15, v0;
	v45 =	vor.u32 s25, v0;
	v46 =	vor.u32 s25, v9;
	[tilespmem:v33+s6+$0x0] =	vst.idx.msk $0xffff, v44  }
0x1ac: {  	v33 =	vor.u32 s25, v1;
	v44 =	vshll.u32 v36, $0x6;
	v47 =	vshll.u32 v46, $0x7;
	[tilespmem:v39+s6+$0x0] =	vst.idx.msk $0xffff, v35  }
0x1ad: {  	v46 =	vand.u32 $0x38, v46;
	v35 =	vand.u32 $0x38, v45;
	v39 =	vor.u32 v16, v44;
	[tilespmem:v43+s6+$0x0] =	vst.idx.msk $0xffff, v42  }
0x1ae: {  	v35 =	vor.u32 v35, v39;
	v42 =	vor.u32 v17, v44;
	v43 =	vshll.u32 v45, $0x7;
	[tilespmem:v37+s6+$0x0] =	vst.idx.msk $0xffff, v25  }
0x1af: {  	v45 =	vshll.u32 v33, $0x7;
	v25 =	vor.u32 s25, v2;
	v37 =	vor.u32 s25, v3;
	[tilespmem:v38+s6+$0x0] =	vst.idx.msk $0xffff, v41  }
0x1b0: {  	v48 =	vor.u32 v19, v44;
	v38 =	vor.u32 s25, v15;
	v41 =	vand.u32 $0x38, v37;
	[tilespmem:v40+s6+$0x0] =	vst.idx.msk $0xffff, v34  }
0x1b1: {  	v33 =	vand.u32 $0x38, v33;
	v34 =	vor.u32 v41, v48;
	v40 =	vshll.u32 v38, $0x7;
	[tilespmem:v24+s6+$0x0] =	vst.idx.msk $0xffff, v30  }
0x1b2: {  	v41 =	vor.u32 v46, v42;
	v24 =	vor.u32 s25, v5;
	v30 =	vand.u32 $0x38, v25;
	[tilespmem:v31+s6+$0x0] =	vst.idx.msk $0xffff, v28  }
0x1b3: {  	v38 =	vand.u32 $0x38, v38;
	v28 =	vor.u32 s25, v13;
	v31 =	vor.u32 v21, v44;
	[tilespmem:v26+s6+$0x0] =	vst.idx.msk $0xffff, v29  }
0x1b4: {  	v26 =	vor.u32 s25, v8;
	v29 =	vor.u32 v20, v44;
	v46 =	vand.u32 $0x38, v28;
	[tilespmem:v27+s6+$0x0] =	vst.idx.msk $0xffff, v32  }
0x1b5: {  	v27 =	vor.u32 v18, v44;
	v32 =	vor.u32 v46, v31;
	v46 =	vshll.u32 v26, $0x7  }
0x1b6: {  	v49 =	vor.u32 s25, v4;
	v50 =	vor.u32 s25, v6;
	v37 =	vshll.u32 v37, $0x7;
	v34 =	vld.idx.msk [tilespmem:v34+s1+$0x0], $0xffff  }
0x1b7: {  	v51 =	vand.u32 $0x38, v49;
	v28 =	vshll.u32 v28, $0x7;
	v30 =	vor.u32 v30, v27  }
0x1b8: {  	v25 =	vshll.u32 v25, $0x7;
	v52 =	vand.u32 $0x38, v24;
	v51 =	vor.u32 v51, v29  }
0x1b9: {  	v53 =	vor.u32 s25, v7;
	v54 =	vor.u32 s25, v14;
	v49 =	vshll.u32 v49, $0x7  }
0x1ba: {  	v55 =	vand.u32 $0x38, v53;
	v57 =	vand.u32 $0x78, v36;
	v56 =	vor.u32 v23, v44  }
0x1bb: {  	v36 =	vor.u32 s25, v10;
	v44 =	vor.u32 v22, v44;
	v46 =	vor.u32 v57, v46  }
0x1bc: {  	v58 =	vor.u32 s25, v12;
	v24 =	vshll.u32 v24, $0x7;
	v59 =	vmul.f32 $8.000000000e+00, v34  }
0x1bd: {  	v60 =	vand.u32 $0x38, v50;
	v61 =	vand.u32 $0x38, v54;
	v34 =	vor.u32 s25, v11;
	v30 =	vld.idx.msk [tilespmem:v30+s1+$0x0], $0xffff  }
0x1be: {  	v33 =	vor.u32 v33, v42;
	v31 =	vor.u32 v52, v31;
	v42 =	vld.idx.msk [tilespmem:v51+s1+$0x0], $0xffff;
	v51 =	vshll.u32 v58, $0x7  }
0x1bf: {  	v52 =	vand.u32 $0x38, v36;
	v61 =	vor.u32 v61, v44;
	v62 =	vand.u32 $0x38, v34  }
0x1c0: {  	v45 =	vor.u32 v57, v45;
	v37 =	vor.u32 v57, v37;
	v25 =	vor.u32 v57, v25  }
0x1c1: {  	v26 =	vand.u32 $0x38, v26;
	v44 =	vor.u32 v60, v44;
	v34 =	vshll.u32 v34, $0x7;
	v35 =	vld.idx.msk [tilespmem:v35+s1+$0x0], $0xffff  }
0x1c2: {  	v49 =	vor.u32 v57, v49;
	v43 =	vor.u32 v57, v43;
	v60 =	vor.u32 v57, v34;
	v41 =	vld.idx.msk [tilespmem:v41+s1+$0x0], $0xffff  }
0x1c3: {  	v50 =	vshll.u32 v50, $0x7;
	v34 =	vor.u32 v55, v56;
	v55 =	vmul.f32 $8.000000000e+00, v30;
	v33 =	vld.idx.msk [tilespmem:v33+s1+$0x0], $0xffff  }
0x1c4: {  	v48 =	vor.u32 v62, v48;
	v30 =	vand.u32 $0x38, v58;
	v63 =	vld.idx.msk [tilespmem:v31+s1+$0x0], $0xffff;
	v31 =	vor.u32 v38, v56  }
0x1c5: {  	v36 =	vshll.u32 v36, $0x7;
	v26 =	vor.u32 v26, v39;
	v27 =	vor.u32 v52, v27;
	v38 =	vld.idx.msk [tilespmem:v61+s1+$0x0], $0xffff  }
0x1c6: {  	v47 =	vor.u32 v57, v47;
	v52 =	vor.u32 v57, v36;
	v29 =	vor.u32 v30, v29;
	v44 =	vld.idx.msk [tilespmem:v44+s1+$0x0], $0xffff  }
0x1c7: {  	v39 =	vor.u32 v16, v43;
	v43 =	vshll.u32 v53, $0x7;
	v30 =	vor.u32 v57, v51;
	v32 =	vld.idx.msk [tilespmem:v32+s1+$0x0], $0xffff  }
0x1c8: {  	v45 =	vor.u32 v16, v45;
	v51 =	vld.idx.msk [tilespmem:v34+s1+$0x0], $0xffff;
	v34 =	vor.u32 v57, v24;
	v24 =	vor.u32 v16, v30  }
0x1c9: {  	v58 =	vor.u32 v16, v25;
	v25 =	vmul.f32 $8.000000000e+00, v41;
	v56 =	vmul.f32 $8.000000000e+00, v33;
	v53 =	vld.idx.msk [tilespmem:v31+s1+$0x0], $0xffff  }
0x1ca: {  	v62 =	vmul.f32 $8.000000000e+00, v42;
	v61 =	vor.u32 v16, v37;
	v31 =	vor.u32 v57, v28;
	v41 =	vld.idx.msk [tilespmem:v26+s1+$0x0], $0xffff  }
0x1cb: {  	v49 =	vor.u32 v16, v49;
	v28 =	vor.u32 v57, v50;
	v26 =	vmul.f32 $8.000000000e+00, v35;
	v30 =	vld.idx.msk [tilespmem:v29+s1+$0x0], $0xffff  }
0x1cc: {  	v34 =	vor.u32 v16, v34;
	v29 =	vor.u32 v57, v40;
	v50 =	vld.idx.msk [tilespmem:v27+s1+$0x0], $0xffff;
	v27 =	vshll.u32 v54, $0x7  }
0x1cd: {  	v37 =	vor.u32 v57, v43;
	v33 =	vor.u32 v16, v28;
	v36 =	vld.idx.msk [tilespmem:v48+s1+$0x0], $0xffff;
	v27 =	vor.u32 v57, v27  }
.Ltmp5:
0x1ce: {  	v28 =	vmul.f32 $8.000000000e+00, v32;
	v35 =	vmul.f32 $8.000000000e+00, v51;
	[tilespmem:v39+s6+$0x0] =	vst.idx.msk $0xffff, v26;
	v26 =	vor.u32 v16, v27;
	(pc) =	sbr.rel @p0 .LBB2_8-.Ltmp5, $4  }
0x1cf: {  	v39 =	vor.u32 v16, v37;
	v27 =	vor.u32 v16, v29;
	[tilespmem:v45+s6+$0x0] =	vst.idx.msk $0xffff, v56;
	v45 =	vmul.f32 $8.000000000e+00, v63  }
0x1d0: {  	v44 =	vmul.f32 $8.000000000e+00, v44;
	v37 =	vor.u32 v16, v47;
	v29 =	vmul.f32 $8.000000000e+00, v38;
	[tilespmem:v58+s6+$0x0] =	vst.idx.msk $0xffff, v55  }
0x1d1: {  	v43 =	vor.u32 v16, v46;
	v38 =	vor.u32 v16, v52;
	v42 =	vmul.f32 $8.000000000e+00, v41;
	[tilespmem:v61+s6+$0x0] =	vst.idx.msk $0xffff, v59  }
0x1d2: {  	s21 =	sadd.s32 $0x10, s21;
	s26 =	smov.u32 s18;
	v40 =	vor.u32 v16, v60;
	v32 =	vmul.f32 $8.000000000e+00, v53;
	v41 =	vmul.f32 $8.000000000e+00, v50;
	[tilespmem:v49+s6+$0x0] =	vst.idx.msk $0xffff, v62  }
0x1d3: {  	_ =	sdelay $0x3  }
0x1d4: {  	[tilespmem:v34+s6+$0x0] =	vst.idx.msk $0xffff, v45  }
0x1d5: {  	[tilespmem:v33+s6+$0x0] =	vst.idx.msk $0xffff, v44  }
0x1d6: {  	[tilespmem:v39+s6+$0x0] =	vst.idx.msk $0xffff, v35  }
0x1d7: {  	v31 =	vor.u32 v16, v31;
	[tilespmem:v43+s6+$0x0] =	vst.idx.msk $0xffff, v42  }
0x1d8: {  	v62 =	vmul.f32 $8.000000000e+00, v36;
	[tilespmem:v37+s6+$0x0] =	vst.idx.msk $0xffff, v25  }
0x1d9: {  	v63 =	vmul.f32 $8.000000000e+00, v30;
	s15 =	rddreg [dreg:$0x4];
	[tilespmem:v38+s6+$0x0] =	vst.idx.msk $0xffff, v41  }
0x1da: {  	s15 =	sadd.s32 s17, s15;
	[tilespmem:v40+s6+$0x0] =	vst.idx.msk $0xffff, v62  }
0x1db: {  	s17 =	sshll.u32 s15, $0xA;
	s15 =	sshll.u32 s15, $0x7;
	[tilespmem:v24+s6+$0x0] =	vst.idx.msk $0xffff, v63  }
0x1dc: {  	s17 =	sand.u32 $0xFFF8000, s17;
	s15 =	sand.u32 $0xF80, s15;
	[tilespmem:v31+s6+$0x0] =	vst.idx.msk $0xffff, v28  }
0x1dd: {  	s15 =	sor.u32 s15, s17;
	[tilespmem:v26+s6+$0x0] =	vst.idx.msk $0xffff, v29  }
0x1de: {  	s17 =	sadd.s32 s2, s15;
	[tilespmem:v27+s6+$0x0] =	vst.idx.msk $0xffff, v32  }
0x1df: {  	[hbm4b:s17+s3] =	stream.linear.scatter [tilespmem:s6], [sflag:$0x6], $0x400, $0x38;
	[tilespmem:$0x12580] =	vst v63  }
0x1e0: {  	s18 =	simm.s32 $0x10980;
	s25 =	sadd.s32 s15, s7  }
0x1e1: {  	[hbm4b:s25+s3] =	stream.linear.scatter [tilespmem:s18], [sflag:$0x6], $0x400, $0x38;
	[tilespmem:$0x12580] =	vst v63  }
0x1e2: {  	s28 =	simm.s32 $0x10D80;
	s26 =	sadd.s32 s15, s8  }
0x1e3: {  	[hbm4b:s26+s3] =	stream.linear.scatter [tilespmem:s28], [sflag:$0x6], $0x400, $0x38;
	[tilespmem:$0x12580] =	vst v63  }
0x1e4: {  	s21 =	sadd.s32 s15, s9;
	s25 =	simm.s32 $0x11180  }
0x1e5: {  	[hbm4b:s21+s3] =	stream.linear.scatter [tilespmem:s25], [sflag:$0x6], $0x400, $0x38;
	[tilespmem:$0x12580] =	vst v63  }
0x1e6: {  	s26 =	sadd.s32 s15, s10;
	s28 =	simm.s32 $0x11580  }
0x1e7: {  	[hbm4b:s26+s3] =	stream.linear.scatter [tilespmem:s28], [sflag:$0x6], $0x400, $0x38;
	[tilespmem:$0x12580] =	vst v63  }
0x1e8: {  	s18 =	sadd.s32 s15, s11;
	s21 =	simm.s32 $0x11980  }
0x1e9: {  	[hbm4b:s18+s3] =	stream.linear.scatter [tilespmem:s21], [sflag:$0x6], $0x400, $0x38;
	[tilespmem:$0x12580] =	vst v63  }
.Ltmp6:
0x1ea: {  	_ = 	snop;
	(pc) =	sbr.rel .LBB2_2-.Ltmp6, $4  }
0x1eb: {  	s25 =	sadd.s32 s15, s12;
	s26 =	simm.s32 $0x11D80  }
0x1ec: {  	[hbm4b:s25+s3] =	stream.linear.scatter [tilespmem:s26], [sflag:$0x6], $0x400, $0x38;
	[tilespmem:$0x12580] =	vst v63  }
0x1ed: {  	s16 =	sadd.s32 $0x1, s16;
	s15 =	sadd.s32 s15, s13;
	s28 =	simm.s32 $0x12180  }
0x1ee: {  	[hbm4b:s15+s3] =	stream.linear.scatter [tilespmem:s28], [sflag:$0x6], $0x400, $0x38;
	[tilespmem:$0x12580] =	vst v63  }
.LBB2_11:
0x1ef: {  	_ =	sfence.sel $0x180000  }
0x1f0: {  	[bflag:$0x0] =	sbarrier.arrive $0xFFFF  }
0x1f1: {  	_ =	strace $0x9000004A  }
0x1f2: {  	s0 =	stileid.u32;
	[bflag:$0x2] =	sbarrier.arrive $0xFFFF  }
0x1f3: {  	p0 =	sne.s32 s0, $0x0;
	s0 =	rddreg [dreg:$0x2]  }
0x1f4: {  	s0 =	sadd.s32 @!p0 $0x100000, s0  }
0x1f5: {  	[sflag:s0] =	ssyncadd.tile.s32 @!p0 $0x1;
	_ =	shalt  }
.Lfunc_end2:
_tile_overlayer_lowered:
.L_overlay_start_2:
0x1f6: {  	(tag) =	ssettag $0x2  }
0x1f7: {  	s0 =	rddreg [dreg:$0x0];
	s2 =	stileid.u32  }
0x1f8: {  	s1 =	rddreg [dreg:$0x1];
	p0 =	sne.s32 s2, $0x0  }
0x1f9: {  	s3 =	rddreg [dreg:$0x2];
	[bflag:$0x3] =	sbarrier.arrive $0xFFFF;
	s2 =	simm.s32 @!p0 $0x1C07  }
0x1fa: {  	[timem:s3], [sflag:s2] =	dma.local @!p0 [hbm:s0], s1  }
0x1fb: {  	s0 =	simm.s32 @!p0 $0x7  }
0x1fc: {  	_ =	swait.ge @!p0 [sflag:s0], s1  }
0x1fd: {  	s1 =	ssub.s32 @!p0 $0x0, s1;
	[sflag:s0] =	ssyncset.done @!p0 $0x0  }
0x1fe: {  	[sflag:s0] =	ssyncadd.s32 @!p0 s1  }
0x1ff: {  	[bflag:$0x3] =	sbarrier.arrive $0xFFFF  }
0x200: {  	_ =	shalt  }

// kernel: sparse-core-data-format-call.cloned.1.call-start
scs
called_computation_lowered:
.L_overlay_start_0:
0x0: {  	s2 =	sld [smem:$0x3FD9]  }
0x1: {  	s3 =	sld [smem:$0x3FFE];
	_ =	sdelay $0x1  }
0x2: {  	s1 =	srdreg.scid  }
0x3: {  	s0 =	sand.u32 $0x1, s1  }
0x4: {  	s18 =	sshll.u32 s0, $0xA;
	s2 =	sadd.s32 s3, s2  }
0x5: {  	s2 =	sadd.s32 s2, s18  }
0x6: {  	[smem:$0x3FC6] =	sst s2  }
0x7: {  	_ = 	snop  }
0x8: {  	s2 =	sld [smem:$0x3FC8];
	(tm) =	ssettm $0x1  }
0x9: {  	s19 =	sld [smem:$0x3FFB];
	_ =	sdelay $0x3  }
0xa: {  	_ =	strace s19  }
0xb: {  	s3 =	sld [smem:$0x3FFC];
	_ =	sdelay $0x3  }
0xc: {  	_ =	strace s3  }
0xd: {  	s3 =	sld [smem:$0x3FFD];
	_ =	sdelay $0x3  }
0xe: {  	_ =	strace s3  }
0xf: {  	_ =	strace $0x8FFFFFFF  }
0x10: {  	s20 =	sld [smem:$0x3FDB];
	_ =	sdelay $0x1  }
0x11: {  	s4 =	simm.s32 $_scs_section_size  }
0x12: {  	s5 =	simm.s32 $_size__tile_overlayer_lowered;
	s6 =	simm.s32 $_tile_overlayer_lowered  }
0x13: {  	s23 =	simm.s32 $0x1BFF;
	s22 =	sshll.u32 s6, $0x1;
	s3 =	sadd.s32 s4, s20  }
0x14: {  	s7 =	simm.s32 $0x0;
	s21 =	sshll.u32 s5, $0x1;
	s5 =	sadd.s32 s22, s3  }
0x15: {  	[timem:s7], [sflag:s23] =	dma.local [hbm:s5], s21  }
0x16: {  	_ =	swait.ge [sflag:s23], s21  }
0x17: {  	s4 =	ssub.s32 $0x0, s21;
	[sflag:s23] =	ssyncset.done $0x0  }
0x18: {  	[sflag:s23] =	ssyncadd.s32 s4;
	_ =	sdelay $0x1  }
0x19: {  	s24 =	simm.s32 $0x1B8B  }
0x1a: {  	_ =	swait.ge [sflag:s24], $0x1  }
0x1b: {  	[sflag:s24] =	ssyncset.done $0x0  }
0x1c: {  	s26 =	simm.s32 $0x1B8E;
	s25 =	sld [smem:$0x3FFE];
	[sflag:s24] =	ssyncadd.s32 $0xFFFFFFFF  }
0x1d: {  	s27 =	simm.s32 $execute0_lowered;
	[smem:$0x3FD2] =	sst s26  }
0x1e: {  	s5 =	sshll.u32 s27, $0x1;
	_ =	strace $0x80000046;
	[dreg:$0x1] =	wrdreg $0xFFFFFFFF  }
0x1f: {  	s28 =	simm.s32 $_size_execute0_lowered;
	s3 =	sadd.s32 s3, s5;
	[dreg:$0x0] =	wrdreg $0x0  }
0x20: {  	s5 =	sshll.u32 s28, $0x1;
	[dreg:$0x2] =	wrdreg s3  }
0x21: {  	[dreg:$0x3] =	wrdreg s5  }
0x22: {  	[dreg:$0x4] =	wrdreg $0xC0  }
0x23: {  	_ =	task [dreg:s7], $0x5FFFF  }
0x24: {  	[dreg:$0x1] =	wrdreg $0xFFFFFFFF  }
0x25: {  	[dreg:$0x0] =	wrdreg $0x60  }
0x26: {  	[dreg:$0x2] =	wrdreg s2  }
0x27: {  	[dreg:$0x3] =	wrdreg s25  }
0x28: {  	[dreg:$0x4] =	wrdreg $0x9  }
0x29: {  	_ =	task.clear_ibuf [dreg:s7], $0x5FFFF;
	_ =	strace $0x90000046  }
0x2a: {  	s29 =	simm.s32 $0x9;
	_ =	strace $0x80000048  }
0x2b: {  	_ =	swait.ge [sflag:s29], $0x1  }
0x2c: {  	[sflag:s29] =	ssyncadd.s32 $0xFFFFFFFF  }
0x2d: {  	_ =	strace $0x90000048  }
0x2e: {  	_ =	sfence  }
0x2f: {  	s30 =	sld [smem:$0x0];
	_ =	sdelay $0x2  }
0x30: {  	s31 =	sshll.u32 s1, $0xD;
	s1 =	sshrl.u32 s1, $0x2  }
0x31: {  	s3 =	sand.u32 $0x4000, s31;
	s1 =	sadd.s32 s1, s30  }
0x32: {  	s0 =	sor.u32 s3, s0;
	s1 =	sshll.u32 s1, $0x11  }
0x33: {  	s0 =	sor.u32 s1, s0  }
0x34: {  	s0 =	sadd.s32 $0x8F2B, s0  }
0x35: {  	[sflag:s0] =	ssyncadd.remote.s32 $0x1  }
0x36: {  	_ =	sfence.sel $0xFFFF  }
0x37: {  	[dreg:$0x0] =	wrdreg $0xFFFFFFFF;
	(pc) =	sbr.abs _section_cstart, $3  }
0x38: {  	[dreg:$0x1] =	wrdreg $0xFFFFFFFF  }
0x39: {  	_ =	task.clear_ibuf [dreg:s7], $0x2FFFF;
	_ =	strace $0x9FFFFFFF  }
0x3a: {  	(tm) =	ssettm $0x7FFFFFFF  }
0x3b: {  	_ =	shalt  }
tec
execute0_lowered:
.L_overlay_start_1:
0x0: {  	(tag) =	ssettag $0x1  }
0x1: {  	s0 =	srdreg.scid;
	s2 =	rddreg [dreg:$0x0]  }
0x2: {  	s5 =	rddreg [dreg:$0x1];
	s1 =	stileid.u32  }
0x3: {  	s4 =	simm.s32 $0x1;
	s6 =	simm.s32 $0x2;
	s15 =	simm.s32 $0x0  }
0x4: {  	p0 =	por $0x0, $0x0;
	s8 =	simm.s32 $0x80;
	s0 =	sshll.u32 s0, $0x4  }
0x5: {  	s14 =	simm.s32 $0x0;
	s9 =	simm.s32 $0x0;
	s3 =	sand.u32 $0x10, s0  }
.Ltmp0:
0x6: {  	s10 =	simm.s32 $0x0;
	s3 =	sor.u32 s1, s3;
	(pc) =	sbr.rel .LBB1_1-.Ltmp0, $4  }
0x7: {  	s0 =	rddreg [dreg:$0x2];
	_ =	strace $0x80000047;
	s3 =	sshll.u32 s3, $0x7  }
0x8: {  	s12 =	simm.s32 $0x0;
	[sflag:s4] =	ssyncpa.u1 $0x0;
	s7 =	ssub.s32 $0xF4200, s3  }
0x9: {  	s13 =	simm.s32 $0x0;
	[sflag:s6] =	ssyncpa.u1 $0x0;
	s6 =	sshrl.u32 s7, $0xC  }
0xa: {  	s5 =	sadd.s32 $0xA00, s5;
	s11 =	smov.u32 s3;
	s7 =	sadd.s32 $0x2, s6  }
.LBB1_5:
0xb: {  	p1 =	slt.u32 s13, $0x2  }
0xc: {  	s17 =	smov.u32 s15;
	p2 =	sgt.s32 @!p1 s15, $0xF41C0;
	s16 =	sshra.s32 @!p1 s15, $0x1F  }
0xd: {  	p3 =	sgt.s32 @!p1 s14, $0x40;
	s18 =	sshra.s32 @!p1 s14, $0x1F;
	p2 =	por !p2, p1  }
0xe: {  	s15 =	sand.u32 @!p1 s16, s15;
	p3 =	por !p3, p1;
	s16 =	smov.u32 s14  }
0xf: {  	s14 =	sand.u32 @!p1 s18, s14;
	s17 =	simm.s32 @p2 $0xF41C0;
	s16 =	simm.s32 @p3 $0x40  }
0x10: {  	s15 =	ssub.s32 @!p1 s17, s15;
	s14 =	ssub.s32 @!p1 s16, s14  }
0x11: {  	s18 =	smov.u32 s12;
	s16 =	sadd.s32 @!p1 $0xFFF0BE40, s15;
	s17 =	sadd.s32 @!p1 $0xFFFFFFC0, s14  }
0x12: {  	s15 =	ssub.s32 @!p1 $0xF4240, s15;
	p2 =	sgt.s32 @!p1 s16, $0x7F;
	p3 =	sgt.s32 @!p1 s17, $0x3F  }
0x13: {  	s14 =	ssub.s32 @!p1 $0x80, s14;
	p2 =	por !p2, p1;
	p3 =	por !p3, p1  }
0x14: {  	s16 =	sadd.s32 $0x1000, s11;
	s15 =	simm.s32 @!p2 $0x0;
	s14 =	simm.s32 @!p3 $0x0  }
0x15: {  	p2 =	sgt.s32 s16, $0xF423F;
	s14 =	smul.u32 @!p1 s14, s15;
	s15 =	sadd.s32 $0x40, s12  }
0x16: {  	s18 =	smov.u32 @p2 s15  }
0x17: {  	s16 =	smov.u32 @p2 s3;
	p2 =	sgt.s32 s18, $0x3F  }
0x18: {  	s18 =	simm.s32 @p2 $0x0;
	p2 =	sne.s32 s13, s7  }
.Ltmp1:
0x19: {  	p0 =	por !p0, !p0;
	s17 =	simm.s32 @!p1 $0x2;
	(pc) =	sbr.rel @!p2 .LBB1_6-.Ltmp1, $4  }
0x1a: {  	s15 =	smov.u32 s9;
	s9 =	smov.u32 s11;
	s14 =	sand.u32 @!p1 $0x3FFFFFFF, s14  }
0x1b: {  	s11 =	smov.u32 s16;
	_ =	swait.ge @!p1 [sflag:s17], s14;
	s19 =	ssub.s32 @!p1 $0x0, s14  }
0x1c: {  	s14 =	smov.u32 s10;
	s13 =	sadd.s32 $0x1, s13;
	[sflag:s17] =	ssyncset.done @!p1 $0x0  }
0x1d: {  	s10 =	smov.u32 s12;
	s12 =	smov.u32 s18;
	[sflag:s17] =	ssyncadd.s32 @!p1 s19  }
.LBB1_1:
0x1e: {  	p1 =	sgt.u32 s13, s6  }
0x1f: {  	s16 =	sshrl.u32 @!p1 s12, $0x3  }
0x20: {  	s17 =	sshll.u32 @!p1 s11, $0x3;
	s16 =	smul.u32 @!p1 $0x7A1400, s16  }
0x21: {  	s18 =	sshll.u32 @!p1 s12, $0x7;
	s17 =	sand.u32 @!p1 $0xFFFFFC00, s17  }
0x22: {  	s16 =	sadd.s32 @!p1 s16, s17;
	s17 =	sand.u32 @!p1 $0x380, s18  }
0x23: {  	s18 =	sand.u32 @!p1 $0x7F, s11;
	s16 =	sor.u32 @!p1 s17, s16  }
0x24: {  	s17 =	sor.u32 @!p1 s18, s16  }
0x25: {  	s18 =	smulhi.u32 @!p1 $0x218D6287, s17;
	_ =	sdelay $0x1  }
0x26: {  	s16 =	smulhi.u32 @!p1 $0x218D6287, s16;
	s18 =	sshrl.u32 @!p1 s18, $0x11  }
0x27: {  	s18 =	smul.u32 @!p1 $0xF4280, s18  }
0x28: {  	s19 =	sxor.u32 @!p1 $0xFFFFFFFF, s13;
	s16 =	sshrl.u32 @!p1 s16, $0x11  }
0x29: {  	s19 =	sshll.u32 @!p1 s19, $0xD;
	s16 =	sand.u32 @!p1 $0x3F, s16;
	s17 =	ssub.s32 @!p1 s17, s18  }
0x2a: {  	s16 =	smul.u32 @!p1 $0x1E850, s16;
	s18 =	sshrl.u32 @!p1 s17, $0x3;
	s17 =	sand.u32 @!p1 $0x7, s17  }
0x2b: {  	s19 =	sand.u32 @!p1 $0x2000, s19;
	s18 =	sadd.s32 @!p1 s2, s18;
	s17 =	sshll.u32 @!p1 s17, $0x12  }
0x2c: {  	s16 =	sadd.s32 @!p1 s16, s18;
	s17 =	sor.u32 @!p1 $0x400, s17;
	s18 =	simm.s32 @!p1 $0x7A1400  }
0x2d: {  	[tilespmem:s19], [sflag:$0x1] =	stream.strided.gather @!p1 [hbm4b:s16+s17], $0x2000, s18, s17, $0x38;
	[tilespmem:$0x8100] =	vst v63  }
0x2e: {  	p1 =	seq.s32 s13, $0x0  }
0x2f: {  	p2 =	sge.u32 @!p1 s13, s7  }
0x30: {  	p1 =	por p1, p2  }
.Ltmp2:
0x31: {  	_ = 	snop;
	(pc) =	sbr.rel @p1 .LBB1_5-.Ltmp2, $1  }
0x32: {  	_ =	sdelay $0x3  }
0x33: {  	s16 =	simm.s32 $0x1  }
0x34: {  	_ =	swait.ge [sflag:s4], $0x2000;
	s16 =	simm.s32 @!p0 $0x0  }
0x35: {  	[sflag:s4] =	ssyncset.done $0x0;
	s17 =	sshll.u32 s16, $0xD  }
0x36: {  	[sflag:s4] =	ssyncadd.s32 $0xFFFFE000;
	s17 =	sor.u32 $0x40, s17  }
0x37: {  	s16 =	smul.u32 $0x8200, s16;
	v0 =	vld [tilespmem:s17+$0x30]  }
0x38: {  	v1 =	vld [tilespmem:s17+$0xFFFFFFD0]  }
0x39: {  	s16 =	sshrl.u32 s16, $0x2;
	v5 =	vld [tilespmem:s17+$0xFFFFFFE0]  }
0x3a: {  	v6 =	vld [tilespmem:s17+$0xFFFFFFF0];
	s19 =	sor.u32 $0x4000, s16  }
0x3b: {  	s31 =	sand.u32 $0x1, s13;
	v4 =	vld [tilespmem:s17+$0x0];
	s18 =	sadd.s32 $0x0, s19  }
0x3c: {  	v3 =	vld [tilespmem:s17+$0x10];
	s16 =	smul.u32 $0x8200, s31;
	[tilespmem:s18+$0x1C70 ss:$0x41] =	vst.msk $0xffff, v0  }
0x3d: {  	v2 =	vld [tilespmem:s17+$0x20];
	[tilespmem:s18+$0x410 ss:$0x41] =	vst.msk $0xffff, v1  }
0x3e: {  	s16 =	sshrl.u32 s16, $0x2;
	v1 =	vld [tilespmem:s17+$0xFFFFFFC0];
	[tilespmem:s18+$0x820 ss:$0x41] =	vst.msk $0xffff, v5;
	s17 =	sadd.s32 $0x80, s17  }
0x3f: {  	s20 =	simm.s32 $0x4;
	s21 =	simm.s32 $0x8;
	s16 =	sor.u32 $0x4000, s16;
	[tilespmem:s18+$0xC30 ss:$0x41] =	vst.msk $0xffff, v6;
	v0 =	vld [tilespmem:s17+$0x30]  }
.LBB1_3:
0x40: {  	p1 =	sne.s32 s21, $0xFC;
	v5 =	vld [tilespmem:s17+$0xFFFFFFD0];
	[tilespmem:s18+$0x1040 ss:$0x41] =	vst.msk $0xffff, v4  }
0x41: {  	v6 =	vld [tilespmem:s17+$0xFFFFFFE0];
	[tilespmem:s18+$0x1450 ss:$0x41] =	vst.msk $0xffff, v3  }
0x42: {  	s22 =	sshra.s32 s20, $0x2;
	s20 =	smov.u32 s21;
	v7 =	vld [tilespmem:s17+$0xFFFFFFF0];
	[tilespmem:s18+$0x1860 ss:$0x41] =	vst.msk $0xffff, v2  }
.Ltmp3:
0x43: {  	v4 =	vld [tilespmem:s17+$0x0];
	[tilespmem:s18+$0x0 ss:$0x41] =	vst.msk $0xffff, v1;
	s18 =	sadd.s32 s22, s19;
	(pc) =	sbr.rel @p1 .LBB1_3-.Ltmp3, $4  }
0x44: {  	v3 =	vld [tilespmem:s17+$0x10];
	[tilespmem:s18+$0x1C70 ss:$0x41] =	vst.msk $0xffff, v0  }
0x45: {  	[tilespmem:s18+$0x410 ss:$0x41] =	vst.msk $0xffff, v5;
	v2 =	vld [tilespmem:s17+$0x20]  }
0x46: {  	v1 =	vld [tilespmem:s17+$0xFFFFFFC0];
	[tilespmem:s18+$0x820 ss:$0x41] =	vst.msk $0xffff, v6;
	s17 =	sadd.s32 $0x80, s17  }
0x47: {  	s21 =	sadd.s32 $0x4, s21;
	v0 =	vld [tilespmem:s17+$0x30];
	[tilespmem:s18+$0xC30 ss:$0x41] =	vst.msk $0xffff, v7  }
0x48: {  	s21 =	sshll.u32 s9, $0x7;
	s22 =	sshll.u32 s10, $0x3;
	s20 =	sshra.s32 s20, $0x2  }
0x49: {  	p1 =	sgt.s32 s9, $0xF41C0;
	s30 =	sshra.s32 s9, $0x1F;
	s25 =	sshra.s32 s10, $0x1F  }
0x4a: {  	v5 =	vld [tilespmem:s17+$0xFFFFFFD0];
	s28 =	sshrl.u32 s10, $0x3;
	s23 =	sand.u32 $0xFFFFFC00, s21;
	s22 =	sand.u32 $0xFFFFFC00, s22  }
0x4b: {  	[tilespmem:s18+$0x1040 ss:$0x41] =	vst.msk $0xffff, v4;
	v58 =	vld [tilespmem:s17+$0xFFFFFFE0];
	s21 =	sand.u32 $0x380, s21;
	s19 =	sadd.s32 s20, s19;
	s22 =	sadd.s32 s22, s23  }
0x4c: {  	v59 =	vld [tilespmem:s17+$0xFFFFFFF0];
	[tilespmem:s18+$0x1450 ss:$0x41] =	vst.msk $0xffff, v3;
	s29 =	sor.u32 s21, s22;
	s21 =	smov.u32 s9;
	s22 =	sand.u32 s30, s9  }
0x4d: {  	v60 =	vld [tilespmem:s17+$0x0];
	[tilespmem:s18+$0x1860 ss:$0x41] =	vst.msk $0xffff, v2;
	s30 =	sand.u32 $0x7, s10;
	s20 =	sshrl.u32 s29, $0x7;
	s21 =	simm.s32 @!p1 $0xF41C0  }
0x4e: {  	v61 =	vld [tilespmem:s17+$0x10];
	[tilespmem:s18+$0x0 ss:$0x41] =	vst.msk $0xffff, v1;
	p1 =	sgt.s32 s10, $0x40;
	s24 =	ssub.s32 s21, s22;
	s21 =	smov.u32 s10  }
0x4f: {  	v62 =	vld [tilespmem:s17+$0x20];
	[tilespmem:s19+$0x1C70 ss:$0x41] =	vst.msk $0xffff, v0;
	s31 =	smulhi.u32 $0x218DEF5, s20;
	s22 =	sand.u32 s25, s10;
	s21 =	simm.s32 @!p1 $0x40  }
0x50: {  	v63 =	vld [tilespmem:s17+$0xFFFFFFC0];
	[tilespmem:s19+$0x410 ss:$0x41] =	vst.msk $0xffff, v5;
	s26 =	sadd.s32 $0xFFF0BE40, s24;
	s17 =	ssub.s32 $0xF4240, s24;
	s21 =	ssub.s32 s21, s22  }
0x51: {  	[tilespmem:s19+$0x820 ss:$0x41] =	vst.msk $0xffff, v58;
	s23 =	sshrl.u32 s31, $0xD;
	p1 =	sgt.s32 s26, $0x7F;
	s27 =	sadd.s32 $0xFFFFFFC0, s21  }
0x52: {  	[tilespmem:s19+$0xC30 ss:$0x41] =	vst.msk $0xffff, v59;
	s23 =	smul.u32 $0xF4240, s23;
	s18 =	ssub.s32 $0x80, s21;
	p2 =	sgt.s32 s27, $0x3F  }
.Ltmp4:
0x53: {  	[tilespmem:s19+$0x1040 ss:$0x41] =	vst.msk $0xffff, v60;
	s17 =	simm.s32 @p1 $0x0;
	s18 =	simm.s32 @p2 $0x0;
	(pc) =	sbr.rel .LBB1_5-.Ltmp4, $4  }
0x54: {  	s29 =	sand.u32 $0xF, s28;
	[tilespmem:s19+$0x1450 ss:$0x41] =	vst.msk $0xffff, v61;
	s20 =	ssub.s32 s20, s23;
	s17 =	smul.u32 s18, s17  }
0x55: {  	[tilespmem:s19+$0x1860 ss:$0x41] =	vst.msk $0xffff, v62;
	s21 =	sshll.u32 s30, $0x12;
	s20 =	sshll.u32 s20, $0x4;
	s18 =	sadd.s32 s5, s29  }
0x56: {  	[tilespmem:s19+$0x0 ss:$0x41] =	vst.msk $0xffff, v63;
	s31 =	sor.u32 $0x40, s21;
	s18 =	sadd.s32 s20, s18;
	s17 =	sand.u32 $0x3FFFFFFF, s17  }
0x57: {  	[hbm4b:s18+s31] =	stream.strided.scatter [tilespmem:s16], [sflag:$0x2], s17, s8, s31, $0x18;
	[tilespmem:$0x8100] =	vst v63  }
.LBB1_6:
0x58: {  	_ =	sfence.sel $0x180000  }
0x59: {  	s2 =	simm.s32 $0x1;
	[bflag:$0x0] =	sbarrier.arrive $0xFFFF  }
0x5a: {  	s31 =	simm.s32 $0x2;
	[sflag:s2] =	ssyncpa.u1 $0x1  }
0x5b: {  	[sflag:s31] =	ssyncpa.u1 $0x1  }
0x5c: {  	p0 =	sne.s32 s1, $0x0;
	_ =	strace $0x90000047  }
0x5d: {  	s0 =	sadd.s32 @!p0 $0x100000, s0;
	[bflag:$0x2] =	sbarrier.arrive $0xFFFF  }
0x5e: {  	[sflag:s0] =	ssyncadd.tile.s32 @!p0 $0x1;
	_ =	shalt  }
.Lfunc_end1:
_tile_overlayer_lowered:
.L_overlay_start_2:
0x5f: {  	(tag) =	ssettag $0x2  }
0x60: {  	s0 =	rddreg [dreg:$0x0];
	s2 =	stileid.u32  }
0x61: {  	s1 =	rddreg [dreg:$0x1];
	p0 =	sne.s32 s2, $0x0  }
0x62: {  	s3 =	rddreg [dreg:$0x2];
	[bflag:$0x3] =	sbarrier.arrive $0xFFFF;
	s2 =	simm.s32 @!p0 $0x1C01  }
0x63: {  	[timem:s3], [sflag:s2] =	dma.local @!p0 [hbm:s0], s1  }
0x64: {  	s0 =	simm.s32 @!p0 $0x1  }
0x65: {  	_ =	swait.ge @!p0 [sflag:s0], s1  }
0x66: {  	s1 =	ssub.s32 @!p0 $0x0, s1;
	[sflag:s0] =	ssyncset.done @!p0 $0x0  }
0x67: {  	[sflag:s0] =	ssyncadd.s32 @!p0 s1  }
0x68: {  	[bflag:$0x3] =	sbarrier.arrive $0xFFFF  }
0x69: {  	_ =	shalt  }

</sc_bundles>
